<compile_context>
chip_gen: v7x
topology: tpu7x:2x2x1
jax: 0.10.2.dev20260603
libtpu: 0.0.44.dev20260713+nightly
codegen_flags: <defaults>
</compile_context>

<pallas_src>
import functools

import jax
import jax.numpy as jnp
from jax import lax
from jax.experimental import pallas as pl
from jax.experimental.pallas import tpu as pltpu
from jax.experimental.pallas import tpu_sc as plsc

NW = 32
DEPTH = 2
LANE = 16


SW = 2176
RPI = SW // 8


@functools.lru_cache(maxsize=None)
def _make_compact(n_tab, dim, vocab):
    vpad = (vocab + 127) // 128 * 128
    vtiles = vpad // SW
    frows = vpad // 8
    items_total = n_tab * vtiles
    per_w = -(-items_total // NW)
    per_w += (-per_w) % DEPTH
    out_rows = n_tab * frows + RPI
    mesh = plsc.VectorSubcoreMesh(core_axis_name="c", subcore_axis_name="s")

    @functools.partial(
        pl.kernel,
        out_type=jax.ShapeDtypeStruct((out_rows, 128), jnp.float32),
        mesh=mesh,
        compiler_params=pltpu.CompilerParams(
            needs_layout_passes=False,
            disable_bounds_checks=True,
        ),
        scratch_types=[
            pltpu.VMEM((DEPTH, dim, SW + 1), jnp.float32),
            pltpu.VMEM((RPI, 128), jnp.float32),
        ] + [pltpu.SemaphoreType.DMA] * (DEPTH + 1),
    )
    def compact(tin, out_hbm, tbuf, obuf, *sems):
        rsems, wsem = sems[:DEPTH], sems[DEPTH]
        wid = lax.axis_index("s") * 2 + lax.axis_index("c")
        start = wid * per_w
        dlanes = lax.iota(jnp.int32, LANE)

        def fv(t):
            item = jnp.minimum(start + t, items_total - 1)
            return item // vtiles, item % vtiles

        def slab_copy(t, slot):
            f, vt = fv(t)
            return pltpu.make_async_copy(
                tin.at[f, pl.ds(0, dim),
                       pl.ds(pl.multiple_of(vt * SW, SW), SW)],
                tbuf.at[slot, pl.ds(0, dim), pl.ds(0, SW)], rsems[slot])

        def block_copy(t):
            f, vt = fv(t)
            real = (start + t) < items_total
            r0 = jnp.where(real, f * frows + vt * RPI, n_tab * frows)
            return pltpu.make_async_copy(
                obuf,
                out_hbm.at[pl.ds(pl.multiple_of(r0, 8), RPI)],
                wsem)

        for s in range(DEPTH):
            slab_copy(s, s).start()

        def body(touter, _):
            for sl in range(DEPTH):
                t = touter * DEPTH + sl
                slab_copy(t, sl).wait()

                @pl.when(t >= 1)
                def _w():
                    block_copy(t - 1).wait()

                slot_v = jnp.full((LANE,), sl, jnp.int32)

                @plsc.parallel_loop(0, RPI, unroll=2)
                def tbody(batch):
                    c0 = jnp.full((LANE,), batch * 8, jnp.int32)
                    vals = [plsc.load_gather(tbuf, [slot_v, dlanes, c0 + e])
                            for e in range(8)]
                    for e in range(8):
                        obuf[batch, pl.ds(e * LANE, LANE)] = vals[e]
                block_copy(t).start()

                @pl.when(t + DEPTH < per_w)
                def _f():
                    slab_copy(t + DEPTH, sl).start()
            return 0

        lax.fori_loop(0, per_w // DEPTH, body, 0)
        block_copy(per_w - 1).wait()

    return compact


@functools.lru_cache(maxsize=None)
def _make_gather(n_idx, n_rows_tab, dim, chunk_rows):
    per_w = n_idx // NW
    ci = chunk_rows
    n_chunks = per_w // ci
    n_sub = ci // 128
    mesh = plsc.VectorSubcoreMesh(core_axis_name="c", subcore_axis_name="s")

    @functools.partial(
        pl.kernel,
        out_type=jax.ShapeDtypeStruct((n_idx, dim), jnp.float32),
        mesh=mesh,
        compiler_params=pltpu.CompilerParams(
            use_tc_tiling_on_sc=False,
            disable_bounds_checks=True,
        ),
        scratch_types=[
            pltpu.VMEM((ci,), jnp.int32),
            pltpu.VMEM((ci, dim), jnp.float32),
            pltpu.SemaphoreType.DMA,
        ],
    )
    def gather(table_hbm, idx_hbm, out_hbm, idx_v, rows_v, sem):
        wid = lax.axis_index("s") * 2 + lax.axis_index("c")
        base = wid * per_w

        def chunk_body(c, _):
            off = base + c * ci
            pltpu.sync_copy(idx_hbm.at[pl.ds(off, ci)], idx_v)
            copies = []
            for j in range(n_sub):
                copies.append(pltpu.async_copy(
                    table_hbm.at[idx_v.at[pl.ds(j * 128, 128)]],
                    rows_v.at[pl.ds(j * 128, 128)],
                    sem,
                ))
            for cp in copies:
                cp.wait()
            pltpu.sync_copy(rows_v, out_hbm.at[pl.ds(off, ci)])
            return 0

        lax.fori_loop(0, n_chunks, chunk_body, 0)

    return gather


@functools.lru_cache(maxsize=None)
def _make_mlp(n_rows, d_emb, d_other, h1, h2, block_rows):

    def body(e_ref, xo_ref, w1a_ref, w1b_ref, b1_ref, w2_ref, b2_ref,
             w3_ref, b3_ref, o_ref):
        x = jnp.dot(e_ref[...], w1a_ref[...], preferred_element_type=jnp.float32)
        x += jnp.dot(xo_ref[...], w1b_ref[...], preferred_element_type=jnp.float32)
        x = jnp.maximum(x + b1_ref[...], 0.0)
        x = jnp.dot(x, w2_ref[...], preferred_element_type=jnp.float32)
        x = jnp.maximum(x + b2_ref[...], 0.0)
        o_ref[...] = (jnp.dot(x, w3_ref[...], preferred_element_type=jnp.float32)
                      + b3_ref[...])

    rep = lambda i: (0, 0)
    return pl.pallas_call(
        body,
        grid=(n_rows // block_rows,),
        in_specs=[
            pl.BlockSpec((block_rows, d_emb), lambda i: (i, 0)),
            pl.BlockSpec((block_rows, d_other), lambda i: (i, 0)),
            pl.BlockSpec((d_emb, h1), rep),
            pl.BlockSpec((d_other, h1), rep),
            pl.BlockSpec((1, h1), rep),
            pl.BlockSpec((h1, h2), rep),
            pl.BlockSpec((1, h2), rep),
            pl.BlockSpec((h2, 1), rep),
            pl.BlockSpec((1, 1), rep),
        ],
        out_specs=pl.BlockSpec((block_rows, 1), lambda i: (i, 0)),
        out_shape=jax.ShapeDtypeStruct((n_rows, 1), jnp.float32),
    )


def kernel(x_embed, x_other, tables, W1, b1, W2, b2, W3, b3):
    n_rows, n_fields = x_embed.shape
    n_tab, vocab, dim = tables.shape
    d_emb = n_fields * dim
    d_other = x_other.shape[1]
    h1, h2 = W2.shape
    frows = ((vocab + 127) // 128 * 128 + 7) // 8
    stride = frows * 8

    tin = tables.transpose(0, 2, 1)
    packed = _make_compact(n_tab, dim, vocab)(tin)
    table_rows = packed.reshape(packed.shape[0] * 8, dim)

    idx_flat = (x_embed
                + jnp.arange(n_fields, dtype=jnp.int32) * stride).reshape(-1)
    staged = _make_gather(n_rows * n_fields, table_rows.shape[0], dim, 3328)(
        table_rows, idx_flat)
    embs = staged.reshape(n_rows, d_emb)

    mlp = _make_mlp(n_rows, d_emb, d_other, h1, h2, 1024)
    return mlp(embs, x_other,
               W1[:d_emb], W1[d_emb:], b1.reshape(1, h1),
               W2, b2.reshape(1, h2),
               W3, b3.reshape(1, 1))

# --- scband reference (transcript-rebuilt; emitter-appended) ---
"""Pipeline reference for scband-car-model-47777216201338 (READ-ONLY COPY).

The authoritative reference and input builder live on the scoring server;
editing this copy changes nothing except your own understanding.
"""

import jax, jax.numpy as jnp
import numpy as np

B = 16384
N_FIELDS = 26
VOCAB = 100000
DIM = 16
N_OTHER = 13
D_IN = N_FIELDS * DIM + N_OTHER  # 429


def setup_inputs(seed: int = 0) -> dict:
    key = jax.random.key(seed)
    ks = jax.random.split(key, 10)
    x_embed = jax.random.randint(ks[0], (B, N_FIELDS), 0, VOCAB, dtype=jnp.int32)
    x_other = jax.random.normal(ks[1], (B, N_OTHER), dtype=jnp.float32)
    tables = jax.random.normal(ks[2], (N_FIELDS, VOCAB, DIM), dtype=jnp.float32) * 0.01
    W1 = jax.random.normal(ks[3], (D_IN, 256), dtype=jnp.float32) * (1.0 / np.sqrt(D_IN))
    b1 = jnp.zeros((256,), dtype=jnp.float32)
    W2 = jax.random.normal(ks[4], (256, 128), dtype=jnp.float32) * (1.0 / np.sqrt(256))
    b2 = jnp.zeros((128,), dtype=jnp.float32)
    W3 = jax.random.normal(ks[5], (128, 1), dtype=jnp.float32) * (1.0 / np.sqrt(128))
    b3 = jnp.zeros((1,), dtype=jnp.float32)
    return {"x_embed": x_embed, "x_other": x_other, "tables": tables,
            "W1": W1, "b1": b1, "W2": W2, "b2": b2, "W3": W3, "b3": b3}


def reference(x_embed, x_other, tables, W1, b1, W2, b2, W3, b3):
    # per-field embedding lookup: tables[i][x_embed[:, i]] -> [B, N_FIELDS, DIM]
    embs = jax.vmap(lambda t, idx: jnp.take(t, idx, axis=0), in_axes=(0, 1), out_axes=1)(tables, x_embed)
    x = jnp.concatenate([embs.reshape(x_embed.shape[0], -1), x_other], axis=1)
    x = jax.nn.relu(x @ W1 + b1)
    x = jax.nn.relu(x @ W2 + b2)
    return x @ W3 + b3

if __name__ == "__main__":
    import jax
    _d = setup_inputs()
    print(jax.jit(kernel)(*tuple(_d.values())))

</pallas_src>

<mosaic_0001>
#map = affine_map<(d0, d1) -> (0, 0, 0)>
#map1 = affine_map<(d0, d1) -> (0, 0)>
module attributes {stable_mosaic.version = 14 : i64} {
  func.func @compact(%arg0: i32, %arg1: i32, %arg2: memref<26x16x100000xf32, #tpu.memory_space<hbm>>, %arg3: memref<325584x128xf32, #tpu.memory_space<hbm>>, %arg4: memref<2x16x2177xf32, #tpu.memory_space<vmem>>, %arg5: memref<272x128xf32, #tpu.memory_space<vmem>>, %arg6: memref<!tpu.dma_semaphore, #tpu.memory_space<semaphore_mem>>, %arg7: memref<!tpu.dma_semaphore, #tpu.memory_space<semaphore_mem>>, %arg8: memref<!tpu.dma_semaphore, #tpu.memory_space<semaphore_mem>>) attributes {dimension_semantics = [#tpu.dimension_semantics<core_parallel>, #tpu.dimension_semantics<subcore_parallel>], iteration_bounds = array<i64: 2, 16>, scalar_prefetch = 0 : i64, scratch_operands = 5 : i64, tpu.core_type = #tpu.core_type<sc_vector_subcore>, window_params = [{transform_indices = #map}, {transform_indices = #map1}]} {
    %mul3A = arith.constant 2 : i32
    %mul3A_0 = arith.muli %arg1, %mul3A : i32
    %add3A = arith.addi %mul3A_0, %arg0 : i32
    %mul3A_1 = arith.constant 38 : i32
    %mul3A_2 = arith.muli %add3A, %mul3A_1 : i32
    %iota3A = tpu.iota {dimensions = array<i32: 0>} : vector<16xi32>
    %add3A_3 = arith.constant 0 : i32
    %add3A_4 = arith.addi %mul3A_2, %add3A_3 : i32
    %min3A = arith.constant 1195 : i32
    %min3A_5 = arith.minsi %add3A_4, %min3A : i32
    %jit3A = arith.constant 46 : i32
    %div3A = arith.divsi %min3A_5, %jit3A : i32
    %sign3A = arith.constant 0 : i32
    %sign3A_6 = arith.cmpi sgt, %min3A_5, %sign3A : i32
    %sign3A_7 = arith.extui %sign3A_6 : i1 to i32
    %sign3A_8 = arith.constant 0 : i32
    %sign3A_9 = arith.cmpi slt, %min3A_5, %sign3A_8 : i32
    %sign3A_10 = arith.extui %sign3A_9 : i1 to i32
    %sign3A_11 = arith.subi %sign3A_7, %sign3A_10 : i32
    %sign3A_12 = arith.constant 0 : i32
    %sign3A_13 = arith.cmpi sgt, %jit3A, %sign3A_12 : i32
    %sign3A_14 = arith.extui %sign3A_13 : i1 to i32
    %sign3A_15 = arith.constant 0 : i32
    %sign3A_16 = arith.cmpi slt, %jit3A, %sign3A_15 : i32
    %sign3A_17 = arith.extui %sign3A_16 : i1 to i32
    %sign3A_18 = arith.subi %sign3A_14, %sign3A_17 : i32
    %ne3A = arith.cmpi ne, %sign3A_11, %sign3A_18 : i32
    %rem3A = arith.remsi %min3A_5, %jit3A : i32
    %ne3A_19 = arith.constant 0 : i32
    %ne3A_20 = arith.cmpi ne, %rem3A, %ne3A_19 : i32
    %and3A = arith.andi %ne3A, %ne3A_20 : i1
    %sub3A = arith.constant 1 : i32
    %sub3A_21 = arith.subi %div3A, %sub3A : i32
    %select_n3A = arith.select %and3A, %sub3A_21, %div3A : i32
    %jit3A_22 = arith.constant 46 : i32
    %eq3A = arith.constant 0 : i32
    %eq3A_23 = arith.cmpi eq, %jit3A_22, %eq3A : i32
    %jit3A_24 = arith.constant 1 : i32
    %select_n3A_25 = arith.select %eq3A_23, %jit3A_24, %jit3A_22 : i32
    %rem3A_26 = arith.remsi %min3A_5, %select_n3A_25 : i32
    %ne3A_27 = arith.constant 0 : i32
    %ne3A_28 = arith.cmpi ne, %rem3A_26, %ne3A_27 : i32
    %lt3A = arith.constant 0 : i32
    %lt3A_29 = arith.cmpi slt, %rem3A_26, %lt3A : i32
    %lt3A_30 = arith.constant 0 : i32
    %lt3A_31 = arith.cmpi slt, %select_n3A_25, %lt3A_30 : i32
    %ne3A_32 = arith.xori %lt3A_29, %lt3A_31 : i1
    %and3A_33 = arith.andi %ne3A_32, %ne3A_28 : i1
    %add3A_34 = arith.addi %rem3A_26, %select_n3A_25 : i32
    %select_n3A_35 = arith.select %and3A_33, %add3A_34, %rem3A_26 : i32
    %mul3A_36 = arith.constant 2176 : i32
    %mul3A_37 = arith.muli %select_n3A_35, %mul3A_36 : i32
    %multiple_of3A = tpu.assume_multiple %mul3A_37, 2176 : i32
    %dma_start3A = arith.constant 0 : i32
    %dma_start3A_38 = arith.constant 0 : i32
    %dma_start3A_39 = arith.constant 0 : i32
    %dma_start3A_40 = tpu.memref_slice %arg4[%dma_start3A, %dma_start3A_38, %dma_start3A_39] : memref<2x16x2177xf32, #tpu.memory_space<vmem>> -> memref<1x16x2176xf32, #tpu.memory_space<vmem>>
    %dma_start3A_41 = tpu.memref_squeeze %dma_start3A_40 : memref<1x16x2176xf32, #tpu.memory_space<vmem>> -> memref<16x2176xf32, #tpu.memory_space<vmem>>
    %dma_start3A_42 = arith.constant 0 : i32
    %dma_start3A_43 = tpu.memref_slice %arg2[%select_n3A, %dma_start3A_42, %multiple_of3A] : memref<26x16x100000xf32, #tpu.memory_space<hbm>> -> memref<1x16x2176xf32, #tpu.memory_space<hbm>>
    %dma_start3A_44 = tpu.memref_squeeze %dma_start3A_43 : memref<1x16x2176xf32, #tpu.memory_space<hbm>> -> memref<16x2176xf32, #tpu.memory_space<hbm>>
    %dma_start3A_45 = arith.constant 0 : i32
    %dma_start3A_46 = arith.constant 0 : i32
    %dma_start3A_47 = tpu.memref_slice %arg4[%dma_start3A, %dma_start3A_45, %dma_start3A_46] : memref<2x16x2177xf32, #tpu.memory_space<vmem>> -> memref<1x16x2176xf32, #tpu.memory_space<vmem>>
    %dma_start3A_48 = tpu.memref_squeeze %dma_start3A_47 : memref<1x16x2176xf32, #tpu.memory_space<vmem>> -> memref<16x2176xf32, #tpu.memory_space<vmem>>
    %dma_start3A_49 = arith.constant 0 : i32
    %dma_start3A_50 = tpu.memref_slice %arg2[%select_n3A, %dma_start3A_49, %multiple_of3A] : memref<26x16x100000xf32, #tpu.memory_space<hbm>> -> memref<1x16x2176xf32, #tpu.memory_space<hbm>>
    %dma_start3A_51 = tpu.memref_squeeze %dma_start3A_50 : memref<1x16x2176xf32, #tpu.memory_space<hbm>> -> memref<16x2176xf32, #tpu.memory_space<hbm>>
    tpu.enqueue_dma source(%dma_start3A_51 : memref<16x2176xf32, #tpu.memory_space<hbm>>) target(%dma_start3A_48 : memref<16x2176xf32, #tpu.memory_space<vmem>>) target_semaphore(%arg6 : memref<!tpu.dma_semaphore, #tpu.memory_space<semaphore_mem>>)
    %add3A_52 = arith.constant 1 : i32
    %add3A_53 = arith.addi %mul3A_2, %add3A_52 : i32
    %min3A_54 = arith.constant 1195 : i32
    %min3A_55 = arith.minsi %add3A_53, %min3A_54 : i32
    %jit3A_56 = arith.constant 46 : i32
    %div3A_57 = arith.divsi %min3A_55, %jit3A_56 : i32
    %sign3A_58 = arith.constant 0 : i32
    %sign3A_59 = arith.cmpi sgt, %min3A_55, %sign3A_58 : i32
    %sign3A_60 = arith.extui %sign3A_59 : i1 to i32
    %sign3A_61 = arith.constant 0 : i32
    %sign3A_62 = arith.cmpi slt, %min3A_55, %sign3A_61 : i32
    %sign3A_63 = arith.extui %sign3A_62 : i1 to i32
    %sign3A_64 = arith.subi %sign3A_60, %sign3A_63 : i32
    %sign3A_65 = arith.constant 0 : i32
    %sign3A_66 = arith.cmpi sgt, %jit3A_56, %sign3A_65 : i32
    %sign3A_67 = arith.extui %sign3A_66 : i1 to i32
    %sign3A_68 = arith.constant 0 : i32
    %sign3A_69 = arith.cmpi slt, %jit3A_56, %sign3A_68 : i32
    %sign3A_70 = arith.extui %sign3A_69 : i1 to i32
    %sign3A_71 = arith.subi %sign3A_67, %sign3A_70 : i32
    %ne3A_72 = arith.cmpi ne, %sign3A_64, %sign3A_71 : i32
    %rem3A_73 = arith.remsi %min3A_55, %jit3A_56 : i32
    %ne3A_74 = arith.constant 0 : i32
    %ne3A_75 = arith.cmpi ne, %rem3A_73, %ne3A_74 : i32
    %and3A_76 = arith.andi %ne3A_72, %ne3A_75 : i1
    %sub3A_77 = arith.constant 1 : i32
    %sub3A_78 = arith.subi %div3A_57, %sub3A_77 : i32
    %select_n3A_79 = arith.select %and3A_76, %sub3A_78, %div3A_57 : i32
    %jit3A_80 = arith.constant 46 : i32
    %eq3A_81 = arith.constant 0 : i32
    %eq3A_82 = arith.cmpi eq, %jit3A_80, %eq3A_81 : i32
    %jit3A_83 = arith.constant 1 : i32
    %select_n3A_84 = arith.select %eq3A_82, %jit3A_83, %jit3A_80 : i32
    %rem3A_85 = arith.remsi %min3A_55, %select_n3A_84 : i32
    %ne3A_86 = arith.constant 0 : i32
    %ne3A_87 = arith.cmpi ne, %rem3A_85, %ne3A_86 : i32
    %lt3A_88 = arith.constant 0 : i32
    %lt3A_89 = arith.cmpi slt, %rem3A_85, %lt3A_88 : i32
    %lt3A_90 = arith.constant 0 : i32
    %lt3A_91 = arith.cmpi slt, %select_n3A_84, %lt3A_90 : i32
    %ne3A_92 = arith.xori %lt3A_89, %lt3A_91 : i1
    %and3A_93 = arith.andi %ne3A_92, %ne3A_87 : i1
    %add3A_94 = arith.addi %rem3A_85, %select_n3A_84 : i32
    %select_n3A_95 = arith.select %and3A_93, %add3A_94, %rem3A_85 : i32
    %mul3A_96 = arith.constant 2176 : i32
    %mul3A_97 = arith.muli %select_n3A_95, %mul3A_96 : i32
    %multiple_of3A_98 = tpu.assume_multiple %mul3A_97, 2176 : i32
    %dma_start3A_99 = arith.constant 1 : i32
    %dma_start3A_100 = arith.constant 0 : i32
    %dma_start3A_101 = arith.constant 0 : i32
    %dma_start3A_102 = tpu.memref_slice %arg4[%dma_start3A_99, %dma_start3A_100, %dma_start3A_101] : memref<2x16x2177xf32, #tpu.memory_space<vmem>> -> memref<1x16x2176xf32, #tpu.memory_space<vmem>>
    %dma_start3A_103 = tpu.memref_squeeze %dma_start3A_102 : memref<1x16x2176xf32, #tpu.memory_space<vmem>> -> memref<16x2176xf32, #tpu.memory_space<vmem>>
    %dma_start3A_104 = arith.constant 0 : i32
    %dma_start3A_105 = tpu.memref_slice %arg2[%select_n3A_79, %dma_start3A_104, %multiple_of3A_98] : memref<26x16x100000xf32, #tpu.memory_space<hbm>> -> memref<1x16x2176xf32, #tpu.memory_space<hbm>>
    %dma_start3A_106 = tpu.memref_squeeze %dma_start3A_105 : memref<1x16x2176xf32, #tpu.memory_space<hbm>> -> memref<16x2176xf32, #tpu.memory_space<hbm>>
    %dma_start3A_107 = arith.constant 0 : i32
    %dma_start3A_108 = arith.constant 0 : i32
    %dma_start3A_109 = tpu.memref_slice %arg4[%dma_start3A_99, %dma_start3A_107, %dma_start3A_108] : memref<2x16x2177xf32, #tpu.memory_space<vmem>> -> memref<1x16x2176xf32, #tpu.memory_space<vmem>>
    %dma_start3A_110 = tpu.memref_squeeze %dma_start3A_109 : memref<1x16x2176xf32, #tpu.memory_space<vmem>> -> memref<16x2176xf32, #tpu.memory_space<vmem>>
    %dma_start3A_111 = arith.constant 0 : i32
    %dma_start3A_112 = tpu.memref_slice %arg2[%select_n3A_79, %dma_start3A_111, %multiple_of3A_98] : memref<26x16x100000xf32, #tpu.memory_space<hbm>> -> memref<1x16x2176xf32, #tpu.memory_space<hbm>>
    %dma_start3A_113 = tpu.memref_squeeze %dma_start3A_112 : memref<1x16x2176xf32, #tpu.memory_space<hbm>> -> memref<16x2176xf32, #tpu.memory_space<hbm>>
    tpu.enqueue_dma source(%dma_start3A_113 : memref<16x2176xf32, #tpu.memory_space<hbm>>) target(%dma_start3A_110 : memref<16x2176xf32, #tpu.memory_space<vmem>>) target_semaphore(%arg7 : memref<!tpu.dma_semaphore, #tpu.memory_space<semaphore_mem>>)
    %scan3A = arith.constant 0 : i32
    %scan3A_114 = arith.constant 0 : i32
    %scan3A_115 = arith.constant 19 : i32
    %scan3A_116 = arith.addi %scan3A_114, %scan3A_115 : i32
    %scan3A_117 = arith.constant 1 : i32
    %scan3A_118 = scf.for %scan3A_179 = %scan3A_114 to %scan3A_116 step %scan3A_117 iter_args(%scan3A_180 = %scan3A) -> (i32)  : i32 {
      %mul3A_181 = arith.constant 2 : i32
      %mul3A_182 = arith.muli %scan3A_179, %mul3A_181 : i32
      %add3A_183 = arith.constant 0 : i32
      %add3A_184 = arith.addi %mul3A_182, %add3A_183 : i32
      %add3A_185 = arith.addi %mul3A_2, %add3A_184 : i32
      %min3A_186 = arith.constant 1195 : i32
      %min3A_187 = arith.minsi %add3A_185, %min3A_186 : i32
      %jit3A_188 = arith.constant 46 : i32
      %div3A_189 = arith.divsi %min3A_187, %jit3A_188 : i32
      %sign3A_190 = arith.constant 0 : i32
      %sign3A_191 = arith.cmpi sgt, %min3A_187, %sign3A_190 : i32
      %sign3A_192 = arith.extui %sign3A_191 : i1 to i32
      %sign3A_193 = arith.constant 0 : i32
      %sign3A_194 = arith.cmpi slt, %min3A_187, %sign3A_193 : i32
      %sign3A_195 = arith.extui %sign3A_194 : i1 to i32
      %sign3A_196 = arith.subi %sign3A_192, %sign3A_195 : i32
      %sign3A_197 = arith.constant 0 : i32
      %sign3A_198 = arith.cmpi sgt, %jit3A_188, %sign3A_197 : i32
      %sign3A_199 = arith.extui %sign3A_198 : i1 to i32
      %sign3A_200 = arith.constant 0 : i32
      %sign3A_201 = arith.cmpi slt, %jit3A_188, %sign3A_200 : i32
      %sign3A_202 = arith.extui %sign3A_201 : i1 to i32
      %sign3A_203 = arith.subi %sign3A_199, %sign3A_202 : i32
      %ne3A_204 = arith.cmpi ne, %sign3A_196, %sign3A_203 : i32
      %rem3A_205 = arith.remsi %min3A_187, %jit3A_188 : i32
      %ne3A_206 = arith.constant 0 : i32
      %ne3A_207 = arith.cmpi ne, %rem3A_205, %ne3A_206 : i32
      %and3A_208 = arith.andi %ne3A_204, %ne3A_207 : i1
      %sub3A_209 = arith.constant 1 : i32
      %sub3A_210 = arith.subi %div3A_189, %sub3A_209 : i32
      %select_n3A_211 = arith.select %and3A_208, %sub3A_210, %div3A_189 : i32
      %jit3A_212 = arith.constant 46 : i32
      %eq3A_213 = arith.constant 0 : i32
      %eq3A_214 = arith.cmpi eq, %jit3A_212, %eq3A_213 : i32
      %jit3A_215 = arith.constant 1 : i32
      %select_n3A_216 = arith.select %eq3A_214, %jit3A_215, %jit3A_212 : i32
      %rem3A_217 = arith.remsi %min3A_187, %select_n3A_216 : i32
      %ne3A_218 = arith.constant 0 : i32
      %ne3A_219 = arith.cmpi ne, %rem3A_217, %ne3A_218 : i32
      %lt3A_220 = arith.constant 0 : i32
      %lt3A_221 = arith.cmpi slt, %rem3A_217, %lt3A_220 : i32
      %lt3A_222 = arith.constant 0 : i32
      %lt3A_223 = arith.cmpi slt, %select_n3A_216, %lt3A_222 : i32
      %ne3A_224 = arith.xori %lt3A_221, %lt3A_223 : i1
      %and3A_225 = arith.andi %ne3A_224, %ne3A_219 : i1
      %add3A_226 = arith.addi %rem3A_217, %select_n3A_216 : i32
      %select_n3A_227 = arith.select %and3A_225, %add3A_226, %rem3A_217 : i32
      %mul3A_228 = arith.constant 2176 : i32
      %mul3A_229 = arith.muli %select_n3A_227, %mul3A_228 : i32
      %multiple_of3A_230 = tpu.assume_multiple %mul3A_229, 2176 : i32
      %dma_wait3A_231 = arith.constant 0 : i32
      %dma_wait3A_232 = arith.constant 0 : i32
      %dma_wait3A_233 = arith.constant 0 : i32
      %dma_wait3A_234 = tpu.memref_slice %arg4[%dma_wait3A_231, %dma_wait3A_232, %dma_wait3A_233] : memref<2x16x2177xf32, #tpu.memory_space<vmem>> -> memref<1x16x2176xf32, #tpu.memory_space<vmem>>
      %dma_wait3A_235 = tpu.memref_squeeze %dma_wait3A_234 : memref<1x16x2176xf32, #tpu.memory_space<vmem>> -> memref<16x2176xf32, #tpu.memory_space<vmem>>
      %dma_wait3A_236 = arith.constant 0 : i32
      %dma_wait3A_237 = tpu.memref_slice %arg2[%select_n3A_211, %dma_wait3A_236, %multiple_of3A_230] : memref<26x16x100000xf32, #tpu.memory_space<hbm>> -> memref<1x16x2176xf32, #tpu.memory_space<hbm>>
      %dma_wait3A_238 = tpu.memref_squeeze %dma_wait3A_237 : memref<1x16x2176xf32, #tpu.memory_space<hbm>> -> memref<16x2176xf32, #tpu.memory_space<hbm>>
      %dma_wait3A_239 = arith.constant 0 : i32
      %dma_wait3A_240 = arith.constant 0 : i32
      %dma_wait3A_241 = tpu.memref_slice %arg4[%dma_wait3A_231, %dma_wait3A_239, %dma_wait3A_240] : memref<2x16x2177xf32, #tpu.memory_space<vmem>> -> memref<1x16x2176xf32, #tpu.memory_space<vmem>>
      %dma_wait3A_242 = tpu.memref_squeeze %dma_wait3A_241 : memref<1x16x2176xf32, #tpu.memory_space<vmem>> -> memref<16x2176xf32, #tpu.memory_space<vmem>>
      %dma_wait3A_243 = arith.constant 0 : i32
      %dma_wait3A_244 = tpu.memref_slice %arg2[%select_n3A_211, %dma_wait3A_243, %multiple_of3A_230] : memref<26x16x100000xf32, #tpu.memory_space<hbm>> -> memref<1x16x2176xf32, #tpu.memory_space<hbm>>
      %dma_wait3A_245 = tpu.memref_squeeze %dma_wait3A_244 : memref<1x16x2176xf32, #tpu.memory_space<hbm>> -> memref<16x2176xf32, #tpu.memory_space<hbm>>
      tpu.wait_dma2 semaphore(%arg6 : memref<!tpu.dma_semaphore, #tpu.memory_space<semaphore_mem>>) src(%dma_wait3A_245 : memref<16x2176xf32, #tpu.memory_space<hbm>>) dst(%dma_wait3A_242 : memref<16x2176xf32, #tpu.memory_space<vmem>>)
      %ge3A = arith.constant 1 : i32
      %ge3A_246 = arith.cmpi sge, %add3A_184, %ge3A : i32
      %convert_element_type3A = arith.extui %ge3A_246 : i1 to i32
      %cond3A = arith.constant 0 : i32
      %cond3A_247 = arith.cmpi ne, %convert_element_type3A, %cond3A : i32
      scf.if %cond3A_247 {
        %sub3A_457 = arith.constant 1 : i32
        %sub3A_458 = arith.subi %add3A_184, %sub3A_457 : i32
        %add3A_459 = arith.addi %mul3A_2, %sub3A_458 : i32
        %min3A_460 = arith.constant 1195 : i32
        %min3A_461 = arith.minsi %add3A_459, %min3A_460 : i32
        %jit3A_462 = arith.constant 46 : i32
        %div3A_463 = arith.divsi %min3A_461, %jit3A_462 : i32
        %sign3A_464 = arith.constant 0 : i32
        %sign3A_465 = arith.cmpi sgt, %min3A_461, %sign3A_464 : i32
        %sign3A_466 = arith.extui %sign3A_465 : i1 to i32
        %sign3A_467 = arith.constant 0 : i32
        %sign3A_468 = arith.cmpi slt, %min3A_461, %sign3A_467 : i32
        %sign3A_469 = arith.extui %sign3A_468 : i1 to i32
        %sign3A_470 = arith.subi %sign3A_466, %sign3A_469 : i32
        %sign3A_471 = arith.constant 0 : i32
        %sign3A_472 = arith.cmpi sgt, %jit3A_462, %sign3A_471 : i32
        %sign3A_473 = arith.extui %sign3A_472 : i1 to i32
        %sign3A_474 = arith.constant 0 : i32
        %sign3A_475 = arith.cmpi slt, %jit3A_462, %sign3A_474 : i32
        %sign3A_476 = arith.extui %sign3A_475 : i1 to i32
        %sign3A_477 = arith.subi %sign3A_473, %sign3A_476 : i32
        %ne3A_478 = arith.cmpi ne, %sign3A_470, %sign3A_477 : i32
        %rem3A_479 = arith.remsi %min3A_461, %jit3A_462 : i32
        %ne3A_480 = arith.constant 0 : i32
        %ne3A_481 = arith.cmpi ne, %rem3A_479, %ne3A_480 : i32
        %and3A_482 = arith.andi %ne3A_478, %ne3A_481 : i1
        %sub3A_483 = arith.constant 1 : i32
        %sub3A_484 = arith.subi %div3A_463, %sub3A_483 : i32
        %select_n3A_485 = arith.select %and3A_482, %sub3A_484, %div3A_463 : i32
        %jit3A_486 = arith.constant 46 : i32
        %eq3A_487 = arith.constant 0 : i32
        %eq3A_488 = arith.cmpi eq, %jit3A_486, %eq3A_487 : i32
        %jit3A_489 = arith.constant 1 : i32
        %select_n3A_490 = arith.select %eq3A_488, %jit3A_489, %jit3A_486 : i32
        %rem3A_491 = arith.remsi %min3A_461, %select_n3A_490 : i32
        %ne3A_492 = arith.constant 0 : i32
        %ne3A_493 = arith.cmpi ne, %rem3A_491, %ne3A_492 : i32
        %lt3A_494 = arith.constant 0 : i32
        %lt3A_495 = arith.cmpi slt, %rem3A_491, %lt3A_494 : i32
        %lt3A_496 = arith.constant 0 : i32
        %lt3A_497 = arith.cmpi slt, %select_n3A_490, %lt3A_496 : i32
        %ne3A_498 = arith.xori %lt3A_495, %lt3A_497 : i1
        %and3A_499 = arith.andi %ne3A_498, %ne3A_493 : i1
        %add3A_500 = arith.addi %rem3A_491, %select_n3A_490 : i32
        %select_n3A_501 = arith.select %and3A_499, %add3A_500, %rem3A_491 : i32
        %add3A_502 = arith.addi %mul3A_2, %sub3A_458 : i32
        %lt3A_503 = arith.constant 1196 : i32
        %lt3A_504 = arith.cmpi slt, %add3A_502, %lt3A_503 : i32
        %mul3A_505 = arith.constant 12512 : i32
        %mul3A_506 = arith.muli %select_n3A_485, %mul3A_505 : i32
        %mul3A_507 = arith.constant 272 : i32
        %mul3A_508 = arith.muli %select_n3A_501, %mul3A_507 : i32
        %add3A_509 = arith.addi %mul3A_506, %mul3A_508 : i32
        %jit3A_510 = arith.constant 325312 : i32
        %select_n3A_511 = arith.select %lt3A_504, %add3A_509, %jit3A_510 : i32
        %multiple_of3A_512 = tpu.assume_multiple %select_n3A_511, 8 : i32
        %dma_wait3A_513 = arith.constant 0 : i32
        %dma_wait3A_514 = tpu.memref_slice %arg3[%multiple_of3A_512, %dma_wait3A_513] : memref<325584x128xf32, #tpu.memory_space<hbm>> -> memref<272x128xf32, #tpu.memory_space<hbm>>
        %dma_wait3A_515 = arith.constant 0 : i32
        %dma_wait3A_516 = tpu.memref_slice %arg3[%multiple_of3A_512, %dma_wait3A_515] : memref<325584x128xf32, #tpu.memory_space<hbm>> -> memref<272x128xf32, #tpu.memory_space<hbm>>
        tpu.wait_dma2 semaphore(%arg8 : memref<!tpu.dma_semaphore, #tpu.memory_space<semaphore_mem>>) src(%arg5 : memref<272x128xf32, #tpu.memory_space<vmem>>) dst(%dma_wait3A_516 : memref<272x128xf32, #tpu.memory_space<hbm>>)
      } else {
      }
      %broadcast_in_dim3A = arith.constant 0 : i32
      %broadcast_in_dim3A_248 = vector.broadcast %broadcast_in_dim3A : i32 to vector<16xi32>
      %parallel_loop3A = arith.constant 0 : i32
      %parallel_loop3A_249 = arith.constant 272 : i32
      %parallel_loop3A_250 = arith.constant 1 : i32
      scf.for %parallel_loop3A_457 = %parallel_loop3A to %parallel_loop3A_249 step %parallel_loop3A_250  : i32 {
        %parallel_loop3A_458 = arith.constant 8 : i32
        %parallel_loop3A_459 = arith.muli %parallel_loop3A_457, %parallel_loop3A_458 : i32
        %parallel_loop3A_460 = vector.broadcast %parallel_loop3A_459 : i32 to vector<16xi32>
        %parallel_loop3A_461 = arith.constant 0 : i32
        %parallel_loop3A_462 = vector.broadcast %parallel_loop3A_461 : i32 to vector<16xi32>
        %parallel_loop3A_463 = arith.addi %parallel_loop3A_460, %parallel_loop3A_462 : vector<16xi32>
        %parallel_loop3A_464 = tpu.vector_load_idx %arg4[%broadcast_in_dim3A_248, %iota3A, %parallel_loop3A_463] : memref<2x16x2177xf32, #tpu.memory_space<vmem>>[vector<16xi32>, vector<16xi32>, vector<16xi32>], vector<16xf32>,
        %parallel_loop3A_465 = arith.constant 1 : i32
        %parallel_loop3A_466 = vector.broadcast %parallel_loop3A_465 : i32 to vector<16xi32>
        %parallel_loop3A_467 = arith.addi %parallel_loop3A_460, %parallel_loop3A_466 : vector<16xi32>
        %parallel_loop3A_468 = tpu.vector_load_idx %arg4[%broadcast_in_dim3A_248, %iota3A, %parallel_loop3A_467] : memref<2x16x2177xf32, #tpu.memory_space<vmem>>[vector<16xi32>, vector<16xi32>, vector<16xi32>], vector<16xf32>,
        %parallel_loop3A_469 = arith.constant 2 : i32
        %parallel_loop3A_470 = vector.broadcast %parallel_loop3A_469 : i32 to vector<16xi32>
        %parallel_loop3A_471 = arith.addi %parallel_loop3A_460, %parallel_loop3A_470 : vector<16xi32>
        %parallel_loop3A_472 = tpu.vector_load_idx %arg4[%broadcast_in_dim3A_248, %iota3A, %parallel_loop3A_471] : memref<2x16x2177xf32, #tpu.memory_space<vmem>>[vector<16xi32>, vector<16xi32>, vector<16xi32>], vector<16xf32>,
        %parallel_loop3A_473 = arith.constant 3 : i32
        %parallel_loop3A_474 = vector.broadcast %parallel_loop3A_473 : i32 to vector<16xi32>
        %parallel_loop3A_475 = arith.addi %parallel_loop3A_460, %parallel_loop3A_474 : vector<16xi32>
        %parallel_loop3A_476 = tpu.vector_load_idx %arg4[%broadcast_in_dim3A_248, %iota3A, %parallel_loop3A_475] : memref<2x16x2177xf32, #tpu.memory_space<vmem>>[vector<16xi32>, vector<16xi32>, vector<16xi32>], vector<16xf32>,
        %parallel_loop3A_477 = arith.constant 4 : i32
        %parallel_loop3A_478 = vector.broadcast %parallel_loop3A_477 : i32 to vector<16xi32>
        %parallel_loop3A_479 = arith.addi %parallel_loop3A_460, %parallel_loop3A_478 : vector<16xi32>
        %parallel_loop3A_480 = tpu.vector_load_idx %arg4[%broadcast_in_dim3A_248, %iota3A, %parallel_loop3A_479] : memref<2x16x2177xf32, #tpu.memory_space<vmem>>[vector<16xi32>, vector<16xi32>, vector<16xi32>], vector<16xf32>,
        %parallel_loop3A_481 = arith.constant 5 : i32
        %parallel_loop3A_482 = vector.broadcast %parallel_loop3A_481 : i32 to vector<16xi32>
        %parallel_loop3A_483 = arith.addi %parallel_loop3A_460, %parallel_loop3A_482 : vector<16xi32>
        %parallel_loop3A_484 = tpu.vector_load_idx %arg4[%broadcast_in_dim3A_248, %iota3A, %parallel_loop3A_483] : memref<2x16x2177xf32, #tpu.memory_space<vmem>>[vector<16xi32>, vector<16xi32>, vector<16xi32>], vector<16xf32>,
        %parallel_loop3A_485 = arith.constant 6 : i32
        %parallel_loop3A_486 = vector.broadcast %parallel_loop3A_485 : i32 to vector<16xi32>
        %parallel_loop3A_487 = arith.addi %parallel_loop3A_460, %parallel_loop3A_486 : vector<16xi32>
        %parallel_loop3A_488 = tpu.vector_load_idx %arg4[%broadcast_in_dim3A_248, %iota3A, %parallel_loop3A_487] : memref<2x16x2177xf32, #tpu.memory_space<vmem>>[vector<16xi32>, vector<16xi32>, vector<16xi32>], vector<16xf32>,
        %parallel_loop3A_489 = arith.constant 7 : i32
        %parallel_loop3A_490 = vector.broadcast %parallel_loop3A_489 : i32 to vector<16xi32>
        %parallel_loop3A_491 = arith.addi %parallel_loop3A_460, %parallel_loop3A_490 : vector<16xi32>
        %parallel_loop3A_492 = tpu.vector_load_idx %arg4[%broadcast_in_dim3A_248, %iota3A, %parallel_loop3A_491] : memref<2x16x2177xf32, #tpu.memory_space<vmem>>[vector<16xi32>, vector<16xi32>, vector<16xi32>], vector<16xf32>,
        %parallel_loop3A_493 = arith.index_cast %parallel_loop3A_457 : i32 to index
        %parallel_loop3A_494 = arith.constant 0 : index
        %parallel_loop3A_495 = tpu.vector_load %arg5[%parallel_loop3A_493, %parallel_loop3A_494] {strides = array<i32>} : memref<272x128xf32, #tpu.memory_space<vmem>>, vector<16xf32>,
        tpu.vector_store %arg5[%parallel_loop3A_493, %parallel_loop3A_494], %parallel_loop3A_464 {strides = array<i32>} : memref<272x128xf32, #tpu.memory_space<vmem>>, vector<16xf32>,
        %parallel_loop3A_496 = arith.index_cast %parallel_loop3A_457 : i32 to index
        %parallel_loop3A_497 = arith.constant 16 : index
        %parallel_loop3A_498 = tpu.vector_load %arg5[%parallel_loop3A_496, %parallel_loop3A_497] {strides = array<i32>} : memref<272x128xf32, #tpu.memory_space<vmem>>, vector<16xf32>,
        tpu.vector_store %arg5[%parallel_loop3A_496, %parallel_loop3A_497], %parallel_loop3A_468 {strides = array<i32>} : memref<272x128xf32, #tpu.memory_space<vmem>>, vector<16xf32>,
        %parallel_loop3A_499 = arith.index_cast %parallel_loop3A_457 : i32 to index
        %parallel_loop3A_500 = arith.constant 32 : index
        %parallel_loop3A_501 = tpu.vector_load %arg5[%parallel_loop3A_499, %parallel_loop3A_500] {strides = array<i32>} : memref<272x128xf32, #tpu.memory_space<vmem>>, vector<16xf32>,
        tpu.vector_store %arg5[%parallel_loop3A_499, %parallel_loop3A_500], %parallel_loop3A_472 {strides = array<i32>} : memref<272x128xf32, #tpu.memory_space<vmem>>, vector<16xf32>,
        %parallel_loop3A_502 = arith.index_cast %parallel_loop3A_457 : i32 to index
        %parallel_loop3A_503 = arith.constant 48 : index
        %parallel_loop3A_504 = tpu.vector_load %arg5[%parallel_loop3A_502, %parallel_loop3A_503] {strides = array<i32>} : memref<272x128xf32, #tpu.memory_space<vmem>>, vector<16xf32>,
        tpu.vector_store %arg5[%parallel_loop3A_502, %parallel_loop3A_503], %parallel_loop3A_476 {strides = array<i32>} : memref<272x128xf32, #tpu.memory_space<vmem>>, vector<16xf32>,
        %parallel_loop3A_505 = arith.index_cast %parallel_loop3A_457 : i32 to index
        %parallel_loop3A_506 = arith.constant 64 : index
        %parallel_loop3A_507 = tpu.vector_load %arg5[%parallel_loop3A_505, %parallel_loop3A_506] {strides = array<i32>} : memref<272x128xf32, #tpu.memory_space<vmem>>, vector<16xf32>,
        tpu.vector_store %arg5[%parallel_loop3A_505, %parallel_loop3A_506], %parallel_loop3A_480 {strides = array<i32>} : memref<272x128xf32, #tpu.memory_space<vmem>>, vector<16xf32>,
        %parallel_loop3A_508 = arith.index_cast %parallel_loop3A_457 : i32 to index
        %parallel_loop3A_509 = arith.constant 80 : index
        %parallel_loop3A_510 = tpu.vector_load %arg5[%parallel_loop3A_508, %parallel_loop3A_509] {strides = array<i32>} : memref<272x128xf32, #tpu.memory_space<vmem>>, vector<16xf32>,
        tpu.vector_store %arg5[%parallel_loop3A_508, %parallel_loop3A_509], %parallel_loop3A_484 {strides = array<i32>} : memref<272x128xf32, #tpu.memory_space<vmem>>, vector<16xf32>,
        %parallel_loop3A_511 = arith.index_cast %parallel_loop3A_457 : i32 to index
        %parallel_loop3A_512 = arith.constant 96 : index
        %parallel_loop3A_513 = tpu.vector_load %arg5[%parallel_loop3A_511, %parallel_loop3A_512] {strides = array<i32>} : memref<272x128xf32, #tpu.memory_space<vmem>>, vector<16xf32>,
        tpu.vector_store %arg5[%parallel_loop3A_511, %parallel_loop3A_512], %parallel_loop3A_488 {strides = array<i32>} : memref<272x128xf32, #tpu.memory_space<vmem>>, vector<16xf32>,
        %parallel_loop3A_514 = arith.index_cast %parallel_loop3A_457 : i32 to index
        %parallel_loop3A_515 = arith.constant 112 : index
        %parallel_loop3A_516 = tpu.vector_load %arg5[%parallel_loop3A_514, %parallel_loop3A_515] {strides = array<i32>} : memref<272x128xf32, #tpu.memory_space<vmem>>, vector<16xf32>,
        tpu.vector_store %arg5[%parallel_loop3A_514, %parallel_loop3A_515], %parallel_loop3A_492 {strides = array<i32>} : memref<272x128xf32, #tpu.memory_space<vmem>>, vector<16xf32>,
      } {sc.loop_unroll_factor = 2 : i64, sc.parallel_access}
      %add3A_251 = arith.addi %mul3A_2, %add3A_184 : i32
      %min3A_252 = arith.constant 1195 : i32
      %min3A_253 = arith.minsi %add3A_251, %min3A_252 : i32
      %jit3A_254 = arith.constant 46 : i32
      %div3A_255 = arith.divsi %min3A_253, %jit3A_254 : i32
      %sign3A_256 = arith.constant 0 : i32
      %sign3A_257 = arith.cmpi sgt, %min3A_253, %sign3A_256 : i32
      %sign3A_258 = arith.extui %sign3A_257 : i1 to i32
      %sign3A_259 = arith.constant 0 : i32
      %sign3A_260 = arith.cmpi slt, %min3A_253, %sign3A_259 : i32
      %sign3A_261 = arith.extui %sign3A_260 : i1 to i32
      %sign3A_262 = arith.subi %sign3A_258, %sign3A_261 : i32
      %sign3A_263 = arith.constant 0 : i32
      %sign3A_264 = arith.cmpi sgt, %jit3A_254, %sign3A_263 : i32
      %sign3A_265 = arith.extui %sign3A_264 : i1 to i32
      %sign3A_266 = arith.constant 0 : i32
      %sign3A_267 = arith.cmpi slt, %jit3A_254, %sign3A_266 : i32
      %sign3A_268 = arith.extui %sign3A_267 : i1 to i32
      %sign3A_269 = arith.subi %sign3A_265, %sign3A_268 : i32
      %ne3A_270 = arith.cmpi ne, %sign3A_262, %sign3A_269 : i32
      %rem3A_271 = arith.remsi %min3A_253, %jit3A_254 : i32
      %ne3A_272 = arith.constant 0 : i32
      %ne3A_273 = arith.cmpi ne, %rem3A_271, %ne3A_272 : i32
      %and3A_274 = arith.andi %ne3A_270, %ne3A_273 : i1
      %sub3A_275 = arith.constant 1 : i32
      %sub3A_276 = arith.subi %div3A_255, %sub3A_275 : i32
      %select_n3A_277 = arith.select %and3A_274, %sub3A_276, %div3A_255 : i32
      %jit3A_278 = arith.constant 46 : i32
      %eq3A_279 = arith.constant 0 : i32
      %eq3A_280 = arith.cmpi eq, %jit3A_278, %eq3A_279 : i32
      %jit3A_281 = arith.constant 1 : i32
      %select_n3A_282 = arith.select %eq3A_280, %jit3A_281, %jit3A_278 : i32
      %rem3A_283 = arith.remsi %min3A_253, %select_n3A_282 : i32
      %ne3A_284 = arith.constant 0 : i32
      %ne3A_285 = arith.cmpi ne, %rem3A_283, %ne3A_284 : i32
      %lt3A_286 = arith.constant 0 : i32
      %lt3A_287 = arith.cmpi slt, %rem3A_283, %lt3A_286 : i32
      %lt3A_288 = arith.constant 0 : i32
      %lt3A_289 = arith.cmpi slt, %select_n3A_282, %lt3A_288 : i32
      %ne3A_290 = arith.xori %lt3A_287, %lt3A_289 : i1
      %and3A_291 = arith.andi %ne3A_290, %ne3A_285 : i1
      %add3A_292 = arith.addi %rem3A_283, %select_n3A_282 : i32
      %select_n3A_293 = arith.select %and3A_291, %add3A_292, %rem3A_283 : i32
      %add3A_294 = arith.addi %mul3A_2, %add3A_184 : i32
      %lt3A_295 = arith.constant 1196 : i32
      %lt3A_296 = arith.cmpi slt, %add3A_294, %lt3A_295 : i32
      %mul3A_297 = arith.constant 12512 : i32
      %mul3A_298 = arith.muli %select_n3A_277, %mul3A_297 : i32
      %mul3A_299 = arith.constant 272 : i32
      %mul3A_300 = arith.muli %select_n3A_293, %mul3A_299 : i32
      %add3A_301 = arith.addi %mul3A_298, %mul3A_300 : i32
      %jit3A_302 = arith.constant 325312 : i32
      %select_n3A_303 = arith.select %lt3A_296, %add3A_301, %jit3A_302 : i32
      %multiple_of3A_304 = tpu.assume_multiple %select_n3A_303, 8 : i32
      %dma_start3A_305 = arith.constant 0 : i32
      %dma_start3A_306 = tpu.memref_slice %arg3[%multiple_of3A_304, %dma_start3A_305] : memref<325584x128xf32, #tpu.memory_space<hbm>> -> memref<272x128xf32, #tpu.memory_space<hbm>>
      %dma_start3A_307 = arith.constant 0 : i32
      %dma_start3A_308 = tpu.memref_slice %arg3[%multiple_of3A_304, %dma_start3A_307] : memref<325584x128xf32, #tpu.memory_space<hbm>> -> memref<272x128xf32, #tpu.memory_space<hbm>>
      tpu.enqueue_dma source(%arg5 : memref<272x128xf32, #tpu.memory_space<vmem>>) target(%dma_start3A_308 : memref<272x128xf32, #tpu.memory_space<hbm>>) target_semaphore(%arg8 : memref<!tpu.dma_semaphore, #tpu.memory_space<semaphore_mem>>)
      %add3A_309 = arith.constant 2 : i32
      %add3A_310 = arith.addi %add3A_184, %add3A_309 : i32
      %lt3A_311 = arith.constant 38 : i32
      %lt3A_312 = arith.cmpi slt, %add3A_310, %lt3A_311 : i32
      %convert_element_type3A_313 = arith.extui %lt3A_312 : i1 to i32
      %cond3A_314 = arith.constant 0 : i32
      %cond3A_315 = arith.cmpi ne, %convert_element_type3A_313, %cond3A_314 : i32
      scf.if %cond3A_315 {
        %add3A_457 = arith.constant 2 : i32
        %add3A_458 = arith.addi %add3A_184, %add3A_457 : i32
        %add3A_459 = arith.addi %mul3A_2, %add3A_458 : i32
        %min3A_460 = arith.constant 1195 : i32
        %min3A_461 = arith.minsi %add3A_459, %min3A_460 : i32
        %jit3A_462 = arith.constant 46 : i32
        %div3A_463 = arith.divsi %min3A_461, %jit3A_462 : i32
        %sign3A_464 = arith.constant 0 : i32
        %sign3A_465 = arith.cmpi sgt, %min3A_461, %sign3A_464 : i32
        %sign3A_466 = arith.extui %sign3A_465 : i1 to i32
        %sign3A_467 = arith.constant 0 : i32
        %sign3A_468 = arith.cmpi slt, %min3A_461, %sign3A_467 : i32
        %sign3A_469 = arith.extui %sign3A_468 : i1 to i32
        %sign3A_470 = arith.subi %sign3A_466, %sign3A_469 : i32
        %sign3A_471 = arith.constant 0 : i32
        %sign3A_472 = arith.cmpi sgt, %jit3A_462, %sign3A_471 : i32
        %sign3A_473 = arith.extui %sign3A_472 : i1 to i32
        %sign3A_474 = arith.constant 0 : i32
        %sign3A_475 = arith.cmpi slt, %jit3A_462, %sign3A_474 : i32
        %sign3A_476 = arith.extui %sign3A_475 : i1 to i32
        %sign3A_477 = arith.subi %sign3A_473, %sign3A_476 : i32
        %ne3A_478 = arith.cmpi ne, %sign3A_470, %sign3A_477 : i32
        %rem3A_479 = arith.remsi %min3A_461, %jit3A_462 : i32
        %ne3A_480 = arith.constant 0 : i32
        %ne3A_481 = arith.cmpi ne, %rem3A_479, %ne3A_480 : i32
        %and3A_482 = arith.andi %ne3A_478, %ne3A_481 : i1
        %sub3A_483 = arith.constant 1 : i32
        %sub3A_484 = arith.subi %div3A_463, %sub3A_483 : i32
        %select_n3A_485 = arith.select %and3A_482, %sub3A_484, %div3A_463 : i32
        %jit3A_486 = arith.constant 46 : i32
        %eq3A_487 = arith.constant 0 : i32
        %eq3A_488 = arith.cmpi eq, %jit3A_486, %eq3A_487 : i32
        %jit3A_489 = arith.constant 1 : i32
        %select_n3A_490 = arith.select %eq3A_488, %jit3A_489, %jit3A_486 : i32
        %rem3A_491 = arith.remsi %min3A_461, %select_n3A_490 : i32
        %ne3A_492 = arith.constant 0 : i32
        %ne3A_493 = arith.cmpi ne, %rem3A_491, %ne3A_492 : i32
        %lt3A_494 = arith.constant 0 : i32
        %lt3A_495 = arith.cmpi slt, %rem3A_491, %lt3A_494 : i32
        %lt3A_496 = arith.constant 0 : i32
        %lt3A_497 = arith.cmpi slt, %select_n3A_490, %lt3A_496 : i32
        %ne3A_498 = arith.xori %lt3A_495, %lt3A_497 : i1
        %and3A_499 = arith.andi %ne3A_498, %ne3A_493 : i1
        %add3A_500 = arith.addi %rem3A_491, %select_n3A_490 : i32
        %select_n3A_501 = arith.select %and3A_499, %add3A_500, %rem3A_491 : i32
        %mul3A_502 = arith.constant 2176 : i32
        %mul3A_503 = arith.muli %select_n3A_501, %mul3A_502 : i32
        %multiple_of3A_504 = tpu.assume_multiple %mul3A_503, 2176 : i32
        %dma_start3A_505 = arith.constant 0 : i32
        %dma_start3A_506 = arith.constant 0 : i32
        %dma_start3A_507 = arith.constant 0 : i32
        %dma_start3A_508 = tpu.memref_slice %arg4[%dma_start3A_505, %dma_start3A_506, %dma_start3A_507] : memref<2x16x2177xf32, #tpu.memory_space<vmem>> -> memref<1x16x2176xf32, #tpu.memory_space<vmem>>
        %dma_start3A_509 = tpu.memref_squeeze %dma_start3A_508 : memref<1x16x2176xf32, #tpu.memory_space<vmem>> -> memref<16x2176xf32, #tpu.memory_space<vmem>>
        %dma_start3A_510 = arith.constant 0 : i32
        %dma_start3A_511 = tpu.memref_slice %arg2[%select_n3A_485, %dma_start3A_510, %multiple_of3A_504] : memref<26x16x100000xf32, #tpu.memory_space<hbm>> -> memref<1x16x2176xf32, #tpu.memory_space<hbm>>
        %dma_start3A_512 = tpu.memref_squeeze %dma_start3A_511 : memref<1x16x2176xf32, #tpu.memory_space<hbm>> -> memref<16x2176xf32, #tpu.memory_space<hbm>>
        %dma_start3A_513 = arith.constant 0 : i32
        %dma_start3A_514 = arith.constant 0 : i32
        %dma_start3A_515 = tpu.memref_slice %arg4[%dma_start3A_505, %dma_start3A_513, %dma_start3A_514] : memref<2x16x2177xf32, #tpu.memory_space<vmem>> -> memref<1x16x2176xf32, #tpu.memory_space<vmem>>
        %dma_start3A_516 = tpu.memref_squeeze %dma_start3A_515 : memref<1x16x2176xf32, #tpu.memory_space<vmem>> -> memref<16x2176xf32, #tpu.memory_space<vmem>>
        %dma_start3A_517 = arith.constant 0 : i32
        %dma_start3A_518 = tpu.memref_slice %arg2[%select_n3A_485, %dma_start3A_517, %multiple_of3A_504] : memref<26x16x100000xf32, #tpu.memory_space<hbm>> -> memref<1x16x2176xf32, #tpu.memory_space<hbm>>
        %dma_start3A_519 = tpu.memref_squeeze %dma_start3A_518 : memref<1x16x2176xf32, #tpu.memory_space<hbm>> -> memref<16x2176xf32, #tpu.memory_space<hbm>>
        tpu.enqueue_dma source(%dma_start3A_519 : memref<16x2176xf32, #tpu.memory_space<hbm>>) target(%dma_start3A_516 : memref<16x2176xf32, #tpu.memory_space<vmem>>) target_semaphore(%arg6 : memref<!tpu.dma_semaphore, #tpu.memory_space<semaphore_mem>>)
      } else {
      }
      %mul3A_316 = arith.constant 2 : i32
      %mul3A_317 = arith.muli %scan3A_179, %mul3A_316 : i32
      %add3A_318 = arith.constant 1 : i32
      %add3A_319 = arith.addi %mul3A_317, %add3A_318 : i32
      %add3A_320 = arith.addi %mul3A_2, %add3A_319 : i32
      %min3A_321 = arith.constant 1195 : i32
      %min3A_322 = arith.minsi %add3A_320, %min3A_321 : i32
      %jit3A_323 = arith.constant 46 : i32
      %div3A_324 = arith.divsi %min3A_322, %jit3A_323 : i32
      %sign3A_325 = arith.constant 0 : i32
      %sign3A_326 = arith.cmpi sgt, %min3A_322, %sign3A_325 : i32
      %sign3A_327 = arith.extui %sign3A_326 : i1 to i32
      %sign3A_328 = arith.constant 0 : i32
      %sign3A_329 = arith.cmpi slt, %min3A_322, %sign3A_328 : i32
      %sign3A_330 = arith.extui %sign3A_329 : i1 to i32
      %sign3A_331 = arith.subi %sign3A_327, %sign3A_330 : i32
      %sign3A_332 = arith.constant 0 : i32
      %sign3A_333 = arith.cmpi sgt, %jit3A_323, %sign3A_332 : i32
      %sign3A_334 = arith.extui %sign3A_333 : i1 to i32
      %sign3A_335 = arith.constant 0 : i32
      %sign3A_336 = arith.cmpi slt, %jit3A_323, %sign3A_335 : i32
      %sign3A_337 = arith.extui %sign3A_336 : i1 to i32
      %sign3A_338 = arith.subi %sign3A_334, %sign3A_337 : i32
      %ne3A_339 = arith.cmpi ne, %sign3A_331, %sign3A_338 : i32
      %rem3A_340 = arith.remsi %min3A_322, %jit3A_323 : i32
      %ne3A_341 = arith.constant 0 : i32
      %ne3A_342 = arith.cmpi ne, %rem3A_340, %ne3A_341 : i32
      %and3A_343 = arith.andi %ne3A_339, %ne3A_342 : i1
      %sub3A_344 = arith.constant 1 : i32
      %sub3A_345 = arith.subi %div3A_324, %sub3A_344 : i32
      %select_n3A_346 = arith.select %and3A_343, %sub3A_345, %div3A_324 : i32
      %jit3A_347 = arith.constant 46 : i32
      %eq3A_348 = arith.constant 0 : i32
      %eq3A_349 = arith.cmpi eq, %jit3A_347, %eq3A_348 : i32
      %jit3A_350 = arith.constant 1 : i32
      %select_n3A_351 = arith.select %eq3A_349, %jit3A_350, %jit3A_347 : i32
      %rem3A_352 = arith.remsi %min3A_322, %select_n3A_351 : i32
      %ne3A_353 = arith.constant 0 : i32
      %ne3A_354 = arith.cmpi ne, %rem3A_352, %ne3A_353 : i32
      %lt3A_355 = arith.constant 0 : i32
      %lt3A_356 = arith.cmpi slt, %rem3A_352, %lt3A_355 : i32
      %lt3A_357 = arith.constant 0 : i32
      %lt3A_358 = arith.cmpi slt, %select_n3A_351, %lt3A_357 : i32
      %ne3A_359 = arith.xori %lt3A_356, %lt3A_358 : i1
      %and3A_360 = arith.andi %ne3A_359, %ne3A_354 : i1
      %add3A_361 = arith.addi %rem3A_352, %select_n3A_351 : i32
      %select_n3A_362 = arith.select %and3A_360, %add3A_361, %rem3A_352 : i32
      %mul3A_363 = arith.constant 2176 : i32
      %mul3A_364 = arith.muli %select_n3A_362, %mul3A_363 : i32
      %multiple_of3A_365 = tpu.assume_multiple %mul3A_364, 2176 : i32
      %dma_wait3A_366 = arith.constant 1 : i32
      %dma_wait3A_367 = arith.constant 0 : i32
      %dma_wait3A_368 = arith.constant 0 : i32
      %dma_wait3A_369 = tpu.memref_slice %arg4[%dma_wait3A_366, %dma_wait3A_367, %dma_wait3A_368] : memref<2x16x2177xf32, #tpu.memory_space<vmem>> -> memref<1x16x2176xf32, #tpu.memory_space<vmem>>
      %dma_wait3A_370 = tpu.memref_squeeze %dma_wait3A_369 : memref<1x16x2176xf32, #tpu.memory_space<vmem>> -> memref<16x2176xf32, #tpu.memory_space<vmem>>
      %dma_wait3A_371 = arith.constant 0 : i32
      %dma_wait3A_372 = tpu.memref_slice %arg2[%select_n3A_346, %dma_wait3A_371, %multiple_of3A_365] : memref<26x16x100000xf32, #tpu.memory_space<hbm>> -> memref<1x16x2176xf32, #tpu.memory_space<hbm>>
      %dma_wait3A_373 = tpu.memref_squeeze %dma_wait3A_372 : memref<1x16x2176xf32, #tpu.memory_space<hbm>> -> memref<16x2176xf32, #tpu.memory_space<hbm>>
      %dma_wait3A_374 = arith.constant 0 : i32
      %dma_wait3A_375 = arith.constant 0 : i32
      %dma_wait3A_376 = tpu.memref_slice %arg4[%dma_wait3A_366, %dma_wait3A_374, %dma_wait3A_375] : memref<2x16x2177xf32, #tpu.memory_space<vmem>> -> memref<1x16x2176xf32, #tpu.memory_space<vmem>>
      %dma_wait3A_377 = tpu.memref_squeeze %dma_wait3A_376 : memref<1x16x2176xf32, #tpu.memory_space<vmem>> -> memref<16x2176xf32, #tpu.memory_space<vmem>>
      %dma_wait3A_378 = arith.constant 0 : i32
      %dma_wait3A_379 = tpu.memref_slice %arg2[%select_n3A_346, %dma_wait3A_378, %multiple_of3A_365] : memref<26x16x100000xf32, #tpu.memory_space<hbm>> -> memref<1x16x2176xf32, #tpu.memory_space<hbm>>
      %dma_wait3A_380 = tpu.memref_squeeze %dma_wait3A_379 : memref<1x16x2176xf32, #tpu.memory_space<hbm>> -> memref<16x2176xf32, #tpu.memory_space<hbm>>
      tpu.wait_dma2 semaphore(%arg7 : memref<!tpu.dma_semaphore, #tpu.memory_space<semaphore_mem>>) src(%dma_wait3A_380 : memref<16x2176xf32, #tpu.memory_space<hbm>>) dst(%dma_wait3A_377 : memref<16x2176xf32, #tpu.memory_space<vmem>>)
      %ge3A_381 = arith.constant 1 : i32
      %ge3A_382 = arith.cmpi sge, %add3A_319, %ge3A_381 : i32
      %convert_element_type3A_383 = arith.extui %ge3A_382 : i1 to i32
      %cond3A_384 = arith.constant 0 : i32
      %cond3A_385 = arith.cmpi ne, %convert_element_type3A_383, %cond3A_384 : i32
      scf.if %cond3A_385 {
        %sub3A_457 = arith.constant 1 : i32
        %sub3A_458 = arith.subi %add3A_319, %sub3A_457 : i32
        %add3A_459 = arith.addi %mul3A_2, %sub3A_458 : i32
        %min3A_460 = arith.constant 1195 : i32
        %min3A_461 = arith.minsi %add3A_459, %min3A_460 : i32
        %jit3A_462 = arith.constant 46 : i32
        %div3A_463 = arith.divsi %min3A_461, %jit3A_462 : i32
        %sign3A_464 = arith.constant 0 : i32
        %sign3A_465 = arith.cmpi sgt, %min3A_461, %sign3A_464 : i32
        %sign3A_466 = arith.extui %sign3A_465 : i1 to i32
        %sign3A_467 = arith.constant 0 : i32
        %sign3A_468 = arith.cmpi slt, %min3A_461, %sign3A_467 : i32
        %sign3A_469 = arith.extui %sign3A_468 : i1 to i32
        %sign3A_470 = arith.subi %sign3A_466, %sign3A_469 : i32
        %sign3A_471 = arith.constant 0 : i32
        %sign3A_472 = arith.cmpi sgt, %jit3A_462, %sign3A_471 : i32
        %sign3A_473 = arith.extui %sign3A_472 : i1 to i32
        %sign3A_474 = arith.constant 0 : i32
        %sign3A_475 = arith.cmpi slt, %jit3A_462, %sign3A_474 : i32
        %sign3A_476 = arith.extui %sign3A_475 : i1 to i32
        %sign3A_477 = arith.subi %sign3A_473, %sign3A_476 : i32
        %ne3A_478 = arith.cmpi ne, %sign3A_470, %sign3A_477 : i32
        %rem3A_479 = arith.remsi %min3A_461, %jit3A_462 : i32
        %ne3A_480 = arith.constant 0 : i32
        %ne3A_481 = arith.cmpi ne, %rem3A_479, %ne3A_480 : i32
        %and3A_482 = arith.andi %ne3A_478, %ne3A_481 : i1
        %sub3A_483 = arith.constant 1 : i32
        %sub3A_484 = arith.subi %div3A_463, %sub3A_483 : i32
        %select_n3A_485 = arith.select %and3A_482, %sub3A_484, %div3A_463 : i32
        %jit3A_486 = arith.constant 46 : i32
        %eq3A_487 = arith.constant 0 : i32
        %eq3A_488 = arith.cmpi eq, %jit3A_486, %eq3A_487 : i32
        %jit3A_489 = arith.constant 1 : i32
        %select_n3A_490 = arith.select %eq3A_488, %jit3A_489, %jit3A_486 : i32
        %rem3A_491 = arith.remsi %min3A_461, %select_n3A_490 : i32
        %ne3A_492 = arith.constant 0 : i32
        %ne3A_493 = arith.cmpi ne, %rem3A_491, %ne3A_492 : i32
        %lt3A_494 = arith.constant 0 : i32
        %lt3A_495 = arith.cmpi slt, %rem3A_491, %lt3A_494 : i32
        %lt3A_496 = arith.constant 0 : i32
        %lt3A_497 = arith.cmpi slt, %select_n3A_490, %lt3A_496 : i32
        %ne3A_498 = arith.xori %lt3A_495, %lt3A_497 : i1
        %and3A_499 = arith.andi %ne3A_498, %ne3A_493 : i1
        %add3A_500 = arith.addi %rem3A_491, %select_n3A_490 : i32
        %select_n3A_501 = arith.select %and3A_499, %add3A_500, %rem3A_491 : i32
        %add3A_502 = arith.addi %mul3A_2, %sub3A_458 : i32
        %lt3A_503 = arith.constant 1196 : i32
        %lt3A_504 = arith.cmpi slt, %add3A_502, %lt3A_503 : i32
        %mul3A_505 = arith.constant 12512 : i32
        %mul3A_506 = arith.muli %select_n3A_485, %mul3A_505 : i32
        %mul3A_507 = arith.constant 272 : i32
        %mul3A_508 = arith.muli %select_n3A_501, %mul3A_507 : i32
        %add3A_509 = arith.addi %mul3A_506, %mul3A_508 : i32
        %jit3A_510 = arith.constant 325312 : i32
        %select_n3A_511 = arith.select %lt3A_504, %add3A_509, %jit3A_510 : i32
        %multiple_of3A_512 = tpu.assume_multiple %select_n3A_511, 8 : i32
        %dma_wait3A_513 = arith.constant 0 : i32
        %dma_wait3A_514 = tpu.memref_slice %arg3[%multiple_of3A_512, %dma_wait3A_513] : memref<325584x128xf32, #tpu.memory_space<hbm>> -> memref<272x128xf32, #tpu.memory_space<hbm>>
        %dma_wait3A_515 = arith.constant 0 : i32
        %dma_wait3A_516 = tpu.memref_slice %arg3[%multiple_of3A_512, %dma_wait3A_515] : memref<325584x128xf32, #tpu.memory_space<hbm>> -> memref<272x128xf32, #tpu.memory_space<hbm>>
        tpu.wait_dma2 semaphore(%arg8 : memref<!tpu.dma_semaphore, #tpu.memory_space<semaphore_mem>>) src(%arg5 : memref<272x128xf32, #tpu.memory_space<vmem>>) dst(%dma_wait3A_516 : memref<272x128xf32, #tpu.memory_space<hbm>>)
      } else {
      }
      %broadcast_in_dim3A_386 = arith.constant 1 : i32
      %broadcast_in_dim3A_387 = vector.broadcast %broadcast_in_dim3A_386 : i32 to vector<16xi32>
      %parallel_loop3A_388 = arith.constant 0 : i32
      %parallel_loop3A_389 = arith.constant 272 : i32
      %parallel_loop3A_390 = arith.constant 1 : i32
      scf.for %parallel_loop3A_457 = %parallel_loop3A_388 to %parallel_loop3A_389 step %parallel_loop3A_390  : i32 {
        %parallel_loop3A_458 = arith.constant 8 : i32
        %parallel_loop3A_459 = arith.muli %parallel_loop3A_457, %parallel_loop3A_458 : i32
        %parallel_loop3A_460 = vector.broadcast %parallel_loop3A_459 : i32 to vector<16xi32>
        %parallel_loop3A_461 = arith.constant 0 : i32
        %parallel_loop3A_462 = vector.broadcast %parallel_loop3A_461 : i32 to vector<16xi32>
        %parallel_loop3A_463 = arith.addi %parallel_loop3A_460, %parallel_loop3A_462 : vector<16xi32>
        %parallel_loop3A_464 = tpu.vector_load_idx %arg4[%broadcast_in_dim3A_387, %iota3A, %parallel_loop3A_463] : memref<2x16x2177xf32, #tpu.memory_space<vmem>>[vector<16xi32>, vector<16xi32>, vector<16xi32>], vector<16xf32>,
        %parallel_loop3A_465 = arith.constant 1 : i32
        %parallel_loop3A_466 = vector.broadcast %parallel_loop3A_465 : i32 to vector<16xi32>
        %parallel_loop3A_467 = arith.addi %parallel_loop3A_460, %parallel_loop3A_466 : vector<16xi32>
        %parallel_loop3A_468 = tpu.vector_load_idx %arg4[%broadcast_in_dim3A_387, %iota3A, %parallel_loop3A_467] : memref<2x16x2177xf32, #tpu.memory_space<vmem>>[vector<16xi32>, vector<16xi32>, vector<16xi32>], vector<16xf32>,
        %parallel_loop3A_469 = arith.constant 2 : i32
        %parallel_loop3A_470 = vector.broadcast %parallel_loop3A_469 : i32 to vector<16xi32>
        %parallel_loop3A_471 = arith.addi %parallel_loop3A_460, %parallel_loop3A_470 : vector<16xi32>
        %parallel_loop3A_472 = tpu.vector_load_idx %arg4[%broadcast_in_dim3A_387, %iota3A, %parallel_loop3A_471] : memref<2x16x2177xf32, #tpu.memory_space<vmem>>[vector<16xi32>, vector<16xi32>, vector<16xi32>], vector<16xf32>,
        %parallel_loop3A_473 = arith.constant 3 : i32
        %parallel_loop3A_474 = vector.broadcast %parallel_loop3A_473 : i32 to vector<16xi32>
        %parallel_loop3A_475 = arith.addi %parallel_loop3A_460, %parallel_loop3A_474 : vector<16xi32>
        %parallel_loop3A_476 = tpu.vector_load_idx %arg4[%broadcast_in_dim3A_387, %iota3A, %parallel_loop3A_475] : memref<2x16x2177xf32, #tpu.memory_space<vmem>>[vector<16xi32>, vector<16xi32>, vector<16xi32>], vector<16xf32>,
        %parallel_loop3A_477 = arith.constant 4 : i32
        %parallel_loop3A_478 = vector.broadcast %parallel_loop3A_477 : i32 to vector<16xi32>
        %parallel_loop3A_479 = arith.addi %parallel_loop3A_460, %parallel_loop3A_478 : vector<16xi32>
        %parallel_loop3A_480 = tpu.vector_load_idx %arg4[%broadcast_in_dim3A_387, %iota3A, %parallel_loop3A_479] : memref<2x16x2177xf32, #tpu.memory_space<vmem>>[vector<16xi32>, vector<16xi32>, vector<16xi32>], vector<16xf32>,
        %parallel_loop3A_481 = arith.constant 5 : i32
        %parallel_loop3A_482 = vector.broadcast %parallel_loop3A_481 : i32 to vector<16xi32>
        %parallel_loop3A_483 = arith.addi %parallel_loop3A_460, %parallel_loop3A_482 : vector<16xi32>
        %parallel_loop3A_484 = tpu.vector_load_idx %arg4[%broadcast_in_dim3A_387, %iota3A, %parallel_loop3A_483] : memref<2x16x2177xf32, #tpu.memory_space<vmem>>[vector<16xi32>, vector<16xi32>, vector<16xi32>], vector<16xf32>,
        %parallel_loop3A_485 = arith.constant 6 : i32
        %parallel_loop3A_486 = vector.broadcast %parallel_loop3A_485 : i32 to vector<16xi32>
        %parallel_loop3A_487 = arith.addi %parallel_loop3A_460, %parallel_loop3A_486 : vector<16xi32>
        %parallel_loop3A_488 = tpu.vector_load_idx %arg4[%broadcast_in_dim3A_387, %iota3A, %parallel_loop3A_487] : memref<2x16x2177xf32, #tpu.memory_space<vmem>>[vector<16xi32>, vector<16xi32>, vector<16xi32>], vector<16xf32>,
        %parallel_loop3A_489 = arith.constant 7 : i32
        %parallel_loop3A_490 = vector.broadcast %parallel_loop3A_489 : i32 to vector<16xi32>
        %parallel_loop3A_491 = arith.addi %parallel_loop3A_460, %parallel_loop3A_490 : vector<16xi32>
        %parallel_loop3A_492 = tpu.vector_load_idx %arg4[%broadcast_in_dim3A_387, %iota3A, %parallel_loop3A_491] : memref<2x16x2177xf32, #tpu.memory_space<vmem>>[vector<16xi32>, vector<16xi32>, vector<16xi32>], vector<16xf32>,
        %parallel_loop3A_493 = arith.index_cast %parallel_loop3A_457 : i32 to index
        %parallel_loop3A_494 = arith.constant 0 : index
        %parallel_loop3A_495 = tpu.vector_load %arg5[%parallel_loop3A_493, %parallel_loop3A_494] {strides = array<i32>} : memref<272x128xf32, #tpu.memory_space<vmem>>, vector<16xf32>,
        tpu.vector_store %arg5[%parallel_loop3A_493, %parallel_loop3A_494], %parallel_loop3A_464 {strides = array<i32>} : memref<272x128xf32, #tpu.memory_space<vmem>>, vector<16xf32>,
        %parallel_loop3A_496 = arith.index_cast %parallel_loop3A_457 : i32 to index
        %parallel_loop3A_497 = arith.constant 16 : index
        %parallel_loop3A_498 = tpu.vector_load %arg5[%parallel_loop3A_496, %parallel_loop3A_497] {strides = array<i32>} : memref<272x128xf32, #tpu.memory_space<vmem>>, vector<16xf32>,
        tpu.vector_store %arg5[%parallel_loop3A_496, %parallel_loop3A_497], %parallel_loop3A_468 {strides = array<i32>} : memref<272x128xf32, #tpu.memory_space<vmem>>, vector<16xf32>,
        %parallel_loop3A_499 = arith.index_cast %parallel_loop3A_457 : i32 to index
        %parallel_loop3A_500 = arith.constant 32 : index
        %parallel_loop3A_501 = tpu.vector_load %arg5[%parallel_loop3A_499, %parallel_loop3A_500] {strides = array<i32>} : memref<272x128xf32, #tpu.memory_space<vmem>>, vector<16xf32>,
        tpu.vector_store %arg5[%parallel_loop3A_499, %parallel_loop3A_500], %parallel_loop3A_472 {strides = array<i32>} : memref<272x128xf32, #tpu.memory_space<vmem>>, vector<16xf32>,
        %parallel_loop3A_502 = arith.index_cast %parallel_loop3A_457 : i32 to index
        %parallel_loop3A_503 = arith.constant 48 : index
        %parallel_loop3A_504 = tpu.vector_load %arg5[%parallel_loop3A_502, %parallel_loop3A_503] {strides = array<i32>} : memref<272x128xf32, #tpu.memory_space<vmem>>, vector<16xf32>,
        tpu.vector_store %arg5[%parallel_loop3A_502, %parallel_loop3A_503], %parallel_loop3A_476 {strides = array<i32>} : memref<272x128xf32, #tpu.memory_space<vmem>>, vector<16xf32>,
        %parallel_loop3A_505 = arith.index_cast %parallel_loop3A_457 : i32 to index
        %parallel_loop3A_506 = arith.constant 64 : index
        %parallel_loop3A_507 = tpu.vector_load %arg5[%parallel_loop3A_505, %parallel_loop3A_506] {strides = array<i32>} : memref<272x128xf32, #tpu.memory_space<vmem>>, vector<16xf32>,
        tpu.vector_store %arg5[%parallel_loop3A_505, %parallel_loop3A_506], %parallel_loop3A_480 {strides = array<i32>} : memref<272x128xf32, #tpu.memory_space<vmem>>, vector<16xf32>,
        %parallel_loop3A_508 = arith.index_cast %parallel_loop3A_457 : i32 to index
        %parallel_loop3A_509 = arith.constant 80 : index
        %parallel_loop3A_510 = tpu.vector_load %arg5[%parallel_loop3A_508, %parallel_loop3A_509] {strides = array<i32>} : memref<272x128xf32, #tpu.memory_space<vmem>>, vector<16xf32>,
        tpu.vector_store %arg5[%parallel_loop3A_508, %parallel_loop3A_509], %parallel_loop3A_484 {strides = array<i32>} : memref<272x128xf32, #tpu.memory_space<vmem>>, vector<16xf32>,
        %parallel_loop3A_511 = arith.index_cast %parallel_loop3A_457 : i32 to index
        %parallel_loop3A_512 = arith.constant 96 : index
        %parallel_loop3A_513 = tpu.vector_load %arg5[%parallel_loop3A_511, %parallel_loop3A_512] {strides = array<i32>} : memref<272x128xf32, #tpu.memory_space<vmem>>, vector<16xf32>,
        tpu.vector_store %arg5[%parallel_loop3A_511, %parallel_loop3A_512], %parallel_loop3A_488 {strides = array<i32>} : memref<272x128xf32, #tpu.memory_space<vmem>>, vector<16xf32>,
        %parallel_loop3A_514 = arith.index_cast %parallel_loop3A_457 : i32 to index
        %parallel_loop3A_515 = arith.constant 112 : index
        %parallel_loop3A_516 = tpu.vector_load %arg5[%parallel_loop3A_514, %parallel_loop3A_515] {strides = array<i32>} : memref<272x128xf32, #tpu.memory_space<vmem>>, vector<16xf32>,
        tpu.vector_store %arg5[%parallel_loop3A_514, %parallel_loop3A_515], %parallel_loop3A_492 {strides = array<i32>} : memref<272x128xf32, #tpu.memory_space<vmem>>, vector<16xf32>,
      } {sc.loop_unroll_factor = 2 : i64, sc.parallel_access}
      %add3A_391 = arith.addi %mul3A_2, %add3A_319 : i32
      %min3A_392 = arith.constant 1195 : i32
      %min3A_393 = arith.minsi %add3A_391, %min3A_392 : i32
      %jit3A_394 = arith.constant 46 : i32
      %div3A_395 = arith.divsi %min3A_393, %jit3A_394 : i32
      %sign3A_396 = arith.constant 0 : i32
      %sign3A_397 = arith.cmpi sgt, %min3A_393, %sign3A_396 : i32
      %sign3A_398 = arith.extui %sign3A_397 : i1 to i32
      %sign3A_399 = arith.constant 0 : i32
      %sign3A_400 = arith.cmpi slt, %min3A_393, %sign3A_399 : i32
      %sign3A_401 = arith.extui %sign3A_400 : i1 to i32
      %sign3A_402 = arith.subi %sign3A_398, %sign3A_401 : i32
      %sign3A_403 = arith.constant 0 : i32
      %sign3A_404 = arith.cmpi sgt, %jit3A_394, %sign3A_403 : i32
      %sign3A_405 = arith.extui %sign3A_404 : i1 to i32
      %sign3A_406 = arith.constant 0 : i32
      %sign3A_407 = arith.cmpi slt, %jit3A_394, %sign3A_406 : i32
      %sign3A_408 = arith.extui %sign3A_407 : i1 to i32
      %sign3A_409 = arith.subi %sign3A_405, %sign3A_408 : i32
      %ne3A_410 = arith.cmpi ne, %sign3A_402, %sign3A_409 : i32
      %rem3A_411 = arith.remsi %min3A_393, %jit3A_394 : i32
      %ne3A_412 = arith.constant 0 : i32
      %ne3A_413 = arith.cmpi ne, %rem3A_411, %ne3A_412 : i32
      %and3A_414 = arith.andi %ne3A_410, %ne3A_413 : i1
      %sub3A_415 = arith.constant 1 : i32
      %sub3A_416 = arith.subi %div3A_395, %sub3A_415 : i32
      %select_n3A_417 = arith.select %and3A_414, %sub3A_416, %div3A_395 : i32
      %jit3A_418 = arith.constant 46 : i32
      %eq3A_419 = arith.constant 0 : i32
      %eq3A_420 = arith.cmpi eq, %jit3A_418, %eq3A_419 : i32
      %jit3A_421 = arith.constant 1 : i32
      %select_n3A_422 = arith.select %eq3A_420, %jit3A_421, %jit3A_418 : i32
      %rem3A_423 = arith.remsi %min3A_393, %select_n3A_422 : i32
      %ne3A_424 = arith.constant 0 : i32
      %ne3A_425 = arith.cmpi ne, %rem3A_423, %ne3A_424 : i32
      %lt3A_426 = arith.constant 0 : i32
      %lt3A_427 = arith.cmpi slt, %rem3A_423, %lt3A_426 : i32
      %lt3A_428 = arith.constant 0 : i32
      %lt3A_429 = arith.cmpi slt, %select_n3A_422, %lt3A_428 : i32
      %ne3A_430 = arith.xori %lt3A_427, %lt3A_429 : i1
      %and3A_431 = arith.andi %ne3A_430, %ne3A_425 : i1
      %add3A_432 = arith.addi %rem3A_423, %select_n3A_422 : i32
      %select_n3A_433 = arith.select %and3A_431, %add3A_432, %rem3A_423 : i32
      %add3A_434 = arith.addi %mul3A_2, %add3A_319 : i32
      %lt3A_435 = arith.constant 1196 : i32
      %lt3A_436 = arith.cmpi slt, %add3A_434, %lt3A_435 : i32
      %mul3A_437 = arith.constant 12512 : i32
      %mul3A_438 = arith.muli %select_n3A_417, %mul3A_437 : i32
      %mul3A_439 = arith.constant 272 : i32
      %mul3A_440 = arith.muli %select_n3A_433, %mul3A_439 : i32
      %add3A_441 = arith.addi %mul3A_438, %mul3A_440 : i32
      %jit3A_442 = arith.constant 325312 : i32
      %select_n3A_443 = arith.select %lt3A_436, %add3A_441, %jit3A_442 : i32
      %multiple_of3A_444 = tpu.assume_multiple %select_n3A_443, 8 : i32
      %dma_start3A_445 = arith.constant 0 : i32
      %dma_start3A_446 = tpu.memref_slice %arg3[%multiple_of3A_444, %dma_start3A_445] : memref<325584x128xf32, #tpu.memory_space<hbm>> -> memref<272x128xf32, #tpu.memory_space<hbm>>
      %dma_start3A_447 = arith.constant 0 : i32
      %dma_start3A_448 = tpu.memref_slice %arg3[%multiple_of3A_444, %dma_start3A_447] : memref<325584x128xf32, #tpu.memory_space<hbm>> -> memref<272x128xf32, #tpu.memory_space<hbm>>
      tpu.enqueue_dma source(%arg5 : memref<272x128xf32, #tpu.memory_space<vmem>>) target(%dma_start3A_448 : memref<272x128xf32, #tpu.memory_space<hbm>>) target_semaphore(%arg8 : memref<!tpu.dma_semaphore, #tpu.memory_space<semaphore_mem>>)
      %add3A_449 = arith.constant 2 : i32
      %add3A_450 = arith.addi %add3A_319, %add3A_449 : i32
      %lt3A_451 = arith.constant 38 : i32
      %lt3A_452 = arith.cmpi slt, %add3A_450, %lt3A_451 : i32
      %convert_element_type3A_453 = arith.extui %lt3A_452 : i1 to i32
      %cond3A_454 = arith.constant 0 : i32
      %cond3A_455 = arith.cmpi ne, %convert_element_type3A_453, %cond3A_454 : i32
      scf.if %cond3A_455 {
        %add3A_457 = arith.constant 2 : i32
        %add3A_458 = arith.addi %add3A_319, %add3A_457 : i32
        %add3A_459 = arith.addi %mul3A_2, %add3A_458 : i32
        %min3A_460 = arith.constant 1195 : i32
        %min3A_461 = arith.minsi %add3A_459, %min3A_460 : i32
        %jit3A_462 = arith.constant 46 : i32
        %div3A_463 = arith.divsi %min3A_461, %jit3A_462 : i32
        %sign3A_464 = arith.constant 0 : i32
        %sign3A_465 = arith.cmpi sgt, %min3A_461, %sign3A_464 : i32
        %sign3A_466 = arith.extui %sign3A_465 : i1 to i32
        %sign3A_467 = arith.constant 0 : i32
        %sign3A_468 = arith.cmpi slt, %min3A_461, %sign3A_467 : i32
        %sign3A_469 = arith.extui %sign3A_468 : i1 to i32
        %sign3A_470 = arith.subi %sign3A_466, %sign3A_469 : i32
        %sign3A_471 = arith.constant 0 : i32
        %sign3A_472 = arith.cmpi sgt, %jit3A_462, %sign3A_471 : i32
        %sign3A_473 = arith.extui %sign3A_472 : i1 to i32
        %sign3A_474 = arith.constant 0 : i32
        %sign3A_475 = arith.cmpi slt, %jit3A_462, %sign3A_474 : i32
        %sign3A_476 = arith.extui %sign3A_475 : i1 to i32
        %sign3A_477 = arith.subi %sign3A_473, %sign3A_476 : i32
        %ne3A_478 = arith.cmpi ne, %sign3A_470, %sign3A_477 : i32
        %rem3A_479 = arith.remsi %min3A_461, %jit3A_462 : i32
        %ne3A_480 = arith.constant 0 : i32
        %ne3A_481 = arith.cmpi ne, %rem3A_479, %ne3A_480 : i32
        %and3A_482 = arith.andi %ne3A_478, %ne3A_481 : i1
        %sub3A_483 = arith.constant 1 : i32
        %sub3A_484 = arith.subi %div3A_463, %sub3A_483 : i32
        %select_n3A_485 = arith.select %and3A_482, %sub3A_484, %div3A_463 : i32
        %jit3A_486 = arith.constant 46 : i32
        %eq3A_487 = arith.constant 0 : i32
        %eq3A_488 = arith.cmpi eq, %jit3A_486, %eq3A_487 : i32
        %jit3A_489 = arith.constant 1 : i32
        %select_n3A_490 = arith.select %eq3A_488, %jit3A_489, %jit3A_486 : i32
        %rem3A_491 = arith.remsi %min3A_461, %select_n3A_490 : i32
        %ne3A_492 = arith.constant 0 : i32
        %ne3A_493 = arith.cmpi ne, %rem3A_491, %ne3A_492 : i32
        %lt3A_494 = arith.constant 0 : i32
        %lt3A_495 = arith.cmpi slt, %rem3A_491, %lt3A_494 : i32
        %lt3A_496 = arith.constant 0 : i32
        %lt3A_497 = arith.cmpi slt, %select_n3A_490, %lt3A_496 : i32
        %ne3A_498 = arith.xori %lt3A_495, %lt3A_497 : i1
        %and3A_499 = arith.andi %ne3A_498, %ne3A_493 : i1
        %add3A_500 = arith.addi %rem3A_491, %select_n3A_490 : i32
        %select_n3A_501 = arith.select %and3A_499, %add3A_500, %rem3A_491 : i32
        %mul3A_502 = arith.constant 2176 : i32
        %mul3A_503 = arith.muli %select_n3A_501, %mul3A_502 : i32
        %multiple_of3A_504 = tpu.assume_multiple %mul3A_503, 2176 : i32
        %dma_start3A_505 = arith.constant 1 : i32
        %dma_start3A_506 = arith.constant 0 : i32
        %dma_start3A_507 = arith.constant 0 : i32
        %dma_start3A_508 = tpu.memref_slice %arg4[%dma_start3A_505, %dma_start3A_506, %dma_start3A_507] : memref<2x16x2177xf32, #tpu.memory_space<vmem>> -> memref<1x16x2176xf32, #tpu.memory_space<vmem>>
        %dma_start3A_509 = tpu.memref_squeeze %dma_start3A_508 : memref<1x16x2176xf32, #tpu.memory_space<vmem>> -> memref<16x2176xf32, #tpu.memory_space<vmem>>
        %dma_start3A_510 = arith.constant 0 : i32
        %dma_start3A_511 = tpu.memref_slice %arg2[%select_n3A_485, %dma_start3A_510, %multiple_of3A_504] : memref<26x16x100000xf32, #tpu.memory_space<hbm>> -> memref<1x16x2176xf32, #tpu.memory_space<hbm>>
        %dma_start3A_512 = tpu.memref_squeeze %dma_start3A_511 : memref<1x16x2176xf32, #tpu.memory_space<hbm>> -> memref<16x2176xf32, #tpu.memory_space<hbm>>
        %dma_start3A_513 = arith.constant 0 : i32
        %dma_start3A_514 = arith.constant 0 : i32
        %dma_start3A_515 = tpu.memref_slice %arg4[%dma_start3A_505, %dma_start3A_513, %dma_start3A_514] : memref<2x16x2177xf32, #tpu.memory_space<vmem>> -> memref<1x16x2176xf32, #tpu.memory_space<vmem>>
        %dma_start3A_516 = tpu.memref_squeeze %dma_start3A_515 : memref<1x16x2176xf32, #tpu.memory_space<vmem>> -> memref<16x2176xf32, #tpu.memory_space<vmem>>
        %dma_start3A_517 = arith.constant 0 : i32
        %dma_start3A_518 = tpu.memref_slice %arg2[%select_n3A_485, %dma_start3A_517, %multiple_of3A_504] : memref<26x16x100000xf32, #tpu.memory_space<hbm>> -> memref<1x16x2176xf32, #tpu.memory_space<hbm>>
        %dma_start3A_519 = tpu.memref_squeeze %dma_start3A_518 : memref<1x16x2176xf32, #tpu.memory_space<hbm>> -> memref<16x2176xf32, #tpu.memory_space<hbm>>
        tpu.enqueue_dma source(%dma_start3A_519 : memref<16x2176xf32, #tpu.memory_space<hbm>>) target(%dma_start3A_516 : memref<16x2176xf32, #tpu.memory_space<vmem>>) target_semaphore(%arg7 : memref<!tpu.dma_semaphore, #tpu.memory_space<semaphore_mem>>)
      } else {
      }
      %scan3A_456 = arith.constant 0 : i32
      scf.yield %scan3A_456 : i32
    }
    %scan3A_119 = arith.constant 19 : i32
    %add3A_120 = arith.constant 37 : i32
    %add3A_121 = arith.addi %mul3A_2, %add3A_120 : i32
    %min3A_122 = arith.constant 1195 : i32
    %min3A_123 = arith.minsi %add3A_121, %min3A_122 : i32
    %jit3A_124 = arith.constant 46 : i32
    %div3A_125 = arith.divsi %min3A_123, %jit3A_124 : i32
    %sign3A_126 = arith.constant 0 : i32
    %sign3A_127 = arith.cmpi sgt, %min3A_123, %sign3A_126 : i32
    %sign3A_128 = arith.extui %sign3A_127 : i1 to i32
    %sign3A_129 = arith.constant 0 : i32
    %sign3A_130 = arith.cmpi slt, %min3A_123, %sign3A_129 : i32
    %sign3A_131 = arith.extui %sign3A_130 : i1 to i32
    %sign3A_132 = arith.subi %sign3A_128, %sign3A_131 : i32
    %sign3A_133 = arith.constant 0 : i32
    %sign3A_134 = arith.cmpi sgt, %jit3A_124, %sign3A_133 : i32
    %sign3A_135 = arith.extui %sign3A_134 : i1 to i32
    %sign3A_136 = arith.constant 0 : i32
    %sign3A_137 = arith.cmpi slt, %jit3A_124, %sign3A_136 : i32
    %sign3A_138 = arith.extui %sign3A_137 : i1 to i32
    %sign3A_139 = arith.subi %sign3A_135, %sign3A_138 : i32
    %ne3A_140 = arith.cmpi ne, %sign3A_132, %sign3A_139 : i32
    %rem3A_141 = arith.remsi %min3A_123, %jit3A_124 : i32
    %ne3A_142 = arith.constant 0 : i32
    %ne3A_143 = arith.cmpi ne, %rem3A_141, %ne3A_142 : i32
    %and3A_144 = arith.andi %ne3A_140, %ne3A_143 : i1
    %sub3A_145 = arith.constant 1 : i32
    %sub3A_146 = arith.subi %div3A_125, %sub3A_145 : i32
    %select_n3A_147 = arith.select %and3A_144, %sub3A_146, %div3A_125 : i32
    %jit3A_148 = arith.constant 46 : i32
    %eq3A_149 = arith.constant 0 : i32
    %eq3A_150 = arith.cmpi eq, %jit3A_148, %eq3A_149 : i32
    %jit3A_151 = arith.constant 1 : i32
    %select_n3A_152 = arith.select %eq3A_150, %jit3A_151, %jit3A_148 : i32
    %rem3A_153 = arith.remsi %min3A_123, %select_n3A_152 : i32
    %ne3A_154 = arith.constant 0 : i32
    %ne3A_155 = arith.cmpi ne, %rem3A_153, %ne3A_154 : i32
    %lt3A_156 = arith.constant 0 : i32
    %lt3A_157 = arith.cmpi slt, %rem3A_153, %lt3A_156 : i32
    %lt3A_158 = arith.constant 0 : i32
    %lt3A_159 = arith.cmpi slt, %select_n3A_152, %lt3A_158 : i32
    %ne3A_160 = arith.xori %lt3A_157, %lt3A_159 : i1
    %and3A_161 = arith.andi %ne3A_160, %ne3A_155 : i1
    %add3A_162 = arith.addi %rem3A_153, %select_n3A_152 : i32
    %select_n3A_163 = arith.select %and3A_161, %add3A_162, %rem3A_153 : i32
    %add3A_164 = arith.constant 37 : i32
    %add3A_165 = arith.addi %mul3A_2, %add3A_164 : i32
    %lt3A_166 = arith.constant 1196 : i32
    %lt3A_167 = arith.cmpi slt, %add3A_165, %lt3A_166 : i32
    %mul3A_168 = arith.constant 12512 : i32
    %mul3A_169 = arith.muli %select_n3A_147, %mul3A_168 : i32
    %mul3A_170 = arith.constant 272 : i32
    %mul3A_171 = arith.muli %select_n3A_163, %mul3A_170 : i32
    %add3A_172 = arith.addi %mul3A_169, %mul3A_171 : i32
    %jit3A_173 = arith.constant 325312 : i32
    %select_n3A_174 = arith.select %lt3A_167, %add3A_172, %jit3A_173 : i32
    %multiple_of3A_175 = tpu.assume_multiple %select_n3A_174, 8 : i32
    %dma_wait3A = arith.constant 0 : i32
    %dma_wait3A_176 = tpu.memref_slice %arg3[%multiple_of3A_175, %dma_wait3A] : memref<325584x128xf32, #tpu.memory_space<hbm>> -> memref<272x128xf32, #tpu.memory_space<hbm>>
    %dma_wait3A_177 = arith.constant 0 : i32
    %dma_wait3A_178 = tpu.memref_slice %arg3[%multiple_of3A_175, %dma_wait3A_177] : memref<325584x128xf32, #tpu.memory_space<hbm>> -> memref<272x128xf32, #tpu.memory_space<hbm>>
    tpu.wait_dma2 semaphore(%arg8 : memref<!tpu.dma_semaphore, #tpu.memory_space<semaphore_mem>>) src(%arg5 : memref<272x128xf32, #tpu.memory_space<vmem>>) dst(%dma_wait3A_178 : memref<272x128xf32, #tpu.memory_space<hbm>>)
    return
  }
}

#map = affine_map<(d0, d1) -> (0, 0)>
#map1 = affine_map<(d0, d1) -> (0)>
module attributes {stable_mosaic.version = 14 : i64} {
  func.func @gather(%arg0: i32, %arg1: i32, %arg2: memref<2604672x16xf32, #tpu.memory_space<hbm>>, %arg3: memref<425984xi32, #tpu.memory_space<hbm>>, %arg4: memref<425984x16xf32, #tpu.memory_space<hbm>>, %arg5: memref<3328xi32, #tpu.memory_space<vmem>>, %arg6: memref<3328x16xf32, #tpu.memory_space<vmem>>, %arg7: memref<!tpu.dma_semaphore, #tpu.memory_space<semaphore_mem>>) attributes {dimension_semantics = [#tpu.dimension_semantics<core_parallel>, #tpu.dimension_semantics<subcore_parallel>], iteration_bounds = array<i64: 2, 16>, scalar_prefetch = 0 : i64, scratch_operands = 3 : i64, tpu.core_type = #tpu.core_type<sc_vector_subcore>, window_params = [{transform_indices = #map}, {transform_indices = #map1}, {transform_indices = #map}]} {
    %mul3A = arith.constant 2 : i32
    %mul3A_0 = arith.muli %arg1, %mul3A : i32
    %add3A = arith.addi %mul3A_0, %arg0 : i32
    %mul3A_1 = arith.constant 13312 : i32
    %mul3A_2 = arith.muli %add3A, %mul3A_1 : i32
    %scan3A = arith.constant 0 : i32
    %scan3A_3 = arith.constant 0 : i32
    %scan3A_4 = arith.constant 4 : i32
    %scan3A_5 = arith.addi %scan3A_3, %scan3A_4 : i32
    %scan3A_6 = arith.constant 1 : i32
    %scan3A_7 = scf.for %scan3A_9 = %scan3A_3 to %scan3A_5 step %scan3A_6 iter_args(%scan3A_10 = %scan3A) -> (i32)  : i32 {
      %mul3A_11 = arith.constant 3328 : i32
      %mul3A_12 = arith.muli %scan3A_9, %mul3A_11 : i32
      %add3A_13 = arith.addi %mul3A_2, %mul3A_12 : i32
      "tpu.region"() ({
        %run_scoped3A = tpu.sem_alloc : memref<!tpu.dma_semaphore, #tpu.memory_space<semaphore_mem>>
        %dma_start3A_429 = tpu.memref_slice %arg3[%add3A_13] : memref<425984xi32, #tpu.memory_space<hbm>> -> memref<3328xi32, #tpu.memory_space<hbm>>
        %dma_start3A_430 = tpu.memref_slice %arg3[%add3A_13] : memref<425984xi32, #tpu.memory_space<hbm>> -> memref<3328xi32, #tpu.memory_space<hbm>>
        tpu.enqueue_dma source(%dma_start3A_430 : memref<3328xi32, #tpu.memory_space<hbm>>) target(%arg5 : memref<3328xi32, #tpu.memory_space<vmem>>) target_semaphore(%run_scoped3A : memref<!tpu.dma_semaphore, #tpu.memory_space<semaphore_mem>>)
        %dma_wait3A_431 = tpu.memref_slice %arg3[%add3A_13] : memref<425984xi32, #tpu.memory_space<hbm>> -> memref<3328xi32, #tpu.memory_space<hbm>>
        %dma_wait3A_432 = tpu.memref_slice %arg3[%add3A_13] : memref<425984xi32, #tpu.memory_space<hbm>> -> memref<3328xi32, #tpu.memory_space<hbm>>
        tpu.wait_dma2 semaphore(%run_scoped3A : memref<!tpu.dma_semaphore, #tpu.memory_space<semaphore_mem>>) src(%dma_wait3A_432 : memref<3328xi32, #tpu.memory_space<hbm>>) dst(%arg5 : memref<3328xi32, #tpu.memory_space<vmem>>)
        tpu.yield
      }) : () -> ()
      %dma_start3A = arith.constant 0 : i32
      %dma_start3A_14 = arith.constant 0 : i32
      %dma_start3A_15 = tpu.memref_slice %arg6[%dma_start3A, %dma_start3A_14] : memref<3328x16xf32, #tpu.memory_space<vmem>> -> memref<128x16xf32, #tpu.memory_space<vmem>>
      %dma_start3A_16 = arith.constant 0 : i32
      %dma_start3A_17 = tpu.memref_slice %arg5[%dma_start3A_16] : memref<3328xi32, #tpu.memory_space<vmem>> -> memref<128xi32, #tpu.memory_space<vmem>>
      %dma_start3A_18 = arith.constant 0 : i32
      %dma_start3A_19 = arith.constant 0 : i32
      %dma_start3A_20 = tpu.memref_slice %arg2[%dma_start3A_18, %dma_start3A_19] : memref<2604672x16xf32, #tpu.memory_space<hbm>> -> memref<2604672x16xf32, #tpu.memory_space<hbm>>
      tpu.enqueue_indirect_dma source(%dma_start3A_20 : memref<2604672x16xf32, #tpu.memory_space<hbm>>) target(%dma_start3A_15 : memref<128x16xf32, #tpu.memory_space<vmem>>) offsets(%dma_start3A_17 : memref<128xi32, #tpu.memory_space<vmem>>) semaphore(%arg7 : memref<!tpu.dma_semaphore, #tpu.memory_space<semaphore_mem>>)
      %dma_start3A_21 = arith.constant 128 : i32
      %dma_start3A_22 = arith.constant 0 : i32
      %dma_start3A_23 = tpu.memref_slice %arg6[%dma_start3A_21, %dma_start3A_22] : memref<3328x16xf32, #tpu.memory_space<vmem>> -> memref<128x16xf32, #tpu.memory_space<vmem>>
      %dma_start3A_24 = arith.constant 128 : i32
      %dma_start3A_25 = tpu.memref_slice %arg5[%dma_start3A_24] : memref<3328xi32, #tpu.memory_space<vmem>> -> memref<128xi32, #tpu.memory_space<vmem>>
      %dma_start3A_26 = arith.constant 0 : i32
      %dma_start3A_27 = arith.constant 0 : i32
      %dma_start3A_28 = tpu.memref_slice %arg2[%dma_start3A_26, %dma_start3A_27] : memref<2604672x16xf32, #tpu.memory_space<hbm>> -> memref<2604672x16xf32, #tpu.memory_space<hbm>>
      tpu.enqueue_indirect_dma source(%dma_start3A_28 : memref<2604672x16xf32, #tpu.memory_space<hbm>>) target(%dma_start3A_23 : memref<128x16xf32, #tpu.memory_space<vmem>>) offsets(%dma_start3A_25 : memref<128xi32, #tpu.memory_space<vmem>>) semaphore(%arg7 : memref<!tpu.dma_semaphore, #tpu.memory_space<semaphore_mem>>)
      %dma_start3A_29 = arith.constant 256 : i32
      %dma_start3A_30 = arith.constant 0 : i32
      %dma_start3A_31 = tpu.memref_slice %arg6[%dma_start3A_29, %dma_start3A_30] : memref<3328x16xf32, #tpu.memory_space<vmem>> -> memref<128x16xf32, #tpu.memory_space<vmem>>
      %dma_start3A_32 = arith.constant 256 : i32
      %dma_start3A_33 = tpu.memref_slice %arg5[%dma_start3A_32] : memref<3328xi32, #tpu.memory_space<vmem>> -> memref<128xi32, #tpu.memory_space<vmem>>
      %dma_start3A_34 = arith.constant 0 : i32
      %dma_start3A_35 = arith.constant 0 : i32
      %dma_start3A_36 = tpu.memref_slice %arg2[%dma_start3A_34, %dma_start3A_35] : memref<2604672x16xf32, #tpu.memory_space<hbm>> -> memref<2604672x16xf32, #tpu.memory_space<hbm>>
      tpu.enqueue_indirect_dma source(%dma_start3A_36 : memref<2604672x16xf32, #tpu.memory_space<hbm>>) target(%dma_start3A_31 : memref<128x16xf32, #tpu.memory_space<vmem>>) offsets(%dma_start3A_33 : memref<128xi32, #tpu.memory_space<vmem>>) semaphore(%arg7 : memref<!tpu.dma_semaphore, #tpu.memory_space<semaphore_mem>>)
      %dma_start3A_37 = arith.constant 384 : i32
      %dma_start3A_38 = arith.constant 0 : i32
      %dma_start3A_39 = tpu.memref_slice %arg6[%dma_start3A_37, %dma_start3A_38] : memref<3328x16xf32, #tpu.memory_space<vmem>> -> memref<128x16xf32, #tpu.memory_space<vmem>>
      %dma_start3A_40 = arith.constant 384 : i32
      %dma_start3A_41 = tpu.memref_slice %arg5[%dma_start3A_40] : memref<3328xi32, #tpu.memory_space<vmem>> -> memref<128xi32, #tpu.memory_space<vmem>>
      %dma_start3A_42 = arith.constant 0 : i32
      %dma_start3A_43 = arith.constant 0 : i32
      %dma_start3A_44 = tpu.memref_slice %arg2[%dma_start3A_42, %dma_start3A_43] : memref<2604672x16xf32, #tpu.memory_space<hbm>> -> memref<2604672x16xf32, #tpu.memory_space<hbm>>
      tpu.enqueue_indirect_dma source(%dma_start3A_44 : memref<2604672x16xf32, #tpu.memory_space<hbm>>) target(%dma_start3A_39 : memref<128x16xf32, #tpu.memory_space<vmem>>) offsets(%dma_start3A_41 : memref<128xi32, #tpu.memory_space<vmem>>) semaphore(%arg7 : memref<!tpu.dma_semaphore, #tpu.memory_space<semaphore_mem>>)
      %dma_start3A_45 = arith.constant 512 : i32
      %dma_start3A_46 = arith.constant 0 : i32
      %dma_start3A_47 = tpu.memref_slice %arg6[%dma_start3A_45, %dma_start3A_46] : memref<3328x16xf32, #tpu.memory_space<vmem>> -> memref<128x16xf32, #tpu.memory_space<vmem>>
      %dma_start3A_48 = arith.constant 512 : i32
      %dma_start3A_49 = tpu.memref_slice %arg5[%dma_start3A_48] : memref<3328xi32, #tpu.memory_space<vmem>> -> memref<128xi32, #tpu.memory_space<vmem>>
      %dma_start3A_50 = arith.constant 0 : i32
      %dma_start3A_51 = arith.constant 0 : i32
      %dma_start3A_52 = tpu.memref_slice %arg2[%dma_start3A_50, %dma_start3A_51] : memref<2604672x16xf32, #tpu.memory_space<hbm>> -> memref<2604672x16xf32, #tpu.memory_space<hbm>>
      tpu.enqueue_indirect_dma source(%dma_start3A_52 : memref<2604672x16xf32, #tpu.memory_space<hbm>>) target(%dma_start3A_47 : memref<128x16xf32, #tpu.memory_space<vmem>>) offsets(%dma_start3A_49 : memref<128xi32, #tpu.memory_space<vmem>>) semaphore(%arg7 : memref<!tpu.dma_semaphore, #tpu.memory_space<semaphore_mem>>)
      %dma_start3A_53 = arith.constant 640 : i32
      %dma_start3A_54 = arith.constant 0 : i32
      %dma_start3A_55 = tpu.memref_slice %arg6[%dma_start3A_53, %dma_start3A_54] : memref<3328x16xf32, #tpu.memory_space<vmem>> -> memref<128x16xf32, #tpu.memory_space<vmem>>
      %dma_start3A_56 = arith.constant 640 : i32
      %dma_start3A_57 = tpu.memref_slice %arg5[%dma_start3A_56] : memref<3328xi32, #tpu.memory_space<vmem>> -> memref<128xi32, #tpu.memory_space<vmem>>
      %dma_start3A_58 = arith.constant 0 : i32
      %dma_start3A_59 = arith.constant 0 : i32
      %dma_start3A_60 = tpu.memref_slice %arg2[%dma_start3A_58, %dma_start3A_59] : memref<2604672x16xf32, #tpu.memory_space<hbm>> -> memref<2604672x16xf32, #tpu.memory_space<hbm>>
      tpu.enqueue_indirect_dma source(%dma_start3A_60 : memref<2604672x16xf32, #tpu.memory_space<hbm>>) target(%dma_start3A_55 : memref<128x16xf32, #tpu.memory_space<vmem>>) offsets(%dma_start3A_57 : memref<128xi32, #tpu.memory_space<vmem>>) semaphore(%arg7 : memref<!tpu.dma_semaphore, #tpu.memory_space<semaphore_mem>>)
      %dma_start3A_61 = arith.constant 768 : i32
      %dma_start3A_62 = arith.constant 0 : i32
      %dma_start3A_63 = tpu.memref_slice %arg6[%dma_start3A_61, %dma_start3A_62] : memref<3328x16xf32, #tpu.memory_space<vmem>> -> memref<128x16xf32, #tpu.memory_space<vmem>>
      %dma_start3A_64 = arith.constant 768 : i32
      %dma_start3A_65 = tpu.memref_slice %arg5[%dma_start3A_64] : memref<3328xi32, #tpu.memory_space<vmem>> -> memref<128xi32, #tpu.memory_space<vmem>>
      %dma_start3A_66 = arith.constant 0 : i32
      %dma_start3A_67 = arith.constant 0 : i32
      %dma_start3A_68 = tpu.memref_slice %arg2[%dma_start3A_66, %dma_start3A_67] : memref<2604672x16xf32, #tpu.memory_space<hbm>> -> memref<2604672x16xf32, #tpu.memory_space<hbm>>
      tpu.enqueue_indirect_dma source(%dma_start3A_68 : memref<2604672x16xf32, #tpu.memory_space<hbm>>) target(%dma_start3A_63 : memref<128x16xf32, #tpu.memory_space<vmem>>) offsets(%dma_start3A_65 : memref<128xi32, #tpu.memory_space<vmem>>) semaphore(%arg7 : memref<!tpu.dma_semaphore, #tpu.memory_space<semaphore_mem>>)
      %dma_start3A_69 = arith.constant 896 : i32
      %dma_start3A_70 = arith.constant 0 : i32
      %dma_start3A_71 = tpu.memref_slice %arg6[%dma_start3A_69, %dma_start3A_70] : memref<3328x16xf32, #tpu.memory_space<vmem>> -> memref<128x16xf32, #tpu.memory_space<vmem>>
      %dma_start3A_72 = arith.constant 896 : i32
      %dma_start3A_73 = tpu.memref_slice %arg5[%dma_start3A_72] : memref<3328xi32, #tpu.memory_space<vmem>> -> memref<128xi32, #tpu.memory_space<vmem>>
      %dma_start3A_74 = arith.constant 0 : i32
      %dma_start3A_75 = arith.constant 0 : i32
      %dma_start3A_76 = tpu.memref_slice %arg2[%dma_start3A_74, %dma_start3A_75] : memref<2604672x16xf32, #tpu.memory_space<hbm>> -> memref<2604672x16xf32, #tpu.memory_space<hbm>>
      tpu.enqueue_indirect_dma source(%dma_start3A_76 : memref<2604672x16xf32, #tpu.memory_space<hbm>>) target(%dma_start3A_71 : memref<128x16xf32, #tpu.memory_space<vmem>>) offsets(%dma_start3A_73 : memref<128xi32, #tpu.memory_space<vmem>>) semaphore(%arg7 : memref<!tpu.dma_semaphore, #tpu.memory_space<semaphore_mem>>)
      %dma_start3A_77 = arith.constant 1024 : i32
      %dma_start3A_78 = arith.constant 0 : i32
      %dma_start3A_79 = tpu.memref_slice %arg6[%dma_start3A_77, %dma_start3A_78] : memref<3328x16xf32, #tpu.memory_space<vmem>> -> memref<128x16xf32, #tpu.memory_space<vmem>>
      %dma_start3A_80 = arith.constant 1024 : i32
      %dma_start3A_81 = tpu.memref_slice %arg5[%dma_start3A_80] : memref<3328xi32, #tpu.memory_space<vmem>> -> memref<128xi32, #tpu.memory_space<vmem>>
      %dma_start3A_82 = arith.constant 0 : i32
      %dma_start3A_83 = arith.constant 0 : i32
      %dma_start3A_84 = tpu.memref_slice %arg2[%dma_start3A_82, %dma_start3A_83] : memref<2604672x16xf32, #tpu.memory_space<hbm>> -> memref<2604672x16xf32, #tpu.memory_space<hbm>>
      tpu.enqueue_indirect_dma source(%dma_start3A_84 : memref<2604672x16xf32, #tpu.memory_space<hbm>>) target(%dma_start3A_79 : memref<128x16xf32, #tpu.memory_space<vmem>>) offsets(%dma_start3A_81 : memref<128xi32, #tpu.memory_space<vmem>>) semaphore(%arg7 : memref<!tpu.dma_semaphore, #tpu.memory_space<semaphore_mem>>)
      %dma_start3A_85 = arith.constant 1152 : i32
      %dma_start3A_86 = arith.constant 0 : i32
      %dma_start3A_87 = tpu.memref_slice %arg6[%dma_start3A_85, %dma_start3A_86] : memref<3328x16xf32, #tpu.memory_space<vmem>> -> memref<128x16xf32, #tpu.memory_space<vmem>>
      %dma_start3A_88 = arith.constant 1152 : i32
      %dma_start3A_89 = tpu.memref_slice %arg5[%dma_start3A_88] : memref<3328xi32, #tpu.memory_space<vmem>> -> memref<128xi32, #tpu.memory_space<vmem>>
      %dma_start3A_90 = arith.constant 0 : i32
      %dma_start3A_91 = arith.constant 0 : i32
      %dma_start3A_92 = tpu.memref_slice %arg2[%dma_start3A_90, %dma_start3A_91] : memref<2604672x16xf32, #tpu.memory_space<hbm>> -> memref<2604672x16xf32, #tpu.memory_space<hbm>>
      tpu.enqueue_indirect_dma source(%dma_start3A_92 : memref<2604672x16xf32, #tpu.memory_space<hbm>>) target(%dma_start3A_87 : memref<128x16xf32, #tpu.memory_space<vmem>>) offsets(%dma_start3A_89 : memref<128xi32, #tpu.memory_space<vmem>>) semaphore(%arg7 : memref<!tpu.dma_semaphore, #tpu.memory_space<semaphore_mem>>)
      %dma_start3A_93 = arith.constant 1280 : i32
      %dma_start3A_94 = arith.constant 0 : i32
      %dma_start3A_95 = tpu.memref_slice %arg6[%dma_start3A_93, %dma_start3A_94] : memref<3328x16xf32, #tpu.memory_space<vmem>> -> memref<128x16xf32, #tpu.memory_space<vmem>>
      %dma_start3A_96 = arith.constant 1280 : i32
      %dma_start3A_97 = tpu.memref_slice %arg5[%dma_start3A_96] : memref<3328xi32, #tpu.memory_space<vmem>> -> memref<128xi32, #tpu.memory_space<vmem>>
      %dma_start3A_98 = arith.constant 0 : i32
      %dma_start3A_99 = arith.constant 0 : i32
      %dma_start3A_100 = tpu.memref_slice %arg2[%dma_start3A_98, %dma_start3A_99] : memref<2604672x16xf32, #tpu.memory_space<hbm>> -> memref<2604672x16xf32, #tpu.memory_space<hbm>>
      tpu.enqueue_indirect_dma source(%dma_start3A_100 : memref<2604672x16xf32, #tpu.memory_space<hbm>>) target(%dma_start3A_95 : memref<128x16xf32, #tpu.memory_space<vmem>>) offsets(%dma_start3A_97 : memref<128xi32, #tpu.memory_space<vmem>>) semaphore(%arg7 : memref<!tpu.dma_semaphore, #tpu.memory_space<semaphore_mem>>)
      %dma_start3A_101 = arith.constant 1408 : i32
      %dma_start3A_102 = arith.constant 0 : i32
      %dma_start3A_103 = tpu.memref_slice %arg6[%dma_start3A_101, %dma_start3A_102] : memref<3328x16xf32, #tpu.memory_space<vmem>> -> memref<128x16xf32, #tpu.memory_space<vmem>>
      %dma_start3A_104 = arith.constant 1408 : i32
      %dma_start3A_105 = tpu.memref_slice %arg5[%dma_start3A_104] : memref<3328xi32, #tpu.memory_space<vmem>> -> memref<128xi32, #tpu.memory_space<vmem>>
      %dma_start3A_106 = arith.constant 0 : i32
      %dma_start3A_107 = arith.constant 0 : i32
      %dma_start3A_108 = tpu.memref_slice %arg2[%dma_start3A_106, %dma_start3A_107] : memref<2604672x16xf32, #tpu.memory_space<hbm>> -> memref<2604672x16xf32, #tpu.memory_space<hbm>>
      tpu.enqueue_indirect_dma source(%dma_start3A_108 : memref<2604672x16xf32, #tpu.memory_space<hbm>>) target(%dma_start3A_103 : memref<128x16xf32, #tpu.memory_space<vmem>>) offsets(%dma_start3A_105 : memref<128xi32, #tpu.memory_space<vmem>>) semaphore(%arg7 : memref<!tpu.dma_semaphore, #tpu.memory_space<semaphore_mem>>)
      %dma_start3A_109 = arith.constant 1536 : i32
      %dma_start3A_110 = arith.constant 0 : i32
      %dma_start3A_111 = tpu.memref_slice %arg6[%dma_start3A_109, %dma_start3A_110] : memref<3328x16xf32, #tpu.memory_space<vmem>> -> memref<128x16xf32, #tpu.memory_space<vmem>>
      %dma_start3A_112 = arith.constant 1536 : i32
      %dma_start3A_113 = tpu.memref_slice %arg5[%dma_start3A_112] : memref<3328xi32, #tpu.memory_space<vmem>> -> memref<128xi32, #tpu.memory_space<vmem>>
      %dma_start3A_114 = arith.constant 0 : i32
      %dma_start3A_115 = arith.constant 0 : i32
      %dma_start3A_116 = tpu.memref_slice %arg2[%dma_start3A_114, %dma_start3A_115] : memref<2604672x16xf32, #tpu.memory_space<hbm>> -> memref<2604672x16xf32, #tpu.memory_space<hbm>>
      tpu.enqueue_indirect_dma source(%dma_start3A_116 : memref<2604672x16xf32, #tpu.memory_space<hbm>>) target(%dma_start3A_111 : memref<128x16xf32, #tpu.memory_space<vmem>>) offsets(%dma_start3A_113 : memref<128xi32, #tpu.memory_space<vmem>>) semaphore(%arg7 : memref<!tpu.dma_semaphore, #tpu.memory_space<semaphore_mem>>)
      %dma_start3A_117 = arith.constant 1664 : i32
      %dma_start3A_118 = arith.constant 0 : i32
      %dma_start3A_119 = tpu.memref_slice %arg6[%dma_start3A_117, %dma_start3A_118] : memref<3328x16xf32, #tpu.memory_space<vmem>> -> memref<128x16xf32, #tpu.memory_space<vmem>>
      %dma_start3A_120 = arith.constant 1664 : i32
      %dma_start3A_121 = tpu.memref_slice %arg5[%dma_start3A_120] : memref<3328xi32, #tpu.memory_space<vmem>> -> memref<128xi32, #tpu.memory_space<vmem>>
      %dma_start3A_122 = arith.constant 0 : i32
      %dma_start3A_123 = arith.constant 0 : i32
      %dma_start3A_124 = tpu.memref_slice %arg2[%dma_start3A_122, %dma_start3A_123] : memref<2604672x16xf32, #tpu.memory_space<hbm>> -> memref<2604672x16xf32, #tpu.memory_space<hbm>>
      tpu.enqueue_indirect_dma source(%dma_start3A_124 : memref<2604672x16xf32, #tpu.memory_space<hbm>>) target(%dma_start3A_119 : memref<128x16xf32, #tpu.memory_space<vmem>>) offsets(%dma_start3A_121 : memref<128xi32, #tpu.memory_space<vmem>>) semaphore(%arg7 : memref<!tpu.dma_semaphore, #tpu.memory_space<semaphore_mem>>)
      %dma_start3A_125 = arith.constant 1792 : i32
      %dma_start3A_126 = arith.constant 0 : i32
      %dma_start3A_127 = tpu.memref_slice %arg6[%dma_start3A_125, %dma_start3A_126] : memref<3328x16xf32, #tpu.memory_space<vmem>> -> memref<128x16xf32, #tpu.memory_space<vmem>>
      %dma_start3A_128 = arith.constant 1792 : i32
      %dma_start3A_129 = tpu.memref_slice %arg5[%dma_start3A_128] : memref<3328xi32, #tpu.memory_space<vmem>> -> memref<128xi32, #tpu.memory_space<vmem>>
      %dma_start3A_130 = arith.constant 0 : i32
      %dma_start3A_131 = arith.constant 0 : i32
      %dma_start3A_132 = tpu.memref_slice %arg2[%dma_start3A_130, %dma_start3A_131] : memref<2604672x16xf32, #tpu.memory_space<hbm>> -> memref<2604672x16xf32, #tpu.memory_space<hbm>>
      tpu.enqueue_indirect_dma source(%dma_start3A_132 : memref<2604672x16xf32, #tpu.memory_space<hbm>>) target(%dma_start3A_127 : memref<128x16xf32, #tpu.memory_space<vmem>>) offsets(%dma_start3A_129 : memref<128xi32, #tpu.memory_space<vmem>>) semaphore(%arg7 : memref<!tpu.dma_semaphore, #tpu.memory_space<semaphore_mem>>)
      %dma_start3A_133 = arith.constant 1920 : i32
      %dma_start3A_134 = arith.constant 0 : i32
      %dma_start3A_135 = tpu.memref_slice %arg6[%dma_start3A_133, %dma_start3A_134] : memref<3328x16xf32, #tpu.memory_space<vmem>> -> memref<128x16xf32, #tpu.memory_space<vmem>>
      %dma_start3A_136 = arith.constant 1920 : i32
      %dma_start3A_137 = tpu.memref_slice %arg5[%dma_start3A_136] : memref<3328xi32, #tpu.memory_space<vmem>> -> memref<128xi32, #tpu.memory_space<vmem>>
      %dma_start3A_138 = arith.constant 0 : i32
      %dma_start3A_139 = arith.constant 0 : i32
      %dma_start3A_140 = tpu.memref_slice %arg2[%dma_start3A_138, %dma_start3A_139] : memref<2604672x16xf32, #tpu.memory_space<hbm>> -> memref<2604672x16xf32, #tpu.memory_space<hbm>>
      tpu.enqueue_indirect_dma source(%dma_start3A_140 : memref<2604672x16xf32, #tpu.memory_space<hbm>>) target(%dma_start3A_135 : memref<128x16xf32, #tpu.memory_space<vmem>>) offsets(%dma_start3A_137 : memref<128xi32, #tpu.memory_space<vmem>>) semaphore(%arg7 : memref<!tpu.dma_semaphore, #tpu.memory_space<semaphore_mem>>)
      %dma_start3A_141 = arith.constant 2048 : i32
      %dma_start3A_142 = arith.constant 0 : i32
      %dma_start3A_143 = tpu.memref_slice %arg6[%dma_start3A_141, %dma_start3A_142] : memref<3328x16xf32, #tpu.memory_space<vmem>> -> memref<128x16xf32, #tpu.memory_space<vmem>>
      %dma_start3A_144 = arith.constant 2048 : i32
      %dma_start3A_145 = tpu.memref_slice %arg5[%dma_start3A_144] : memref<3328xi32, #tpu.memory_space<vmem>> -> memref<128xi32, #tpu.memory_space<vmem>>
      %dma_start3A_146 = arith.constant 0 : i32
      %dma_start3A_147 = arith.constant 0 : i32
      %dma_start3A_148 = tpu.memref_slice %arg2[%dma_start3A_146, %dma_start3A_147] : memref<2604672x16xf32, #tpu.memory_space<hbm>> -> memref<2604672x16xf32, #tpu.memory_space<hbm>>
      tpu.enqueue_indirect_dma source(%dma_start3A_148 : memref<2604672x16xf32, #tpu.memory_space<hbm>>) target(%dma_start3A_143 : memref<128x16xf32, #tpu.memory_space<vmem>>) offsets(%dma_start3A_145 : memref<128xi32, #tpu.memory_space<vmem>>) semaphore(%arg7 : memref<!tpu.dma_semaphore, #tpu.memory_space<semaphore_mem>>)
      %dma_start3A_149 = arith.constant 2176 : i32
      %dma_start3A_150 = arith.constant 0 : i32
      %dma_start3A_151 = tpu.memref_slice %arg6[%dma_start3A_149, %dma_start3A_150] : memref<3328x16xf32, #tpu.memory_space<vmem>> -> memref<128x16xf32, #tpu.memory_space<vmem>>
      %dma_start3A_152 = arith.constant 2176 : i32
      %dma_start3A_153 = tpu.memref_slice %arg5[%dma_start3A_152] : memref<3328xi32, #tpu.memory_space<vmem>> -> memref<128xi32, #tpu.memory_space<vmem>>
      %dma_start3A_154 = arith.constant 0 : i32
      %dma_start3A_155 = arith.constant 0 : i32
      %dma_start3A_156 = tpu.memref_slice %arg2[%dma_start3A_154, %dma_start3A_155] : memref<2604672x16xf32, #tpu.memory_space<hbm>> -> memref<2604672x16xf32, #tpu.memory_space<hbm>>
      tpu.enqueue_indirect_dma source(%dma_start3A_156 : memref<2604672x16xf32, #tpu.memory_space<hbm>>) target(%dma_start3A_151 : memref<128x16xf32, #tpu.memory_space<vmem>>) offsets(%dma_start3A_153 : memref<128xi32, #tpu.memory_space<vmem>>) semaphore(%arg7 : memref<!tpu.dma_semaphore, #tpu.memory_space<semaphore_mem>>)
      %dma_start3A_157 = arith.constant 2304 : i32
      %dma_start3A_158 = arith.constant 0 : i32
      %dma_start3A_159 = tpu.memref_slice %arg6[%dma_start3A_157, %dma_start3A_158] : memref<3328x16xf32, #tpu.memory_space<vmem>> -> memref<128x16xf32, #tpu.memory_space<vmem>>
      %dma_start3A_160 = arith.constant 2304 : i32
      %dma_start3A_161 = tpu.memref_slice %arg5[%dma_start3A_160] : memref<3328xi32, #tpu.memory_space<vmem>> -> memref<128xi32, #tpu.memory_space<vmem>>
      %dma_start3A_162 = arith.constant 0 : i32
      %dma_start3A_163 = arith.constant 0 : i32
      %dma_start3A_164 = tpu.memref_slice %arg2[%dma_start3A_162, %dma_start3A_163] : memref<2604672x16xf32, #tpu.memory_space<hbm>> -> memref<2604672x16xf32, #tpu.memory_space<hbm>>
      tpu.enqueue_indirect_dma source(%dma_start3A_164 : memref<2604672x16xf32, #tpu.memory_space<hbm>>) target(%dma_start3A_159 : memref<128x16xf32, #tpu.memory_space<vmem>>) offsets(%dma_start3A_161 : memref<128xi32, #tpu.memory_space<vmem>>) semaphore(%arg7 : memref<!tpu.dma_semaphore, #tpu.memory_space<semaphore_mem>>)
      %dma_start3A_165 = arith.constant 2432 : i32
      %dma_start3A_166 = arith.constant 0 : i32
      %dma_start3A_167 = tpu.memref_slice %arg6[%dma_start3A_165, %dma_start3A_166] : memref<3328x16xf32, #tpu.memory_space<vmem>> -> memref<128x16xf32, #tpu.memory_space<vmem>>
      %dma_start3A_168 = arith.constant 2432 : i32
      %dma_start3A_169 = tpu.memref_slice %arg5[%dma_start3A_168] : memref<3328xi32, #tpu.memory_space<vmem>> -> memref<128xi32, #tpu.memory_space<vmem>>
      %dma_start3A_170 = arith.constant 0 : i32
      %dma_start3A_171 = arith.constant 0 : i32
      %dma_start3A_172 = tpu.memref_slice %arg2[%dma_start3A_170, %dma_start3A_171] : memref<2604672x16xf32, #tpu.memory_space<hbm>> -> memref<2604672x16xf32, #tpu.memory_space<hbm>>
      tpu.enqueue_indirect_dma source(%dma_start3A_172 : memref<2604672x16xf32, #tpu.memory_space<hbm>>) target(%dma_start3A_167 : memref<128x16xf32, #tpu.memory_space<vmem>>) offsets(%dma_start3A_169 : memref<128xi32, #tpu.memory_space<vmem>>) semaphore(%arg7 : memref<!tpu.dma_semaphore, #tpu.memory_space<semaphore_mem>>)
      %dma_start3A_173 = arith.constant 2560 : i32
      %dma_start3A_174 = arith.constant 0 : i32
      %dma_start3A_175 = tpu.memref_slice %arg6[%dma_start3A_173, %dma_start3A_174] : memref<3328x16xf32, #tpu.memory_space<vmem>> -> memref<128x16xf32, #tpu.memory_space<vmem>>
      %dma_start3A_176 = arith.constant 2560 : i32
      %dma_start3A_177 = tpu.memref_slice %arg5[%dma_start3A_176] : memref<3328xi32, #tpu.memory_space<vmem>> -> memref<128xi32, #tpu.memory_space<vmem>>
      %dma_start3A_178 = arith.constant 0 : i32
      %dma_start3A_179 = arith.constant 0 : i32
      %dma_start3A_180 = tpu.memref_slice %arg2[%dma_start3A_178, %dma_start3A_179] : memref<2604672x16xf32, #tpu.memory_space<hbm>> -> memref<2604672x16xf32, #tpu.memory_space<hbm>>
      tpu.enqueue_indirect_dma source(%dma_start3A_180 : memref<2604672x16xf32, #tpu.memory_space<hbm>>) target(%dma_start3A_175 : memref<128x16xf32, #tpu.memory_space<vmem>>) offsets(%dma_start3A_177 : memref<128xi32, #tpu.memory_space<vmem>>) semaphore(%arg7 : memref<!tpu.dma_semaphore, #tpu.memory_space<semaphore_mem>>)
      %dma_start3A_181 = arith.constant 2688 : i32
      %dma_start3A_182 = arith.constant 0 : i32
      %dma_start3A_183 = tpu.memref_slice %arg6[%dma_start3A_181, %dma_start3A_182] : memref<3328x16xf32, #tpu.memory_space<vmem>> -> memref<128x16xf32, #tpu.memory_space<vmem>>
      %dma_start3A_184 = arith.constant 2688 : i32
      %dma_start3A_185 = tpu.memref_slice %arg5[%dma_start3A_184] : memref<3328xi32, #tpu.memory_space<vmem>> -> memref<128xi32, #tpu.memory_space<vmem>>
      %dma_start3A_186 = arith.constant 0 : i32
      %dma_start3A_187 = arith.constant 0 : i32
      %dma_start3A_188 = tpu.memref_slice %arg2[%dma_start3A_186, %dma_start3A_187] : memref<2604672x16xf32, #tpu.memory_space<hbm>> -> memref<2604672x16xf32, #tpu.memory_space<hbm>>
      tpu.enqueue_indirect_dma source(%dma_start3A_188 : memref<2604672x16xf32, #tpu.memory_space<hbm>>) target(%dma_start3A_183 : memref<128x16xf32, #tpu.memory_space<vmem>>) offsets(%dma_start3A_185 : memref<128xi32, #tpu.memory_space<vmem>>) semaphore(%arg7 : memref<!tpu.dma_semaphore, #tpu.memory_space<semaphore_mem>>)
      %dma_start3A_189 = arith.constant 2816 : i32
      %dma_start3A_190 = arith.constant 0 : i32
      %dma_start3A_191 = tpu.memref_slice %arg6[%dma_start3A_189, %dma_start3A_190] : memref<3328x16xf32, #tpu.memory_space<vmem>> -> memref<128x16xf32, #tpu.memory_space<vmem>>
      %dma_start3A_192 = arith.constant 2816 : i32
      %dma_start3A_193 = tpu.memref_slice %arg5[%dma_start3A_192] : memref<3328xi32, #tpu.memory_space<vmem>> -> memref<128xi32, #tpu.memory_space<vmem>>
      %dma_start3A_194 = arith.constant 0 : i32
      %dma_start3A_195 = arith.constant 0 : i32
      %dma_start3A_196 = tpu.memref_slice %arg2[%dma_start3A_194, %dma_start3A_195] : memref<2604672x16xf32, #tpu.memory_space<hbm>> -> memref<2604672x16xf32, #tpu.memory_space<hbm>>
      tpu.enqueue_indirect_dma source(%dma_start3A_196 : memref<2604672x16xf32, #tpu.memory_space<hbm>>) target(%dma_start3A_191 : memref<128x16xf32, #tpu.memory_space<vmem>>) offsets(%dma_start3A_193 : memref<128xi32, #tpu.memory_space<vmem>>) semaphore(%arg7 : memref<!tpu.dma_semaphore, #tpu.memory_space<semaphore_mem>>)
      %dma_start3A_197 = arith.constant 2944 : i32
      %dma_start3A_198 = arith.constant 0 : i32
      %dma_start3A_199 = tpu.memref_slice %arg6[%dma_start3A_197, %dma_start3A_198] : memref<3328x16xf32, #tpu.memory_space<vmem>> -> memref<128x16xf32, #tpu.memory_space<vmem>>
      %dma_start3A_200 = arith.constant 2944 : i32
      %dma_start3A_201 = tpu.memref_slice %arg5[%dma_start3A_200] : memref<3328xi32, #tpu.memory_space<vmem>> -> memref<128xi32, #tpu.memory_space<vmem>>
      %dma_start3A_202 = arith.constant 0 : i32
      %dma_start3A_203 = arith.constant 0 : i32
      %dma_start3A_204 = tpu.memref_slice %arg2[%dma_start3A_202, %dma_start3A_203] : memref<2604672x16xf32, #tpu.memory_space<hbm>> -> memref<2604672x16xf32, #tpu.memory_space<hbm>>
      tpu.enqueue_indirect_dma source(%dma_start3A_204 : memref<2604672x16xf32, #tpu.memory_space<hbm>>) target(%dma_start3A_199 : memref<128x16xf32, #tpu.memory_space<vmem>>) offsets(%dma_start3A_201 : memref<128xi32, #tpu.memory_space<vmem>>) semaphore(%arg7 : memref<!tpu.dma_semaphore, #tpu.memory_space<semaphore_mem>>)
      %dma_start3A_205 = arith.constant 3072 : i32
      %dma_start3A_206 = arith.constant 0 : i32
      %dma_start3A_207 = tpu.memref_slice %arg6[%dma_start3A_205, %dma_start3A_206] : memref<3328x16xf32, #tpu.memory_space<vmem>> -> memref<128x16xf32, #tpu.memory_space<vmem>>
      %dma_start3A_208 = arith.constant 3072 : i32
      %dma_start3A_209 = tpu.memref_slice %arg5[%dma_start3A_208] : memref<3328xi32, #tpu.memory_space<vmem>> -> memref<128xi32, #tpu.memory_space<vmem>>
      %dma_start3A_210 = arith.constant 0 : i32
      %dma_start3A_211 = arith.constant 0 : i32
      %dma_start3A_212 = tpu.memref_slice %arg2[%dma_start3A_210, %dma_start3A_211] : memref<2604672x16xf32, #tpu.memory_space<hbm>> -> memref<2604672x16xf32, #tpu.memory_space<hbm>>
      tpu.enqueue_indirect_dma source(%dma_start3A_212 : memref<2604672x16xf32, #tpu.memory_space<hbm>>) target(%dma_start3A_207 : memref<128x16xf32, #tpu.memory_space<vmem>>) offsets(%dma_start3A_209 : memref<128xi32, #tpu.memory_space<vmem>>) semaphore(%arg7 : memref<!tpu.dma_semaphore, #tpu.memory_space<semaphore_mem>>)
      %dma_start3A_213 = arith.constant 3200 : i32
      %dma_start3A_214 = arith.constant 0 : i32
      %dma_start3A_215 = tpu.memref_slice %arg6[%dma_start3A_213, %dma_start3A_214] : memref<3328x16xf32, #tpu.memory_space<vmem>> -> memref<128x16xf32, #tpu.memory_space<vmem>>
      %dma_start3A_216 = arith.constant 3200 : i32
      %dma_start3A_217 = tpu.memref_slice %arg5[%dma_start3A_216] : memref<3328xi32, #tpu.memory_space<vmem>> -> memref<128xi32, #tpu.memory_space<vmem>>
      %dma_start3A_218 = arith.constant 0 : i32
      %dma_start3A_219 = arith.constant 0 : i32
      %dma_start3A_220 = tpu.memref_slice %arg2[%dma_start3A_218, %dma_start3A_219] : memref<2604672x16xf32, #tpu.memory_space<hbm>> -> memref<2604672x16xf32, #tpu.memory_space<hbm>>
      tpu.enqueue_indirect_dma source(%dma_start3A_220 : memref<2604672x16xf32, #tpu.memory_space<hbm>>) target(%dma_start3A_215 : memref<128x16xf32, #tpu.memory_space<vmem>>) offsets(%dma_start3A_217 : memref<128xi32, #tpu.memory_space<vmem>>) semaphore(%arg7 : memref<!tpu.dma_semaphore, #tpu.memory_space<semaphore_mem>>)
      %dma_wait3A = arith.constant 0 : i32
      %dma_wait3A_221 = arith.constant 0 : i32
      %dma_wait3A_222 = tpu.memref_slice %arg6[%dma_wait3A, %dma_wait3A_221] : memref<3328x16xf32, #tpu.memory_space<vmem>> -> memref<128x16xf32, #tpu.memory_space<vmem>>
      %dma_wait3A_223 = arith.constant 0 : i32
      %dma_wait3A_224 = tpu.memref_slice %arg5[%dma_wait3A_223] : memref<3328xi32, #tpu.memory_space<vmem>> -> memref<128xi32, #tpu.memory_space<vmem>>
      %dma_wait3A_225 = arith.constant 0 : i32
      %dma_wait3A_226 = arith.constant 0 : i32
      %dma_wait3A_227 = tpu.memref_slice %arg2[%dma_wait3A_225, %dma_wait3A_226] : memref<2604672x16xf32, #tpu.memory_space<hbm>> -> memref<2604672x16xf32, #tpu.memory_space<hbm>>
      tpu.wait_indirect_dma semaphore(%arg7 : memref<!tpu.dma_semaphore, #tpu.memory_space<semaphore_mem>>) src(%dma_wait3A_227 : memref<2604672x16xf32, #tpu.memory_space<hbm>>) dst(%dma_wait3A_222 : memref<128x16xf32, #tpu.memory_space<vmem>>)
      %dma_wait3A_228 = arith.constant 128 : i32
      %dma_wait3A_229 = arith.constant 0 : i32
      %dma_wait3A_230 = tpu.memref_slice %arg6[%dma_wait3A_228, %dma_wait3A_229] : memref<3328x16xf32, #tpu.memory_space<vmem>> -> memref<128x16xf32, #tpu.memory_space<vmem>>
      %dma_wait3A_231 = arith.constant 128 : i32
      %dma_wait3A_232 = tpu.memref_slice %arg5[%dma_wait3A_231] : memref<3328xi32, #tpu.memory_space<vmem>> -> memref<128xi32, #tpu.memory_space<vmem>>
      %dma_wait3A_233 = arith.constant 0 : i32
      %dma_wait3A_234 = arith.constant 0 : i32
      %dma_wait3A_235 = tpu.memref_slice %arg2[%dma_wait3A_233, %dma_wait3A_234] : memref<2604672x16xf32, #tpu.memory_space<hbm>> -> memref<2604672x16xf32, #tpu.memory_space<hbm>>
      tpu.wait_indirect_dma semaphore(%arg7 : memref<!tpu.dma_semaphore, #tpu.memory_space<semaphore_mem>>) src(%dma_wait3A_235 : memref<2604672x16xf32, #tpu.memory_space<hbm>>) dst(%dma_wait3A_230 : memref<128x16xf32, #tpu.memory_space<vmem>>)
      %dma_wait3A_236 = arith.constant 256 : i32
      %dma_wait3A_237 = arith.constant 0 : i32
      %dma_wait3A_238 = tpu.memref_slice %arg6[%dma_wait3A_236, %dma_wait3A_237] : memref<3328x16xf32, #tpu.memory_space<vmem>> -> memref<128x16xf32, #tpu.memory_space<vmem>>
      %dma_wait3A_239 = arith.constant 256 : i32
      %dma_wait3A_240 = tpu.memref_slice %arg5[%dma_wait3A_239] : memref<3328xi32, #tpu.memory_space<vmem>> -> memref<128xi32, #tpu.memory_space<vmem>>
      %dma_wait3A_241 = arith.constant 0 : i32
      %dma_wait3A_242 = arith.constant 0 : i32
      %dma_wait3A_243 = tpu.memref_slice %arg2[%dma_wait3A_241, %dma_wait3A_242] : memref<2604672x16xf32, #tpu.memory_space<hbm>> -> memref<2604672x16xf32, #tpu.memory_space<hbm>>
      tpu.wait_indirect_dma semaphore(%arg7 : memref<!tpu.dma_semaphore, #tpu.memory_space<semaphore_mem>>) src(%dma_wait3A_243 : memref<2604672x16xf32, #tpu.memory_space<hbm>>) dst(%dma_wait3A_238 : memref<128x16xf32, #tpu.memory_space<vmem>>)
      %dma_wait3A_244 = arith.constant 384 : i32
      %dma_wait3A_245 = arith.constant 0 : i32
      %dma_wait3A_246 = tpu.memref_slice %arg6[%dma_wait3A_244, %dma_wait3A_245] : memref<3328x16xf32, #tpu.memory_space<vmem>> -> memref<128x16xf32, #tpu.memory_space<vmem>>
      %dma_wait3A_247 = arith.constant 384 : i32
      %dma_wait3A_248 = tpu.memref_slice %arg5[%dma_wait3A_247] : memref<3328xi32, #tpu.memory_space<vmem>> -> memref<128xi32, #tpu.memory_space<vmem>>
      %dma_wait3A_249 = arith.constant 0 : i32
      %dma_wait3A_250 = arith.constant 0 : i32
      %dma_wait3A_251 = tpu.memref_slice %arg2[%dma_wait3A_249, %dma_wait3A_250] : memref<2604672x16xf32, #tpu.memory_space<hbm>> -> memref<2604672x16xf32, #tpu.memory_space<hbm>>
      tpu.wait_indirect_dma semaphore(%arg7 : memref<!tpu.dma_semaphore, #tpu.memory_space<semaphore_mem>>) src(%dma_wait3A_251 : memref<2604672x16xf32, #tpu.memory_space<hbm>>) dst(%dma_wait3A_246 : memref<128x16xf32, #tpu.memory_space<vmem>>)
      %dma_wait3A_252 = arith.constant 512 : i32
      %dma_wait3A_253 = arith.constant 0 : i32
      %dma_wait3A_254 = tpu.memref_slice %arg6[%dma_wait3A_252, %dma_wait3A_253] : memref<3328x16xf32, #tpu.memory_space<vmem>> -> memref<128x16xf32, #tpu.memory_space<vmem>>
      %dma_wait3A_255 = arith.constant 512 : i32
      %dma_wait3A_256 = tpu.memref_slice %arg5[%dma_wait3A_255] : memref<3328xi32, #tpu.memory_space<vmem>> -> memref<128xi32, #tpu.memory_space<vmem>>
      %dma_wait3A_257 = arith.constant 0 : i32
      %dma_wait3A_258 = arith.constant 0 : i32
      %dma_wait3A_259 = tpu.memref_slice %arg2[%dma_wait3A_257, %dma_wait3A_258] : memref<2604672x16xf32, #tpu.memory_space<hbm>> -> memref<2604672x16xf32, #tpu.memory_space<hbm>>
      tpu.wait_indirect_dma semaphore(%arg7 : memref<!tpu.dma_semaphore, #tpu.memory_space<semaphore_mem>>) src(%dma_wait3A_259 : memref<2604672x16xf32, #tpu.memory_space<hbm>>) dst(%dma_wait3A_254 : memref<128x16xf32, #tpu.memory_space<vmem>>)
      %dma_wait3A_260 = arith.constant 640 : i32
      %dma_wait3A_261 = arith.constant 0 : i32
      %dma_wait3A_262 = tpu.memref_slice %arg6[%dma_wait3A_260, %dma_wait3A_261] : memref<3328x16xf32, #tpu.memory_space<vmem>> -> memref<128x16xf32, #tpu.memory_space<vmem>>
      %dma_wait3A_263 = arith.constant 640 : i32
      %dma_wait3A_264 = tpu.memref_slice %arg5[%dma_wait3A_263] : memref<3328xi32, #tpu.memory_space<vmem>> -> memref<128xi32, #tpu.memory_space<vmem>>
      %dma_wait3A_265 = arith.constant 0 : i32
      %dma_wait3A_266 = arith.constant 0 : i32
      %dma_wait3A_267 = tpu.memref_slice %arg2[%dma_wait3A_265, %dma_wait3A_266] : memref<2604672x16xf32, #tpu.memory_space<hbm>> -> memref<2604672x16xf32, #tpu.memory_space<hbm>>
      tpu.wait_indirect_dma semaphore(%arg7 : memref<!tpu.dma_semaphore, #tpu.memory_space<semaphore_mem>>) src(%dma_wait3A_267 : memref<2604672x16xf32, #tpu.memory_space<hbm>>) dst(%dma_wait3A_262 : memref<128x16xf32, #tpu.memory_space<vmem>>)
      %dma_wait3A_268 = arith.constant 768 : i32
      %dma_wait3A_269 = arith.constant 0 : i32
      %dma_wait3A_270 = tpu.memref_slice %arg6[%dma_wait3A_268, %dma_wait3A_269] : memref<3328x16xf32, #tpu.memory_space<vmem>> -> memref<128x16xf32, #tpu.memory_space<vmem>>
      %dma_wait3A_271 = arith.constant 768 : i32
      %dma_wait3A_272 = tpu.memref_slice %arg5[%dma_wait3A_271] : memref<3328xi32, #tpu.memory_space<vmem>> -> memref<128xi32, #tpu.memory_space<vmem>>
      %dma_wait3A_273 = arith.constant 0 : i32
      %dma_wait3A_274 = arith.constant 0 : i32
      %dma_wait3A_275 = tpu.memref_slice %arg2[%dma_wait3A_273, %dma_wait3A_274] : memref<2604672x16xf32, #tpu.memory_space<hbm>> -> memref<2604672x16xf32, #tpu.memory_space<hbm>>
      tpu.wait_indirect_dma semaphore(%arg7 : memref<!tpu.dma_semaphore, #tpu.memory_space<semaphore_mem>>) src(%dma_wait3A_275 : memref<2604672x16xf32, #tpu.memory_space<hbm>>) dst(%dma_wait3A_270 : memref<128x16xf32, #tpu.memory_space<vmem>>)
      %dma_wait3A_276 = arith.constant 896 : i32
      %dma_wait3A_277 = arith.constant 0 : i32
      %dma_wait3A_278 = tpu.memref_slice %arg6[%dma_wait3A_276, %dma_wait3A_277] : memref<3328x16xf32, #tpu.memory_space<vmem>> -> memref<128x16xf32, #tpu.memory_space<vmem>>
      %dma_wait3A_279 = arith.constant 896 : i32
      %dma_wait3A_280 = tpu.memref_slice %arg5[%dma_wait3A_279] : memref<3328xi32, #tpu.memory_space<vmem>> -> memref<128xi32, #tpu.memory_space<vmem>>
      %dma_wait3A_281 = arith.constant 0 : i32
      %dma_wait3A_282 = arith.constant 0 : i32
      %dma_wait3A_283 = tpu.memref_slice %arg2[%dma_wait3A_281, %dma_wait3A_282] : memref<2604672x16xf32, #tpu.memory_space<hbm>> -> memref<2604672x16xf32, #tpu.memory_space<hbm>>
      tpu.wait_indirect_dma semaphore(%arg7 : memref<!tpu.dma_semaphore, #tpu.memory_space<semaphore_mem>>) src(%dma_wait3A_283 : memref<2604672x16xf32, #tpu.memory_space<hbm>>) dst(%dma_wait3A_278 : memref<128x16xf32, #tpu.memory_space<vmem>>)
      %dma_wait3A_284 = arith.constant 1024 : i32
      %dma_wait3A_285 = arith.constant 0 : i32
      %dma_wait3A_286 = tpu.memref_slice %arg6[%dma_wait3A_284, %dma_wait3A_285] : memref<3328x16xf32, #tpu.memory_space<vmem>> -> memref<128x16xf32, #tpu.memory_space<vmem>>
      %dma_wait3A_287 = arith.constant 1024 : i32
      %dma_wait3A_288 = tpu.memref_slice %arg5[%dma_wait3A_287] : memref<3328xi32, #tpu.memory_space<vmem>> -> memref<128xi32, #tpu.memory_space<vmem>>
      %dma_wait3A_289 = arith.constant 0 : i32
      %dma_wait3A_290 = arith.constant 0 : i32
      %dma_wait3A_291 = tpu.memref_slice %arg2[%dma_wait3A_289, %dma_wait3A_290] : memref<2604672x16xf32, #tpu.memory_space<hbm>> -> memref<2604672x16xf32, #tpu.memory_space<hbm>>
      tpu.wait_indirect_dma semaphore(%arg7 : memref<!tpu.dma_semaphore, #tpu.memory_space<semaphore_mem>>) src(%dma_wait3A_291 : memref<2604672x16xf32, #tpu.memory_space<hbm>>) dst(%dma_wait3A_286 : memref<128x16xf32, #tpu.memory_space<vmem>>)
      %dma_wait3A_292 = arith.constant 1152 : i32
      %dma_wait3A_293 = arith.constant 0 : i32
      %dma_wait3A_294 = tpu.memref_slice %arg6[%dma_wait3A_292, %dma_wait3A_293] : memref<3328x16xf32, #tpu.memory_space<vmem>> -> memref<128x16xf32, #tpu.memory_space<vmem>>
      %dma_wait3A_295 = arith.constant 1152 : i32
      %dma_wait3A_296 = tpu.memref_slice %arg5[%dma_wait3A_295] : memref<3328xi32, #tpu.memory_space<vmem>> -> memref<128xi32, #tpu.memory_space<vmem>>
      %dma_wait3A_297 = arith.constant 0 : i32
      %dma_wait3A_298 = arith.constant 0 : i32
      %dma_wait3A_299 = tpu.memref_slice %arg2[%dma_wait3A_297, %dma_wait3A_298] : memref<2604672x16xf32, #tpu.memory_space<hbm>> -> memref<2604672x16xf32, #tpu.memory_space<hbm>>
      tpu.wait_indirect_dma semaphore(%arg7 : memref<!tpu.dma_semaphore, #tpu.memory_space<semaphore_mem>>) src(%dma_wait3A_299 : memref<2604672x16xf32, #tpu.memory_space<hbm>>) dst(%dma_wait3A_294 : memref<128x16xf32, #tpu.memory_space<vmem>>)
      %dma_wait3A_300 = arith.constant 1280 : i32
      %dma_wait3A_301 = arith.constant 0 : i32
      %dma_wait3A_302 = tpu.memref_slice %arg6[%dma_wait3A_300, %dma_wait3A_301] : memref<3328x16xf32, #tpu.memory_space<vmem>> -> memref<128x16xf32, #tpu.memory_space<vmem>>
      %dma_wait3A_303 = arith.constant 1280 : i32
      %dma_wait3A_304 = tpu.memref_slice %arg5[%dma_wait3A_303] : memref<3328xi32, #tpu.memory_space<vmem>> -> memref<128xi32, #tpu.memory_space<vmem>>
      %dma_wait3A_305 = arith.constant 0 : i32
      %dma_wait3A_306 = arith.constant 0 : i32
      %dma_wait3A_307 = tpu.memref_slice %arg2[%dma_wait3A_305, %dma_wait3A_306] : memref<2604672x16xf32, #tpu.memory_space<hbm>> -> memref<2604672x16xf32, #tpu.memory_space<hbm>>
      tpu.wait_indirect_dma semaphore(%arg7 : memref<!tpu.dma_semaphore, #tpu.memory_space<semaphore_mem>>) src(%dma_wait3A_307 : memref<2604672x16xf32, #tpu.memory_space<hbm>>) dst(%dma_wait3A_302 : memref<128x16xf32, #tpu.memory_space<vmem>>)
      %dma_wait3A_308 = arith.constant 1408 : i32
      %dma_wait3A_309 = arith.constant 0 : i32
      %dma_wait3A_310 = tpu.memref_slice %arg6[%dma_wait3A_308, %dma_wait3A_309] : memref<3328x16xf32, #tpu.memory_space<vmem>> -> memref<128x16xf32, #tpu.memory_space<vmem>>
      %dma_wait3A_311 = arith.constant 1408 : i32
      %dma_wait3A_312 = tpu.memref_slice %arg5[%dma_wait3A_311] : memref<3328xi32, #tpu.memory_space<vmem>> -> memref<128xi32, #tpu.memory_space<vmem>>
      %dma_wait3A_313 = arith.constant 0 : i32
      %dma_wait3A_314 = arith.constant 0 : i32
      %dma_wait3A_315 = tpu.memref_slice %arg2[%dma_wait3A_313, %dma_wait3A_314] : memref<2604672x16xf32, #tpu.memory_space<hbm>> -> memref<2604672x16xf32, #tpu.memory_space<hbm>>
      tpu.wait_indirect_dma semaphore(%arg7 : memref<!tpu.dma_semaphore, #tpu.memory_space<semaphore_mem>>) src(%dma_wait3A_315 : memref<2604672x16xf32, #tpu.memory_space<hbm>>) dst(%dma_wait3A_310 : memref<128x16xf32, #tpu.memory_space<vmem>>)
      %dma_wait3A_316 = arith.constant 1536 : i32
      %dma_wait3A_317 = arith.constant 0 : i32
      %dma_wait3A_318 = tpu.memref_slice %arg6[%dma_wait3A_316, %dma_wait3A_317] : memref<3328x16xf32, #tpu.memory_space<vmem>> -> memref<128x16xf32, #tpu.memory_space<vmem>>
      %dma_wait3A_319 = arith.constant 1536 : i32
      %dma_wait3A_320 = tpu.memref_slice %arg5[%dma_wait3A_319] : memref<3328xi32, #tpu.memory_space<vmem>> -> memref<128xi32, #tpu.memory_space<vmem>>
      %dma_wait3A_321 = arith.constant 0 : i32
      %dma_wait3A_322 = arith.constant 0 : i32
      %dma_wait3A_323 = tpu.memref_slice %arg2[%dma_wait3A_321, %dma_wait3A_322] : memref<2604672x16xf32, #tpu.memory_space<hbm>> -> memref<2604672x16xf32, #tpu.memory_space<hbm>>
      tpu.wait_indirect_dma semaphore(%arg7 : memref<!tpu.dma_semaphore, #tpu.memory_space<semaphore_mem>>) src(%dma_wait3A_323 : memref<2604672x16xf32, #tpu.memory_space<hbm>>) dst(%dma_wait3A_318 : memref<128x16xf32, #tpu.memory_space<vmem>>)
      %dma_wait3A_324 = arith.constant 1664 : i32
      %dma_wait3A_325 = arith.constant 0 : i32
      %dma_wait3A_326 = tpu.memref_slice %arg6[%dma_wait3A_324, %dma_wait3A_325] : memref<3328x16xf32, #tpu.memory_space<vmem>> -> memref<128x16xf32, #tpu.memory_space<vmem>>
      %dma_wait3A_327 = arith.constant 1664 : i32
      %dma_wait3A_328 = tpu.memref_slice %arg5[%dma_wait3A_327] : memref<3328xi32, #tpu.memory_space<vmem>> -> memref<128xi32, #tpu.memory_space<vmem>>
      %dma_wait3A_329 = arith.constant 0 : i32
      %dma_wait3A_330 = arith.constant 0 : i32
      %dma_wait3A_331 = tpu.memref_slice %arg2[%dma_wait3A_329, %dma_wait3A_330] : memref<2604672x16xf32, #tpu.memory_space<hbm>> -> memref<2604672x16xf32, #tpu.memory_space<hbm>>
      tpu.wait_indirect_dma semaphore(%arg7 : memref<!tpu.dma_semaphore, #tpu.memory_space<semaphore_mem>>) src(%dma_wait3A_331 : memref<2604672x16xf32, #tpu.memory_space<hbm>>) dst(%dma_wait3A_326 : memref<128x16xf32, #tpu.memory_space<vmem>>)
      %dma_wait3A_332 = arith.constant 1792 : i32
      %dma_wait3A_333 = arith.constant 0 : i32
      %dma_wait3A_334 = tpu.memref_slice %arg6[%dma_wait3A_332, %dma_wait3A_333] : memref<3328x16xf32, #tpu.memory_space<vmem>> -> memref<128x16xf32, #tpu.memory_space<vmem>>
      %dma_wait3A_335 = arith.constant 1792 : i32
      %dma_wait3A_336 = tpu.memref_slice %arg5[%dma_wait3A_335] : memref<3328xi32, #tpu.memory_space<vmem>> -> memref<128xi32, #tpu.memory_space<vmem>>
      %dma_wait3A_337 = arith.constant 0 : i32
      %dma_wait3A_338 = arith.constant 0 : i32
      %dma_wait3A_339 = tpu.memref_slice %arg2[%dma_wait3A_337, %dma_wait3A_338] : memref<2604672x16xf32, #tpu.memory_space<hbm>> -> memref<2604672x16xf32, #tpu.memory_space<hbm>>
      tpu.wait_indirect_dma semaphore(%arg7 : memref<!tpu.dma_semaphore, #tpu.memory_space<semaphore_mem>>) src(%dma_wait3A_339 : memref<2604672x16xf32, #tpu.memory_space<hbm>>) dst(%dma_wait3A_334 : memref<128x16xf32, #tpu.memory_space<vmem>>)
      %dma_wait3A_340 = arith.constant 1920 : i32
      %dma_wait3A_341 = arith.constant 0 : i32
      %dma_wait3A_342 = tpu.memref_slice %arg6[%dma_wait3A_340, %dma_wait3A_341] : memref<3328x16xf32, #tpu.memory_space<vmem>> -> memref<128x16xf32, #tpu.memory_space<vmem>>
      %dma_wait3A_343 = arith.constant 1920 : i32
      %dma_wait3A_344 = tpu.memref_slice %arg5[%dma_wait3A_343] : memref<3328xi32, #tpu.memory_space<vmem>> -> memref<128xi32, #tpu.memory_space<vmem>>
      %dma_wait3A_345 = arith.constant 0 : i32
      %dma_wait3A_346 = arith.constant 0 : i32
      %dma_wait3A_347 = tpu.memref_slice %arg2[%dma_wait3A_345, %dma_wait3A_346] : memref<2604672x16xf32, #tpu.memory_space<hbm>> -> memref<2604672x16xf32, #tpu.memory_space<hbm>>
      tpu.wait_indirect_dma semaphore(%arg7 : memref<!tpu.dma_semaphore, #tpu.memory_space<semaphore_mem>>) src(%dma_wait3A_347 : memref<2604672x16xf32, #tpu.memory_space<hbm>>) dst(%dma_wait3A_342 : memref<128x16xf32, #tpu.memory_space<vmem>>)
      %dma_wait3A_348 = arith.constant 2048 : i32
      %dma_wait3A_349 = arith.constant 0 : i32
      %dma_wait3A_350 = tpu.memref_slice %arg6[%dma_wait3A_348, %dma_wait3A_349] : memref<3328x16xf32, #tpu.memory_space<vmem>> -> memref<128x16xf32, #tpu.memory_space<vmem>>
      %dma_wait3A_351 = arith.constant 2048 : i32
      %dma_wait3A_352 = tpu.memref_slice %arg5[%dma_wait3A_351] : memref<3328xi32, #tpu.memory_space<vmem>> -> memref<128xi32, #tpu.memory_space<vmem>>
      %dma_wait3A_353 = arith.constant 0 : i32
      %dma_wait3A_354 = arith.constant 0 : i32
      %dma_wait3A_355 = tpu.memref_slice %arg2[%dma_wait3A_353, %dma_wait3A_354] : memref<2604672x16xf32, #tpu.memory_space<hbm>> -> memref<2604672x16xf32, #tpu.memory_space<hbm>>
      tpu.wait_indirect_dma semaphore(%arg7 : memref<!tpu.dma_semaphore, #tpu.memory_space<semaphore_mem>>) src(%dma_wait3A_355 : memref<2604672x16xf32, #tpu.memory_space<hbm>>) dst(%dma_wait3A_350 : memref<128x16xf32, #tpu.memory_space<vmem>>)
      %dma_wait3A_356 = arith.constant 2176 : i32
      %dma_wait3A_357 = arith.constant 0 : i32
      %dma_wait3A_358 = tpu.memref_slice %arg6[%dma_wait3A_356, %dma_wait3A_357] : memref<3328x16xf32, #tpu.memory_space<vmem>> -> memref<128x16xf32, #tpu.memory_space<vmem>>
      %dma_wait3A_359 = arith.constant 2176 : i32
      %dma_wait3A_360 = tpu.memref_slice %arg5[%dma_wait3A_359] : memref<3328xi32, #tpu.memory_space<vmem>> -> memref<128xi32, #tpu.memory_space<vmem>>
      %dma_wait3A_361 = arith.constant 0 : i32
      %dma_wait3A_362 = arith.constant 0 : i32
      %dma_wait3A_363 = tpu.memref_slice %arg2[%dma_wait3A_361, %dma_wait3A_362] : memref<2604672x16xf32, #tpu.memory_space<hbm>> -> memref<2604672x16xf32, #tpu.memory_space<hbm>>
      tpu.wait_indirect_dma semaphore(%arg7 : memref<!tpu.dma_semaphore, #tpu.memory_space<semaphore_mem>>) src(%dma_wait3A_363 : memref<2604672x16xf32, #tpu.memory_space<hbm>>) dst(%dma_wait3A_358 : memref<128x16xf32, #tpu.memory_space<vmem>>)
      %dma_wait3A_364 = arith.constant 2304 : i32
      %dma_wait3A_365 = arith.constant 0 : i32
      %dma_wait3A_366 = tpu.memref_slice %arg6[%dma_wait3A_364, %dma_wait3A_365] : memref<3328x16xf32, #tpu.memory_space<vmem>> -> memref<128x16xf32, #tpu.memory_space<vmem>>
      %dma_wait3A_367 = arith.constant 2304 : i32
      %dma_wait3A_368 = tpu.memref_slice %arg5[%dma_wait3A_367] : memref<3328xi32, #tpu.memory_space<vmem>> -> memref<128xi32, #tpu.memory_space<vmem>>
      %dma_wait3A_369 = arith.constant 0 : i32
      %dma_wait3A_370 = arith.constant 0 : i32
      %dma_wait3A_371 = tpu.memref_slice %arg2[%dma_wait3A_369, %dma_wait3A_370] : memref<2604672x16xf32, #tpu.memory_space<hbm>> -> memref<2604672x16xf32, #tpu.memory_space<hbm>>
      tpu.wait_indirect_dma semaphore(%arg7 : memref<!tpu.dma_semaphore, #tpu.memory_space<semaphore_mem>>) src(%dma_wait3A_371 : memref<2604672x16xf32, #tpu.memory_space<hbm>>) dst(%dma_wait3A_366 : memref<128x16xf32, #tpu.memory_space<vmem>>)
      %dma_wait3A_372 = arith.constant 2432 : i32
      %dma_wait3A_373 = arith.constant 0 : i32
      %dma_wait3A_374 = tpu.memref_slice %arg6[%dma_wait3A_372, %dma_wait3A_373] : memref<3328x16xf32, #tpu.memory_space<vmem>> -> memref<128x16xf32, #tpu.memory_space<vmem>>
      %dma_wait3A_375 = arith.constant 2432 : i32
      %dma_wait3A_376 = tpu.memref_slice %arg5[%dma_wait3A_375] : memref<3328xi32, #tpu.memory_space<vmem>> -> memref<128xi32, #tpu.memory_space<vmem>>
      %dma_wait3A_377 = arith.constant 0 : i32
      %dma_wait3A_378 = arith.constant 0 : i32
      %dma_wait3A_379 = tpu.memref_slice %arg2[%dma_wait3A_377, %dma_wait3A_378] : memref<2604672x16xf32, #tpu.memory_space<hbm>> -> memref<2604672x16xf32, #tpu.memory_space<hbm>>
      tpu.wait_indirect_dma semaphore(%arg7 : memref<!tpu.dma_semaphore, #tpu.memory_space<semaphore_mem>>) src(%dma_wait3A_379 : memref<2604672x16xf32, #tpu.memory_space<hbm>>) dst(%dma_wait3A_374 : memref<128x16xf32, #tpu.memory_space<vmem>>)
      %dma_wait3A_380 = arith.constant 2560 : i32
      %dma_wait3A_381 = arith.constant 0 : i32
      %dma_wait3A_382 = tpu.memref_slice %arg6[%dma_wait3A_380, %dma_wait3A_381] : memref<3328x16xf32, #tpu.memory_space<vmem>> -> memref<128x16xf32, #tpu.memory_space<vmem>>
      %dma_wait3A_383 = arith.constant 2560 : i32
      %dma_wait3A_384 = tpu.memref_slice %arg5[%dma_wait3A_383] : memref<3328xi32, #tpu.memory_space<vmem>> -> memref<128xi32, #tpu.memory_space<vmem>>
      %dma_wait3A_385 = arith.constant 0 : i32
      %dma_wait3A_386 = arith.constant 0 : i32
      %dma_wait3A_387 = tpu.memref_slice %arg2[%dma_wait3A_385, %dma_wait3A_386] : memref<2604672x16xf32, #tpu.memory_space<hbm>> -> memref<2604672x16xf32, #tpu.memory_space<hbm>>
      tpu.wait_indirect_dma semaphore(%arg7 : memref<!tpu.dma_semaphore, #tpu.memory_space<semaphore_mem>>) src(%dma_wait3A_387 : memref<2604672x16xf32, #tpu.memory_space<hbm>>) dst(%dma_wait3A_382 : memref<128x16xf32, #tpu.memory_space<vmem>>)
      %dma_wait3A_388 = arith.constant 2688 : i32
      %dma_wait3A_389 = arith.constant 0 : i32
      %dma_wait3A_390 = tpu.memref_slice %arg6[%dma_wait3A_388, %dma_wait3A_389] : memref<3328x16xf32, #tpu.memory_space<vmem>> -> memref<128x16xf32, #tpu.memory_space<vmem>>
      %dma_wait3A_391 = arith.constant 2688 : i32
      %dma_wait3A_392 = tpu.memref_slice %arg5[%dma_wait3A_391] : memref<3328xi32, #tpu.memory_space<vmem>> -> memref<128xi32, #tpu.memory_space<vmem>>
      %dma_wait3A_393 = arith.constant 0 : i32
      %dma_wait3A_394 = arith.constant 0 : i32
      %dma_wait3A_395 = tpu.memref_slice %arg2[%dma_wait3A_393, %dma_wait3A_394] : memref<2604672x16xf32, #tpu.memory_space<hbm>> -> memref<2604672x16xf32, #tpu.memory_space<hbm>>
      tpu.wait_indirect_dma semaphore(%arg7 : memref<!tpu.dma_semaphore, #tpu.memory_space<semaphore_mem>>) src(%dma_wait3A_395 : memref<2604672x16xf32, #tpu.memory_space<hbm>>) dst(%dma_wait3A_390 : memref<128x16xf32, #tpu.memory_space<vmem>>)
      %dma_wait3A_396 = arith.constant 2816 : i32
      %dma_wait3A_397 = arith.constant 0 : i32
      %dma_wait3A_398 = tpu.memref_slice %arg6[%dma_wait3A_396, %dma_wait3A_397] : memref<3328x16xf32, #tpu.memory_space<vmem>> -> memref<128x16xf32, #tpu.memory_space<vmem>>
      %dma_wait3A_399 = arith.constant 2816 : i32
      %dma_wait3A_400 = tpu.memref_slice %arg5[%dma_wait3A_399] : memref<3328xi32, #tpu.memory_space<vmem>> -> memref<128xi32, #tpu.memory_space<vmem>>
      %dma_wait3A_401 = arith.constant 0 : i32
      %dma_wait3A_402 = arith.constant 0 : i32
      %dma_wait3A_403 = tpu.memref_slice %arg2[%dma_wait3A_401, %dma_wait3A_402] : memref<2604672x16xf32, #tpu.memory_space<hbm>> -> memref<2604672x16xf32, #tpu.memory_space<hbm>>
      tpu.wait_indirect_dma semaphore(%arg7 : memref<!tpu.dma_semaphore, #tpu.memory_space<semaphore_mem>>) src(%dma_wait3A_403 : memref<2604672x16xf32, #tpu.memory_space<hbm>>) dst(%dma_wait3A_398 : memref<128x16xf32, #tpu.memory_space<vmem>>)
      %dma_wait3A_404 = arith.constant 2944 : i32
      %dma_wait3A_405 = arith.constant 0 : i32
      %dma_wait3A_406 = tpu.memref_slice %arg6[%dma_wait3A_404, %dma_wait3A_405] : memref<3328x16xf32, #tpu.memory_space<vmem>> -> memref<128x16xf32, #tpu.memory_space<vmem>>
      %dma_wait3A_407 = arith.constant 2944 : i32
      %dma_wait3A_408 = tpu.memref_slice %arg5[%dma_wait3A_407] : memref<3328xi32, #tpu.memory_space<vmem>> -> memref<128xi32, #tpu.memory_space<vmem>>
      %dma_wait3A_409 = arith.constant 0 : i32
      %dma_wait3A_410 = arith.constant 0 : i32
      %dma_wait3A_411 = tpu.memref_slice %arg2[%dma_wait3A_409, %dma_wait3A_410] : memref<2604672x16xf32, #tpu.memory_space<hbm>> -> memref<2604672x16xf32, #tpu.memory_space<hbm>>
      tpu.wait_indirect_dma semaphore(%arg7 : memref<!tpu.dma_semaphore, #tpu.memory_space<semaphore_mem>>) src(%dma_wait3A_411 : memref<2604672x16xf32, #tpu.memory_space<hbm>>) dst(%dma_wait3A_406 : memref<128x16xf32, #tpu.memory_space<vmem>>)
      %dma_wait3A_412 = arith.constant 3072 : i32
      %dma_wait3A_413 = arith.constant 0 : i32
      %dma_wait3A_414 = tpu.memref_slice %arg6[%dma_wait3A_412, %dma_wait3A_413] : memref<3328x16xf32, #tpu.memory_space<vmem>> -> memref<128x16xf32, #tpu.memory_space<vmem>>
      %dma_wait3A_415 = arith.constant 3072 : i32
      %dma_wait3A_416 = tpu.memref_slice %arg5[%dma_wait3A_415] : memref<3328xi32, #tpu.memory_space<vmem>> -> memref<128xi32, #tpu.memory_space<vmem>>
      %dma_wait3A_417 = arith.constant 0 : i32
      %dma_wait3A_418 = arith.constant 0 : i32
      %dma_wait3A_419 = tpu.memref_slice %arg2[%dma_wait3A_417, %dma_wait3A_418] : memref<2604672x16xf32, #tpu.memory_space<hbm>> -> memref<2604672x16xf32, #tpu.memory_space<hbm>>
      tpu.wait_indirect_dma semaphore(%arg7 : memref<!tpu.dma_semaphore, #tpu.memory_space<semaphore_mem>>) src(%dma_wait3A_419 : memref<2604672x16xf32, #tpu.memory_space<hbm>>) dst(%dma_wait3A_414 : memref<128x16xf32, #tpu.memory_space<vmem>>)
      %dma_wait3A_420 = arith.constant 3200 : i32
      %dma_wait3A_421 = arith.constant 0 : i32
      %dma_wait3A_422 = tpu.memref_slice %arg6[%dma_wait3A_420, %dma_wait3A_421] : memref<3328x16xf32, #tpu.memory_space<vmem>> -> memref<128x16xf32, #tpu.memory_space<vmem>>
      %dma_wait3A_423 = arith.constant 3200 : i32
      %dma_wait3A_424 = tpu.memref_slice %arg5[%dma_wait3A_423] : memref<3328xi32, #tpu.memory_space<vmem>> -> memref<128xi32, #tpu.memory_space<vmem>>
      %dma_wait3A_425 = arith.constant 0 : i32
      %dma_wait3A_426 = arith.constant 0 : i32
      %dma_wait3A_427 = tpu.memref_slice %arg2[%dma_wait3A_425, %dma_wait3A_426] : memref<2604672x16xf32, #tpu.memory_space<hbm>> -> memref<2604672x16xf32, #tpu.memory_space<hbm>>
      tpu.wait_indirect_dma semaphore(%arg7 : memref<!tpu.dma_semaphore, #tpu.memory_space<semaphore_mem>>) src(%dma_wait3A_427 : memref<2604672x16xf32, #tpu.memory_space<hbm>>) dst(%dma_wait3A_422 : memref<128x16xf32, #tpu.memory_space<vmem>>)
      "tpu.region"() ({
        %run_scoped3A = tpu.sem_alloc : memref<!tpu.dma_semaphore, #tpu.memory_space<semaphore_mem>>
        %dma_start3A_429 = arith.constant 0 : i32
        %dma_start3A_430 = tpu.memref_slice %arg4[%add3A_13, %dma_start3A_429] : memref<425984x16xf32, #tpu.memory_space<hbm>> -> memref<3328x16xf32, #tpu.memory_space<hbm>>
        %dma_start3A_431 = arith.constant 0 : i32
        %dma_start3A_432 = tpu.memref_slice %arg4[%add3A_13, %dma_start3A_431] : memref<425984x16xf32, #tpu.memory_space<hbm>> -> memref<3328x16xf32, #tpu.memory_space<hbm>>
        tpu.enqueue_dma source(%arg6 : memref<3328x16xf32, #tpu.memory_space<vmem>>) target(%dma_start3A_432 : memref<3328x16xf32, #tpu.memory_space<hbm>>) target_semaphore(%run_scoped3A : memref<!tpu.dma_semaphore, #tpu.memory_space<semaphore_mem>>)
        %dma_wait3A_433 = arith.constant 0 : i32
        %dma_wait3A_434 = tpu.memref_slice %arg4[%add3A_13, %dma_wait3A_433] : memref<425984x16xf32, #tpu.memory_space<hbm>> -> memref<3328x16xf32, #tpu.memory_space<hbm>>
        %dma_wait3A_435 = arith.constant 0 : i32
        %dma_wait3A_436 = tpu.memref_slice %arg4[%add3A_13, %dma_wait3A_435] : memref<425984x16xf32, #tpu.memory_space<hbm>> -> memref<3328x16xf32, #tpu.memory_space<hbm>>
        tpu.wait_dma2 semaphore(%run_scoped3A : memref<!tpu.dma_semaphore, #tpu.memory_space<semaphore_mem>>) src(%arg6 : memref<3328x16xf32, #tpu.memory_space<vmem>>) dst(%dma_wait3A_436 : memref<3328x16xf32, #tpu.memory_space<hbm>>)
        tpu.yield
      }) : () -> ()
      %scan3A_428 = arith.constant 0 : i32
      scf.yield %scan3A_428 : i32
    }
    %scan3A_8 = arith.constant 4 : i32
    return
  }
}

module attributes {stable_mosaic.version = 14 : i64} {
  func.func @body(%arg0: i32, %arg1: memref<1024x416xf32, #tpu.memory_space<vmem>>, %arg2: memref<1024x13xf32, #tpu.memory_space<vmem>>, %arg3: memref<416x256xf32, #tpu.memory_space<vmem>>, %arg4: memref<13x256xf32, #tpu.memory_space<vmem>>, %arg5: memref<1x256xf32, #tpu.memory_space<vmem>>, %arg6: memref<256x128xf32, #tpu.memory_space<vmem>>, %arg7: memref<1x128xf32, #tpu.memory_space<vmem>>, %arg8: memref<128x1xf32, #tpu.memory_space<vmem>>, %arg9: memref<1x1xf32, #tpu.memory_space<vmem>>, %arg10: memref<1024x1xf32, #tpu.memory_space<vmem>>) attributes {dimension_semantics = [#tpu.dimension_semantics<arbitrary>], iteration_bounds = array<i64: 16>, scalar_prefetch = 0 : i64, scratch_operands = 0 : i64, tpu.core_type = #tpu.core_type<tc>, window_params = [{transform_indices = @transform_0, window_bounds = array<i64: 1024, 416>}, {transform_indices = @transform_1, window_bounds = array<i64: 1024, 13>}, {pipeline_mode = #tpu.pipeline_mode<synchronous>, transform_indices = @transform_2, window_bounds = array<i64: 416, 256>}, {pipeline_mode = #tpu.pipeline_mode<synchronous>, transform_indices = @transform_3, window_bounds = array<i64: 13, 256>}, {pipeline_mode = #tpu.pipeline_mode<synchronous>, transform_indices = @transform_4, window_bounds = array<i64: 1, 256>}, {pipeline_mode = #tpu.pipeline_mode<synchronous>, transform_indices = @transform_5, window_bounds = array<i64: 256, 128>}, {pipeline_mode = #tpu.pipeline_mode<synchronous>, transform_indices = @transform_6, window_bounds = array<i64: 1, 128>}, {pipeline_mode = #tpu.pipeline_mode<synchronous>, transform_indices = @transform_7, window_bounds = array<i64: 128, 1>}, {pipeline_mode = #tpu.pipeline_mode<synchronous>, transform_indices = @transform_8, window_bounds = array<i64: 1, 1>}, {transform_indices = @transform_9, window_bounds = array<i64: 1024, 1>}]} {
    %get3A = arith.constant 0 : index
    %get3A_0 = arith.constant 0 : index
    %get3A_1 = vector.load %arg1[%get3A, %get3A_0] : memref<1024x416xf32, #tpu.memory_space<vmem>>, vector<1024x416xf32>
    %get3A_2 = arith.constant 0 : index
    %get3A_3 = arith.constant 0 : index
    %get3A_4 = vector.load %arg3[%get3A_2, %get3A_3] : memref<416x256xf32, #tpu.memory_space<vmem>>, vector<416x256xf32>
    %dot_general3A = arith.constant dense<0.000000e+00> : vector<1024x256xf32>
    %dot_general3A_5 = tpu.matmul %get3A_1, %get3A_4, %dot_general3A {dimension_numbers = #tpu.dot_dimension_numbers<[1], [0], [0], [1], [0, 0, 1, 1], [], []>, transpose_lhs_hint = false} : vector<1024x416xf32>, vector<416x256xf32>, vector<1024x256xf32> -> vector<1024x256xf32>
    %get3A_6 = arith.constant 0 : index
    %get3A_7 = arith.constant 0 : index
    %get3A_8 = vector.load %arg2[%get3A_6, %get3A_7] : memref<1024x13xf32, #tpu.memory_space<vmem>>, vector<1024x13xf32>
    %get3A_9 = arith.constant 0 : index
    %get3A_10 = arith.constant 0 : index
    %get3A_11 = vector.load %arg4[%get3A_9, %get3A_10] : memref<13x256xf32, #tpu.memory_space<vmem>>, vector<13x256xf32>
    %dot_general3A_12 = arith.constant dense<0.000000e+00> : vector<1024x256xf32>
    %dot_general3A_13 = tpu.matmul %get3A_8, %get3A_11, %dot_general3A_12 {dimension_numbers = #tpu.dot_dimension_numbers<[1], [0], [0], [1], [0, 0, 1, 1], [], []>, transpose_lhs_hint = false} : vector<1024x13xf32>, vector<13x256xf32>, vector<1024x256xf32> -> vector<1024x256xf32>
    %add3A = arith.addf %dot_general3A_5, %dot_general3A_13 : vector<1024x256xf32>
    %get3A_14 = arith.constant 0 : index
    %get3A_15 = arith.constant 0 : index
    %get3A_16 = vector.load %arg5[%get3A_14, %get3A_15] : memref<1x256xf32, #tpu.memory_space<vmem>>, vector<1x256xf32>
    %add3A_17 = vector.broadcast %get3A_16 : vector<1x256xf32> to vector<1024x256xf32>
    %add3A_18 = arith.addf %add3A, %add3A_17 : vector<1024x256xf32>
    %max3A = arith.constant 0.000000e+00 : f32
    %max3A_19 = vector.broadcast %max3A : f32 to vector<1024x256xf32>
    %max3A_20 = arith.maximumf %add3A_18, %max3A_19 : vector<1024x256xf32>
    %get3A_21 = arith.constant 0 : index
    %get3A_22 = arith.constant 0 : index
    %get3A_23 = vector.load %arg6[%get3A_21, %get3A_22] : memref<256x128xf32, #tpu.memory_space<vmem>>, vector<256x128xf32>
    %dot_general3A_24 = arith.constant dense<0.000000e+00> : vector<1024x128xf32>
    %dot_general3A_25 = tpu.matmul %max3A_20, %get3A_23, %dot_general3A_24 {dimension_numbers = #tpu.dot_dimension_numbers<[1], [0], [0], [1], [0, 0, 1, 1], [], []>, transpose_lhs_hint = false} : vector<1024x256xf32>, vector<256x128xf32>, vector<1024x128xf32> -> vector<1024x128xf32>
    %get3A_26 = arith.constant 0 : index
    %get3A_27 = arith.constant 0 : index
    %get3A_28 = vector.load %arg7[%get3A_26, %get3A_27] : memref<1x128xf32, #tpu.memory_space<vmem>>, vector<1x128xf32>
    %add3A_29 = vector.broadcast %get3A_28 : vector<1x128xf32> to vector<1024x128xf32>
    %add3A_30 = arith.addf %dot_general3A_25, %add3A_29 : vector<1024x128xf32>
    %max3A_31 = arith.constant 0.000000e+00 : f32
    %max3A_32 = vector.broadcast %max3A_31 : f32 to vector<1024x128xf32>
    %max3A_33 = arith.maximumf %add3A_30, %max3A_32 : vector<1024x128xf32>
    %get3A_34 = arith.constant 0 : index
    %get3A_35 = arith.constant 0 : index
    %get3A_36 = vector.load %arg8[%get3A_34, %get3A_35] : memref<128x1xf32, #tpu.memory_space<vmem>>, vector<128x1xf32>
    %dot_general3A_37 = arith.constant dense<0.000000e+00> : vector<1024x1xf32>
    %dot_general3A_38 = tpu.matmul %max3A_33, %get3A_36, %dot_general3A_37 {dimension_numbers = #tpu.dot_dimension_numbers<[1], [0], [0], [1], [0, 0, 1, 1], [], []>, transpose_lhs_hint = false} : vector<1024x128xf32>, vector<128x1xf32>, vector<1024x1xf32> -> vector<1024x1xf32>
    %get3A_39 = arith.constant 0 : index
    %get3A_40 = arith.constant 0 : index
    %get3A_41 = vector.load %arg9[%get3A_39, %get3A_40] : memref<1x1xf32, #tpu.memory_space<vmem>>, vector<1x1xf32>
    %add3A_42 = vector.broadcast %get3A_41 : vector<1x1xf32> to vector<1024x1xf32>
    %add3A_43 = arith.addf %dot_general3A_38, %add3A_42 : vector<1024x1xf32>
    %swap3A = arith.constant 0 : index
    %swap3A_44 = arith.constant 0 : index
    %swap3A_45 = vector.load %arg10[%swap3A, %swap3A_44] : memref<1024x1xf32, #tpu.memory_space<vmem>>, vector<1024x1xf32>
    tpu.vector_store %arg10[%swap3A, %swap3A_44], %add3A_43 {strides = array<i32>} : memref<1024x1xf32, #tpu.memory_space<vmem>>, vector<1024x1xf32>,
    return
  }
  func.func @transform_0(%arg0: i32) -> (i32, i32) {
    %c0_i32 = arith.constant 0 : i32
    %c0_i32_0 = arith.constant 0 : i32
    return %arg0, %c0_i32 : i32, i32
  }
  func.func @transform_1(%arg0: i32) -> (i32, i32) {
    %c0_i32 = arith.constant 0 : i32
    %c0_i32_0 = arith.constant 0 : i32
    return %arg0, %c0_i32 : i32, i32
  }
  func.func @transform_2(%arg0: i32) -> (i32, i32) {
    %c0_i32 = arith.constant 0 : i32
    %c0_i32_0 = arith.constant 0 : i32
    %c0_i32_1 = arith.constant 0 : i32
    return %c0_i32, %c0_i32_0 : i32, i32
  }
  func.func @transform_3(%arg0: i32) -> (i32, i32) {
    %c0_i32 = arith.constant 0 : i32
    %c0_i32_0 = arith.constant 0 : i32
    %c0_i32_1 = arith.constant 0 : i32
    return %c0_i32, %c0_i32_0 : i32, i32
  }
  func.func @transform_4(%arg0: i32) -> (i32, i32) {
    %c0_i32 = arith.constant 0 : i32
    %c0_i32_0 = arith.constant 0 : i32
    %c0_i32_1 = arith.constant 0 : i32
    return %c0_i32, %c0_i32_0 : i32, i32
  }
  func.func @transform_5(%arg0: i32) -> (i32, i32) {
    %c0_i32 = arith.constant 0 : i32
    %c0_i32_0 = arith.constant 0 : i32
    %c0_i32_1 = arith.constant 0 : i32
    return %c0_i32, %c0_i32_0 : i32, i32
  }
  func.func @transform_6(%arg0: i32) -> (i32, i32) {
    %c0_i32 = arith.constant 0 : i32
    %c0_i32_0 = arith.constant 0 : i32
    %c0_i32_1 = arith.constant 0 : i32
    return %c0_i32, %c0_i32_0 : i32, i32
  }
  func.func @transform_7(%arg0: i32) -> (i32, i32) {
    %c0_i32 = arith.constant 0 : i32
    %c0_i32_0 = arith.constant 0 : i32
    %c0_i32_1 = arith.constant 0 : i32
    return %c0_i32, %c0_i32_0 : i32, i32
  }
  func.func @transform_8(%arg0: i32) -> (i32, i32) {
    %c0_i32 = arith.constant 0 : i32
    %c0_i32_0 = arith.constant 0 : i32
    %c0_i32_1 = arith.constant 0 : i32
    return %c0_i32, %c0_i32_0 : i32, i32
  }
  func.func @transform_9(%arg0: i32) -> (i32, i32) {
    %c0_i32 = arith.constant 0 : i32
    %c0_i32_0 = arith.constant 0 : i32
    return %arg0, %c0_i32 : i32, i32
  }
}

</mosaic_0001>

<sc_bundles>
// kernel: kernel.5.cloned.1.call-start
scs
__scs_entry_jumppad:
0x0: {  	(pc) =	sbr.rel $0x88, $3  }
0x1: {  	(tag) =	ssettag $0x0;
	lr =	simm.s32 $0x1  }
0x2: {  	[smem:$0x3F98] =	sst lr;
	_ =	strace $0xD0000000  }
0x3: {  	_ = 	snop  }
0x4: {  	_ = 	snop  }
0x5: {  	_ = 	snop  }
0x6: {  	_ = 	snop  }
0x7: {  	_ = 	snop  }
__scs_overlays_trampoline_lowered:
0x8: {  	[smem:$0x3FA7] =	sst s0  }
0x9: {  	[smem:$0x3FA8] =	sst s1  }
0xa: {  	[smem:$0x3FA9] =	sst s2  }
0xb: {  	[smem:$0x3FAA] =	sst s3  }
0xc: {  	[smem:$0x3FAB] =	sst s4  }
0xd: {  	[smem:$0x3FAC] =	sst s5  }
0xe: {  	[smem:$0x3FAD] =	sst s6  }
0xf: {  	[smem:$0x3FAE] =	sst s7  }
0x10: {  	[smem:$0x3FAF] =	sst s8  }
0x11: {  	[smem:$0x3FB0] =	sst s9;
	s0 =	simm.s32 @!p0 $0x0  }
0x12: {  	s1 =	sld [smem:$0x3F96];
	s0 =	simm.s32 @p0 $0x1  }
0x13: {  	[smem:$0x3FB1] =	sst s0;
	s0 =	simm.s32 @!p1 $0x0  }
0x14: {  	s2 =	sld [smem:$0x3F95];
	s0 =	simm.s32 @p1 $0x1  }
0x15: {  	[smem:$0x3FB2] =	sst s0;
	s0 =	simm.s32 @!p2 $0x0  }
0x16: {  	s3 =	sld [smem:$0x3FDB];
	s0 =	simm.s32 @p2 $0x1  }
0x17: {  	s4 =	simm.s32 $0x1BF5;
	[smem:$0x3FB4] =	sst s0  }
0x18: {  	s0 =	sld [smem:$0x3F97];
	_ =	swait.ge [sflag:s4], $0x0  }
0x19: {  	s7 =	sld [smem:$0x3F98]  }
0x1a: {  	s8 =	sadd.s32 $0xFFFFE003, lr  }
0x1b: {  	s9 =	sadd.s32 $0xFFFFFEF7, lr;
	s5 =	simm.s32 $0xFFFFFFFF;
	p2 =	slt.u32 s8, $0xFFFFF086  }
0x1c: {  	p1 =	slt.u32 s9, $0xF7A;
	s5 =	simm.s32 @!p2 $0x0  }
0x1d: {  	s5 =	simm.s32 @p1 $0x1;
	p0 =	seq.s32 s7, s2  }
0x1e: {  	s7 =	smul.u32 @!p0 $0xF7A, s2;
	p2 =	seq.s32 @!p0 s5, $0x0  }
0x1f: {  	s9 =	smul.u32 $0xF7A, s1;
	s8 =	simm.s32 @!p0 $0x1BF5;
	p2 =	por !p2, p0  }
0x20: {  	[sflag:s8] =	ssyncset.s32 @!p0 $0xFFFFF086;
	s6 =	sadd.s32 @!p0 s3, s7;
	s7 =	simm.s32 @!p0 $0x108  }
0x21: {  	s3 =	sadd.s32 s3, s9;
	s6 =	sadd.s32 @!p0 $0x88, s6;
	s7 =	simm.s32 @p2 $0x1082  }
0x22: {  	[simem:s7], [sflag:s8] =	dma.local @!p0 [hbm:s6], $0xF7A  }
0x23: {  	s9 =	sor.u32 $0xD0000000, s2;
	s6 =	simm.s32 $0x108;
	_ =	swait.ge @!p0 [sflag:s8], $0x0  }
0x24: {  	s3 =	sadd.s32 $0x88, s3;
	s6 =	simm.s32 @!p1 $0x1082;
	[sflag:s4] =	ssyncset.s32 $0xFFFFF086  }
0x25: {  	[simem:s6], [sflag:s4] =	dma.local [hbm:s3], $0xF7A  }
0x26: {  	[smem:$0x3F98] =	sst s1;
	(tag) =	ssettag s2;
	_ =	strace s9  }
0x27: {  	s1 =	sld [smem:$0x3FA8]  }
0x28: {  	s2 =	sld [smem:$0x3FA9]  }
0x29: {  	s4 =	sld [smem:$0x3FAB]  }
0x2a: {  	p0 =	seq.s32 s5, $0x0;
	s5 =	sld [smem:$0x3FAC]  }
0x2b: {  	s6 =	sld [smem:$0x3FAD]  }
0x2c: {  	s7 =	sld [smem:$0x3FAE]  }
0x2d: {  	s3 =	simm.s32 $0x108;
	s8 =	sld [smem:$0x3FAF]  }
0x2e: {  	s3 =	simm.s32 @!p0 $0x1082;
	s9 =	sld [smem:$0x3FB0]  }
0x2f: {  	lr =	sadd.s32 s0, s3;
	s0 =	sld [smem:$0x3FA7]  }
0x30: {  	s3 =	sld [smem:$0x3FAA]  }
0x31: {  	[smem:$0x3FB3] =	sst s10  }
0x32: {  	s10 =	sld [smem:$0x3FB1];
	_ =	sdelay $0x3  }
0x33: {  	p0 =	seq.s32 s10, $0x1;
	s10 =	sld [smem:$0x3FB3];
	_ =	sdelay $0x3  }
0x34: {  	[smem:$0x3FB3] =	sst s10  }
0x35: {  	s10 =	sld [smem:$0x3FB2];
	_ =	sdelay $0x3  }
0x36: {  	p1 =	seq.s32 s10, $0x1;
	s10 =	sld [smem:$0x3FB3];
	_ =	sdelay $0x3  }
0x37: {  	[smem:$0x3FB3] =	sst s10  }
0x38: {  	s10 =	sld [smem:$0x3FB4]  }
0x39: {  	_ = 	snop;
	(pc) =	sbr.ind lr, $3  }
0x3a: {  	_ = 	snop  }
0x3b: {  	_ = 	snop  }
0x3c: {  	p2 =	seq.s32 s10, $0x1;
	s10 =	sld [smem:$0x3FB3]  }
0x3d: {  	_ =	shalt  }
0x3e: {  	_ =	shalt  }
0x3f: {  	_ =	shalt  }
0x40: {  	_ =	shalt  }
0x41: {  	_ =	shalt  }
0x42: {  	_ =	shalt  }
0x43: {  	_ =	shalt  }
0x44: {  	_ =	shalt  }
0x45: {  	_ =	shalt  }
0x46: {  	_ =	shalt  }
0x47: {  	_ =	shalt  }
0x48: {  	_ =	shalt  }
0x49: {  	_ =	shalt  }
0x4a: {  	_ =	shalt  }
0x4b: {  	_ =	shalt  }
0x4c: {  	_ =	shalt  }
0x4d: {  	_ =	shalt  }
0x4e: {  	_ =	shalt  }
0x4f: {  	_ =	shalt  }
0x50: {  	_ =	shalt  }
0x51: {  	_ =	shalt  }
0x52: {  	_ =	shalt  }
0x53: {  	_ =	shalt  }
0x54: {  	_ =	shalt  }
0x55: {  	_ =	shalt  }
0x56: {  	_ =	shalt  }
0x57: {  	_ =	shalt  }
0x58: {  	_ =	shalt  }
0x59: {  	_ =	shalt  }
0x5a: {  	_ =	shalt  }
0x5b: {  	_ =	shalt  }
0x5c: {  	_ =	shalt  }
0x5d: {  	_ =	shalt  }
0x5e: {  	_ =	shalt  }
0x5f: {  	_ =	shalt  }
0x60: {  	_ =	shalt  }
0x61: {  	_ =	shalt  }
0x62: {  	_ =	shalt  }
0x63: {  	_ =	shalt  }
0x64: {  	_ =	shalt  }
0x65: {  	_ =	shalt  }
0x66: {  	_ =	shalt  }
0x67: {  	_ =	shalt  }
0x68: {  	_ =	shalt  }
0x69: {  	_ =	shalt  }
0x6a: {  	_ =	shalt  }
0x6b: {  	_ =	shalt  }
0x6c: {  	_ =	shalt  }
0x6d: {  	_ =	shalt  }
0x6e: {  	_ =	shalt  }
0x6f: {  	_ =	shalt  }
0x70: {  	_ =	shalt  }
0x71: {  	_ =	shalt  }
0x72: {  	_ =	shalt  }
0x73: {  	_ =	shalt  }
0x74: {  	_ =	shalt  }
0x75: {  	_ =	shalt  }
0x76: {  	_ =	shalt  }
0x77: {  	_ =	shalt  }
0x78: {  	_ =	shalt  }
0x79: {  	_ =	shalt  }
0x7a: {  	_ =	shalt  }
0x7b: {  	_ =	shalt  }
0x7c: {  	_ =	shalt  }
0x7d: {  	_ =	shalt  }
0x7e: {  	_ =	shalt  }
0x7f: {  	_ =	shalt  }
0x80: {  	_ =	shalt  }
0x81: {  	_ =	shalt  }
0x82: {  	_ =	shalt  }
0x83: {  	_ =	shalt  }
0x84: {  	_ =	shalt  }
0x85: {  	_ =	shalt  }
0x86: {  	_ =	shalt  }
0x87: {  	_ =	shalt  }
.Lfunc_end0:
.L_simem_size_0:
called_computation_lowered:
.L_overlay_start_0:
0x88: {  	s2 =	sld [smem:$0x3FD9]  }
0x89: {  	s3 =	sld [smem:$0x3FFE];
	_ =	sdelay $0x1  }
0x8a: {  	s1 =	srdreg.scid  }
0x8b: {  	s0 =	sand.u32 $0x1, s1  }
0x8c: {  	s17 =	sshll.u32 s0, $0xA;
	s2 =	sadd.s32 s3, s2  }
0x8d: {  	s2 =	sadd.s32 s2, s17  }
0x8e: {  	[smem:$0x3FBF] =	sst s2  }
0x8f: {  	_ = 	snop  }
0x90: {  	s2 =	sld [smem:$0x3FC7];
	(tm) =	ssettm $0x1  }
0x91: {  	s18 =	sld [smem:$0x3FFB];
	_ =	sdelay $0x3  }
0x92: {  	_ =	strace s18  }
0x93: {  	s3 =	sld [smem:$0x3FFC];
	_ =	sdelay $0x3  }
0x94: {  	_ =	strace s3  }
0x95: {  	s3 =	sld [smem:$0x3FFD];
	_ =	sdelay $0x3  }
0x96: {  	_ =	strace s3  }
0x97: {  	_ =	strace $0x8FFFFFFF  }
0x98: {  	s19 =	sld [smem:$0x3FDB];
	_ =	sdelay $0x1  }
0x99: {  	s4 =	simm.s32 $_scs_section_size  }
0x9a: {  	s5 =	simm.s32 $_size__tile_overlayer_lowered;
	s6 =	simm.s32 $_tile_overlayer_lowered  }
0x9b: {  	s22 =	simm.s32 $0x1BFF;
	s21 =	sshll.u32 s6, $0x1;
	s3 =	sadd.s32 s4, s19  }
0x9c: {  	s7 =	simm.s32 $0x0;
	s20 =	sshll.u32 s5, $0x1;
	s5 =	sadd.s32 s21, s3  }
0x9d: {  	[timem:s7], [sflag:s22] =	dma.local [hbm:s5], s20  }
0x9e: {  	_ =	swait.ge [sflag:s22], s20  }
0x9f: {  	s4 =	ssub.s32 $0x0, s20;
	[sflag:s22] =	ssyncset.done $0x0  }
0xa0: {  	[sflag:s22] =	ssyncadd.s32 s4;
	_ =	sdelay $0x1  }
0xa1: {  	s23 =	simm.s32 $0x1B8B  }
0xa2: {  	_ =	swait.ge [sflag:s23], $0x1  }
0xa3: {  	[sflag:s23] =	ssyncset.done $0x0  }
0xa4: {  	s25 =	simm.s32 $0x1B8E;
	s24 =	sld [smem:$0x3FFE];
	[sflag:s23] =	ssyncadd.s32 $0xFFFFFFFF  }
0xa5: {  	s26 =	simm.s32 $execute0_lowered;
	[smem:$0x3FD2] =	sst s25  }
0xa6: {  	s5 =	sshll.u32 s26, $0x1;
	_ =	strace $0x80000046;
	[dreg:$0x1] =	wrdreg $0xFFFFFFFF  }
0xa7: {  	s28 =	simm.s32 $_size_execute0_lowered;
	s3 =	sadd.s32 s3, s5;
	[dreg:$0x0] =	wrdreg $0x0  }
0xa8: {  	s5 =	sshll.u32 s28, $0x1;
	[dreg:$0x2] =	wrdreg s3  }
0xa9: {  	[dreg:$0x3] =	wrdreg s5  }
0xaa: {  	[dreg:$0x4] =	wrdreg $0xC0  }
0xab: {  	_ =	task [dreg:s7], $0x5FFFF  }
0xac: {  	[dreg:$0x1] =	wrdreg $0xFFFFFFFF  }
0xad: {  	[dreg:$0x0] =	wrdreg $0x60  }
0xae: {  	[dreg:$0x2] =	wrdreg s2  }
0xaf: {  	[dreg:$0x3] =	wrdreg s24  }
0xb0: {  	[dreg:$0x4] =	wrdreg $0x9  }
0xb1: {  	_ =	task.clear_ibuf [dreg:s7], $0x5FFFF;
	_ =	strace $0x90000046  }
0xb2: {  	s29 =	simm.s32 $0x9;
	_ =	strace $0x80000048  }
0xb3: {  	_ =	swait.ge [sflag:s29], $0x1  }
0xb4: {  	[sflag:s29] =	ssyncadd.s32 $0xFFFFFFFF  }
0xb5: {  	_ =	strace $0x90000048  }
0xb6: {  	_ =	sfence  }
0xb7: {  	s30 =	sld [smem:$0x0];
	_ =	sdelay $0x2  }
0xb8: {  	s31 =	sshll.u32 s1, $0xD;
	s1 =	sshrl.u32 s1, $0x2  }
0xb9: {  	s3 =	sand.u32 $0x4000, s31;
	s1 =	sadd.s32 s1, s30  }
0xba: {  	s0 =	sor.u32 s3, s0;
	s1 =	sshll.u32 s1, $0x11  }
0xbb: {  	s0 =	sor.u32 s1, s0  }
0xbc: {  	s0 =	sadd.s32 $0x8F2B, s0  }
0xbd: {  	[sflag:s0] =	ssyncadd.remote.s32 $0x1  }
0xbe: {  	_ =	sfence.sel $0xFFFF  }
0xbf: {  	[dreg:$0x0] =	wrdreg $0xFFFFFFFF;
	(pc) =	sbr.abs _section_cstart, $3  }
0xc0: {  	[dreg:$0x1] =	wrdreg $0xFFFFFFFF  }
0xc1: {  	_ =	task.clear_ibuf [dreg:s7], $0x2FFFF;
	_ =	strace $0x9FFFFFFF  }
0xc2: {  	(tm) =	ssettm $0x7FFFFFFF  }
0xc3: {  	_ =	shalt  }
tec
execute0_lowered:
.L_overlay_start_1:
0x0: {  	(tag) =	ssettag $0x1  }
0x1: {  	v0 =	vimm.s32 $0x4B80  }
0x2: {  	vm14 =	vcmask $0x300;
	vm13 =	vcmask $0x704;
	vm12 =	vcmask $0xB08  }
0x3: {  	vm11 =	vcmask $0xF0C;
	vm10 =	vcmask $0x1310;
	vm9 =	vcmask $0x1714  }
0x4: {  	vm8 =	vcmask $0x1B18;
	vm7 =	vcmask $0x1F1C;
	vm6 =	vcmask $0x2320  }
0x5: {  	vm5 =	vcmask $0x2724;
	vm4 =	vcmask $0x2B28;
	vm3 =	vcmask $0x2F2C  }
0x6: {  	vm2 =	vcmask $0x3330;
	vm1 =	vcmask $0x3734;
	vm0 =	vcmask $0x3B38  }
0x7: {  	v1 =	vimm.s32 $0x4B83;
	v2 =	vimm.s32 $0x4B81;
	v3 =	vimm.s32 $0x4B82  }
0x8: {  	v4 =	vimm.s32 $0x4B84;
	v5 =	vimm.s32 $0x4B85;
	v6 =	vimm.s32 $0x4B86  }
0x9: {  	v7 =	vimm.s32 $0x4B87;
	v8 =	vimm.s32 $0xDB80;
	v9 =	vimm.s32 $0xDB83  }
0xa: {  	v10 =	vimm.s32 $0xDB81;
	v11 =	vimm.s32 $0xDB82;
	v12 =	vimm.s32 $0xDB84  }
0xb: {  	v13 =	vimm.s32 $0xDB85;
	v14 =	vimm.s32 $0xDB86;
	v15 =	vimm.s32 $0xDB87  }
0xc: {  	v0 =	vsel vm14, $0x0, v0;
	v1 =	vsel vm14, $0x3, v1;
	v2 =	vsel vm14, $0x1, v2  }
0xd: {  	v3 =	vsel vm14, $0x2, v3;
	v4 =	vsel vm14, $0x4, v4;
	v5 =	vsel vm14, $0x5, v5  }
0xe: {  	v6 =	vsel vm14, $0x6, v6;
	v7 =	vsel vm14, $0x7, v7;
	v8 =	vsel vm14, $0x9000, v8  }
0xf: {  	v9 =	vsel vm14, $0x9003, v9;
	v10 =	vsel vm14, $0x9001, v10;
	v11 =	vsel vm14, $0x9002, v11  }
0x10: {  	v12 =	vsel vm14, $0x9004, v12;
	v13 =	vsel vm14, $0x9005, v13;
	v14 =	vsel vm14, $0x9006, v14  }
0x11: {  	v15 =	vsel vm14, $0x9007, v15;
	v0 =	vsel vm13, $0x80, v0;
	v1 =	vsel vm13, $0x83, v1  }
0x12: {  	v2 =	vsel vm13, $0x81, v2;
	v3 =	vsel vm13, $0x82, v3;
	v4 =	vsel vm13, $0x84, v4  }
0x13: {  	v5 =	vsel vm13, $0x85, v5;
	v6 =	vsel vm13, $0x86, v6;
	v7 =	vsel vm13, $0x87, v7  }
0x14: {  	v8 =	vsel vm13, $0x9080, v8;
	v9 =	vsel vm13, $0x9083, v9;
	v10 =	vsel vm13, $0x9081, v10  }
0x15: {  	v11 =	vsel vm13, $0x9082, v11;
	v12 =	vsel vm13, $0x9084, v12;
	v13 =	vsel vm13, $0x9085, v13  }
0x16: {  	v14 =	vsel vm13, $0x9086, v14;
	v15 =	vsel vm13, $0x9087, v15;
	v0 =	vsel vm12, $0x100, v0  }
0x17: {  	v1 =	vsel vm12, $0x103, v1;
	v2 =	vsel vm12, $0x101, v2;
	v3 =	vsel vm12, $0x102, v3  }
0x18: {  	v4 =	vsel vm12, $0x104, v4;
	v5 =	vsel vm12, $0x105, v5;
	v6 =	vsel vm12, $0x106, v6  }
0x19: {  	v7 =	vsel vm12, $0x107, v7;
	v8 =	vsel vm12, $0x9100, v8;
	v9 =	vsel vm12, $0x9103, v9  }
0x1a: {  	v10 =	vsel vm12, $0x9101, v10;
	v11 =	vsel vm12, $0x9102, v11;
	v12 =	vsel vm12, $0x9104, v12  }
0x1b: {  	v13 =	vsel vm12, $0x9105, v13;
	v14 =	vsel vm12, $0x9106, v14;
	v15 =	vsel vm12, $0x9107, v15  }
0x1c: {  	v0 =	vsel vm11, $0x180, v0;
	v1 =	vsel vm11, $0x183, v1;
	v2 =	vsel vm11, $0x181, v2  }
0x1d: {  	v3 =	vsel vm11, $0x182, v3;
	v4 =	vsel vm11, $0x184, v4;
	v5 =	vsel vm11, $0x185, v5  }
0x1e: {  	v6 =	vsel vm11, $0x186, v6;
	v7 =	vsel vm11, $0x187, v7;
	v8 =	vsel vm11, $0x9180, v8  }
0x1f: {  	v9 =	vsel vm11, $0x9183, v9;
	v10 =	vsel vm11, $0x9181, v10;
	v11 =	vsel vm11, $0x9182, v11  }
0x20: {  	v12 =	vsel vm11, $0x9184, v12;
	v13 =	vsel vm11, $0x9185, v13;
	v14 =	vsel vm11, $0x9186, v14  }
0x21: {  	v15 =	vsel vm11, $0x9187, v15;
	v0 =	vsel vm10, $0x200, v0;
	v1 =	vsel vm10, $0x203, v1  }
0x22: {  	v2 =	vsel vm10, $0x201, v2;
	v3 =	vsel vm10, $0x202, v3;
	v4 =	vsel vm10, $0x204, v4  }
0x23: {  	v5 =	vsel vm10, $0x205, v5;
	v6 =	vsel vm10, $0x206, v6;
	v7 =	vsel vm10, $0x207, v7  }
0x24: {  	v8 =	vsel vm10, $0x9200, v8;
	v9 =	vsel vm10, $0x9203, v9;
	v10 =	vsel vm10, $0x9201, v10  }
0x25: {  	v11 =	vsel vm10, $0x9202, v11;
	v12 =	vsel vm10, $0x9204, v12;
	v13 =	vsel vm10, $0x9205, v13  }
0x26: {  	v14 =	vsel vm10, $0x9206, v14;
	v15 =	vsel vm10, $0x9207, v15;
	v0 =	vsel vm9, $0x280, v0  }
0x27: {  	v1 =	vsel vm9, $0x283, v1;
	v2 =	vsel vm9, $0x281, v2;
	v3 =	vsel vm9, $0x282, v3  }
0x28: {  	v4 =	vsel vm9, $0x284, v4;
	v5 =	vsel vm9, $0x285, v5;
	v6 =	vsel vm9, $0x286, v6  }
0x29: {  	v7 =	vsel vm9, $0x287, v7;
	v8 =	vsel vm9, $0x9280, v8;
	v9 =	vsel vm9, $0x9283, v9  }
0x2a: {  	v10 =	vsel vm9, $0x9281, v10;
	v11 =	vsel vm9, $0x9282, v11;
	v12 =	vsel vm9, $0x9284, v12  }
0x2b: {  	v13 =	vsel vm9, $0x9285, v13;
	v14 =	vsel vm9, $0x9286, v14;
	v15 =	vsel vm9, $0x9287, v15  }
0x2c: {  	v0 =	vsel vm8, $0x300, v0;
	v1 =	vsel vm8, $0x303, v1;
	v2 =	vsel vm8, $0x301, v2  }
0x2d: {  	v3 =	vsel vm8, $0x302, v3;
	v4 =	vsel vm8, $0x304, v4;
	v5 =	vsel vm8, $0x305, v5  }
0x2e: {  	v6 =	vsel vm8, $0x306, v6;
	v7 =	vsel vm8, $0x307, v7;
	v8 =	vsel vm8, $0x9300, v8  }
0x2f: {  	v9 =	vsel vm8, $0x9303, v9;
	v10 =	vsel vm8, $0x9301, v10;
	v11 =	vsel vm8, $0x9302, v11  }
0x30: {  	v12 =	vsel vm8, $0x9304, v12;
	v13 =	vsel vm8, $0x9305, v13;
	v14 =	vsel vm8, $0x9306, v14  }
0x31: {  	v15 =	vsel vm8, $0x9307, v15;
	v0 =	vsel vm7, $0x380, v0;
	v1 =	vsel vm7, $0x383, v1  }
0x32: {  	v2 =	vsel vm7, $0x381, v2;
	v3 =	vsel vm7, $0x382, v3;
	v4 =	vsel vm7, $0x384, v4  }
0x33: {  	v5 =	vsel vm7, $0x385, v5;
	v6 =	vsel vm7, $0x386, v6;
	v7 =	vsel vm7, $0x387, v7  }
0x34: {  	v8 =	vsel vm7, $0x9380, v8;
	v9 =	vsel vm7, $0x9383, v9;
	v10 =	vsel vm7, $0x9381, v10  }
0x35: {  	v11 =	vsel vm7, $0x9382, v11;
	v12 =	vsel vm7, $0x9384, v12;
	v13 =	vsel vm7, $0x9385, v13  }
0x36: {  	v14 =	vsel vm7, $0x9386, v14;
	v15 =	vsel vm7, $0x9387, v15;
	v0 =	vsel vm6, $0x4800, v0  }
0x37: {  	v1 =	vsel vm6, $0x4803, v1;
	v2 =	vsel vm6, $0x4801, v2;
	v3 =	vsel vm6, $0x4802, v3  }
0x38: {  	v4 =	vsel vm6, $0x4804, v4;
	v5 =	vsel vm6, $0x4805, v5;
	v6 =	vsel vm6, $0x4806, v6  }
0x39: {  	v7 =	vsel vm6, $0x4807, v7;
	v8 =	vsel vm6, $0xD800, v8;
	v9 =	vsel vm6, $0xD803, v9  }
0x3a: {  	v10 =	vsel vm6, $0xD801, v10;
	v11 =	vsel vm6, $0xD802, v11;
	v12 =	vsel vm6, $0xD804, v12  }
0x3b: {  	v13 =	vsel vm6, $0xD805, v13;
	v14 =	vsel vm6, $0xD806, v14;
	v15 =	vsel vm6, $0xD807, v15  }
0x3c: {  	v0 =	vsel vm5, $0x4880, v0;
	v1 =	vsel vm5, $0x4883, v1;
	v2 =	vsel vm5, $0x4881, v2  }
0x3d: {  	v3 =	vsel vm5, $0x4882, v3;
	v4 =	vsel vm5, $0x4884, v4;
	v5 =	vsel vm5, $0x4885, v5  }
0x3e: {  	v6 =	vsel vm5, $0x4886, v6;
	v7 =	vsel vm5, $0x4887, v7;
	v8 =	vsel vm5, $0xD880, v8  }
0x3f: {  	v9 =	vsel vm5, $0xD883, v9;
	v10 =	vsel vm5, $0xD881, v10;
	v11 =	vsel vm5, $0xD882, v11  }
0x40: {  	v12 =	vsel vm5, $0xD884, v12;
	v13 =	vsel vm5, $0xD885, v13;
	v14 =	vsel vm5, $0xD886, v14  }
0x41: {  	v15 =	vsel vm5, $0xD887, v15;
	v0 =	vsel vm4, $0x4900, v0;
	v1 =	vsel vm4, $0x4903, v1  }
0x42: {  	v2 =	vsel vm4, $0x4901, v2;
	v3 =	vsel vm4, $0x4902, v3;
	v4 =	vsel vm4, $0x4904, v4  }
0x43: {  	v5 =	vsel vm4, $0x4905, v5;
	v6 =	vsel vm4, $0x4906, v6;
	v7 =	vsel vm4, $0x4907, v7  }
0x44: {  	v8 =	vsel vm4, $0xD900, v8;
	v9 =	vsel vm4, $0xD903, v9;
	v10 =	vsel vm4, $0xD901, v10  }
0x45: {  	v11 =	vsel vm4, $0xD902, v11;
	v12 =	vsel vm4, $0xD904, v12;
	v13 =	vsel vm4, $0xD905, v13  }
0x46: {  	v14 =	vsel vm4, $0xD906, v14;
	v15 =	vsel vm4, $0xD907, v15;
	v0 =	vsel vm3, $0x4980, v0  }
0x47: {  	s1 =	srdreg.scid;
	s0 =	stileid.u32;
	v1 =	vsel vm3, $0x4983, v1;
	v2 =	vsel vm3, $0x4981, v2;
	v3 =	vsel vm3, $0x4982, v3  }
0x48: {  	s6 =	sand.u32 $0x1, s1;
	s23 =	sshll.u32 s0, $0x1;
	v4 =	vsel vm3, $0x4984, v4;
	v5 =	vsel vm3, $0x4985, v5;
	v6 =	vsel vm3, $0x4986, v6  }
0x49: {  	s2 =	sor.u32 s6, s23;
	v7 =	vsel vm3, $0x4987, v7;
	v8 =	vsel vm3, $0xD980, v8;
	v9 =	vsel vm3, $0xD983, v9  }
0x4a: {  	s9 =	rddreg [dreg:$0x1];
	s3 =	smul.u32 $0xD386, s2;
	v10 =	vsel vm3, $0xD981, v10;
	v11 =	vsel vm3, $0xD982, v11;
	v12 =	vsel vm3, $0xD984, v12  }
0x4b: {  	s14 =	simm.s32 $0x4800;
	s15 =	simm.s32 $0x9000;
	s1 =	smul.u32 $0x26, s2;
	v13 =	vsel vm3, $0xD985, v13;
	v14 =	vsel vm3, $0xD986, v14;
	v15 =	vsel vm3, $0xD987, v15  }
0x4c: {  	s16 =	simm.s32 $0xD800;
	s17 =	simm.s32 $0x12000;
	s5 =	sshrl.u32 s3, $0x10;
	v0 =	vsel vm2, $0x4A00, v0;
	v1 =	vsel vm2, $0x4A03, v1;
	v2 =	vsel vm2, $0x4A01, v2  }
0x4d: {  	s18 =	simm.s32 $0x2;
	s7 =	sor.u32 $0x1, s1;
	s3 =	smul.u32 $0x2E, s5;
	v3 =	vsel vm2, $0x4A02, v3;
	v4 =	vsel vm2, $0x4A04, v4;
	v5 =	vsel vm2, $0x4A05, v5  }
0x4e: {  	s19 =	simm.s32 $0x3;
	s20 =	simm.s32 $0x0;
	s24 =	smul.u32 $0x591, s7;
	v6 =	vsel vm2, $0x4A06, v6;
	v7 =	vsel vm2, $0x4A07, v7;
	v8 =	vsel vm2, $0xDA00, v8  }
0x4f: {  	s6 =	ssub.s32 $0x2, s6;
	p0 =	seq.s32 s2, $0x0;
	s3 =	ssub.s32 s1, s3;
	v9 =	vsel vm2, $0xDA03, v9;
	v10 =	vsel vm2, $0xDA01, v10;
	v11 =	vsel vm2, $0xDA02, v11  }
0x50: {  	s2 =	rddreg [dreg:$0x0];
	s8 =	sshrl.u32 s24, $0x10;
	s4 =	sand.u32 $0xFFFE, s3;
	v12 =	vsel vm2, $0xDA04, v12;
	v13 =	vsel vm2, $0xDA05, v13;
	v14 =	vsel vm2, $0xDA06, v14  }
0x51: {  	s28 =	sshrl.u32 s6, $0x1;
	s8 =	smul.u32 $0x2E, s8;
	p1 =	sne.s32 s4, $0x0;
	v15 =	vsel vm2, $0xDA07, v15;
	v0 =	vsel vm1, $0x4A80, v0;
	v1 =	vsel vm1, $0x4A83, v1  }
0x52: {  	s29 =	ssub.s32 s6, s28;
	s25 =	smul.u32 $0x187000, s5;
	p0 =	por !p0, !p1;
	v2 =	vsel vm1, $0x4A81, v2;
	v3 =	vsel vm1, $0x4A82, v3;
	v4 =	vsel vm1, $0x4A84, v4  }
0x53: {  	s3 =	simm.s32 $0x1;
	s7 =	ssub.s32 s7, s8;
	p0 =	por !p0, !p0;
	v5 =	vsel vm1, $0x4A85, v5;
	v6 =	vsel vm1, $0x4A86, v6;
	v7 =	vsel vm1, $0x4A87, v7  }
0x54: {  	s11 =	smul.u32 $0x4400, s4;
	s26 =	sand.u32 $0xFFFF, s7;
	s3 =	simm.s32 @!p0 $0x0;
	v8 =	vsel vm1, $0xDA80, v8;
	v9 =	vsel vm1, $0xDA83, v9;
	v10 =	vsel vm1, $0xDA81, v10  }
0x55: {  	s4 =	simm.s32 $0x0;
	s7 =	smul.u32 $0x4400, s26;
	v11 =	vsel vm1, $0xDA82, v11;
	v12 =	vsel vm1, $0xDA84, v12;
	s3 =	ssub.s32 s5, s3;
	v13 =	vsel vm1, $0xDA85, v13  }
0x56: {  	s6 =	simm.s32 $0x1;
	[smem:$0x7FF] =	sst s4;
	v14 =	vsel vm1, $0xDA86, v14;
	v15 =	vsel vm1, $0xDA87, v15;
	v0 =	vsel vm0, $0x4B00, v0;
	s10 =	smul.u32 $0x187000, s3  }
.Ltmp0:
0x57: {  	s5 =	sadd.s32 $0x1600, s9;
	s9 =	sadd.s32 $0x2, s1;
	v1 =	vsel vm0, $0x4B03, v1;
	v2 =	vsel vm0, $0x4B01, v2;
	v3 =	vsel vm0, $0x4B02, v3;
	(pc) =	sbr.rel .LBB2_1-.Ltmp0, $4  }
0x58: {  	v4 =	vsel vm0, $0x4B04, v4;
	v5 =	vsel vm0, $0x4B05, v5;
	v6 =	vsel vm0, $0x4B06, v6;
	s3 =	rddreg [dreg:$0x2];
	s7 =	sadd.s32 s7, s25;
	s10 =	sadd.s32 s11, s10  }
0x59: {  	v7 =	vsel vm0, $0x4B07, v7;
	v8 =	vsel vm0, $0xDB00, v8;
	v9 =	vsel vm0, $0xDB03, v9;
	_ =	strace $0x80000047;
	s31 =	sshrl.u32 s7, $0x3;
	s30 =	sshrl.u32 s10, $0x3  }
0x5a: {  	v10 =	vsel vm0, $0xDB01, v10;
	v11 =	vsel vm0, $0xDB02, v11;
	v12 =	vsel vm0, $0xDB04, v12;
	s8 =	sadd.s32 s2, s31;
	s11 =	smax.u32 s29, $0x1;
	s7 =	sadd.s32 s2, s30  }
0x5b: {  	v13 =	vsel vm0, $0xDB05, v13;
	v14 =	vsel vm0, $0xDB06, v14;
	v15 =	vsel vm0, $0xDB07, v15;
	s10 =	sadd.s32 $0x3, s1;
	s13 =	sadd.s32 $0x18700, s8;
	s12 =	sadd.s32 $0x18700, s7  }
.LBB2_8:
0x5c: {  	s20 =	sadd.s32 $0x1, s20  }
0x5d: {  	p0 =	sne.s32 s20, s11  }
.Ltmp1:
0x5e: {  	_ = 	snop;
	(pc) =	sbr.rel @!p0 .LBB2_9-.Ltmp1, $4  }
0x5f: {  	_ = 	snop  }
0x60: {  	_ =	swait.ge [sflag:s19], $0x8800  }
0x61: {  	[sflag:s19] =	ssyncset.done $0x0  }
0x62: {  	[sflag:s19] =	ssyncadd.s32 $0xFFFF7800  }
.LBB2_1:
0x63: {  	[tilespmem:s4], [sflag:$0x1] =	stream.linear.gather [hbm4b:s7+s4], $0x4400, $0x38;
	[tilespmem:$0x1A800] =	vst v63  }
0x64: {  	_ = 	snop  }
0x65: {  	[tilespmem:s14], [sflag:$0x1] =	stream.linear.gather [hbm4b:s12+s4], $0x4400, $0x38;
	[tilespmem:$0x1A800] =	vst v63  }
0x66: {  	_ = 	snop  }
0x67: {  	[tilespmem:s15], [sflag:$0x2] =	stream.linear.gather [hbm4b:s8+s4], $0x4400, $0x38;
	[tilespmem:$0x1A800] =	vst v63  }
0x68: {  	s21 =	simm.s32 $0x0  }
0x69: {  	[tilespmem:s16], [sflag:$0x2] =	stream.linear.gather [hbm4b:s13+s4], $0x4400, $0x38;
	[tilespmem:$0x1A800] =	vst v63  }
.LBB2_2:
0x6a: {  	s22 =	simm.s32 $0x0  }
0x6b: {  	s25 =	simm.s32 $0x8;
	v16 =	vmov s22  }
0x6c: {  	v18 =	vmov s25;
	v17 =	vshll.u32 v16, $0x3  }
0x6d: {  	v16 =	vand.u32 $0x70, v16;
	v19 =	vshll.u32 v18, $0x3;
	v17 =	vand.u32 $0x7C00, v17  }
0x6e: {  	_ =	swait.ge [sflag:s6], $0x8800;
	v16 =	vor.u32 v16, v17;
	v17 =	vand.u32 $0x78, v18;
	v18 =	vand.u32 $0x7C00, v19  }
0x6f: {  	p0 =	seq.s32 s21, $0x0;
	[sflag:s6] =	ssyncset.done $0x0;
	v20 =	vadd.s32 v0, v16;
	v21 =	vor.u32 v17, v18  }
0x70: {  	s22 =	simm.s32 @!p0 $0x3;
	[sflag:s6] =	ssyncadd.s32 $0xFFFF7800;
	v17 =	vadd.s32 v0, v21  }
0x71: {  	_ =	swait.ge @!p0 [sflag:s22], $0x8800;
	v18 =	vor.u32 $0x1, v20  }
0x72: {  	[sflag:s22] =	ssyncset.done @!p0 $0x0;
	v19 =	vor.u32 $0x2, v20  }
0x73: {  	[sflag:s22] =	ssyncadd.s32 @!p0 $0xFFFF7800;
	v22 =	vadd.s32 v1, v16  }
0x74: {  	v23 =	vor.u32 $0x4, v20;
	v16 =	vld.idx.msk [tilespmem:v20+s4+$0x0], $0xffff  }
0x75: {  	v24 =	vor.u32 $0x5, v20;
	v26 =	vld.idx.msk [tilespmem:v17+s4+$0x0], $0xffff  }
0x76: {  	v25 =	vor.u32 $0x6, v20;
	v17 =	vld.idx.msk [tilespmem:v18+s4+$0x0], $0xffff  }
0x77: {  	v27 =	vadd.s32 v5, v21;
	v18 =	vld.idx.msk [tilespmem:v19+s4+$0x0], $0xffff  }
0x78: {  	v19 =	vld.idx.msk [tilespmem:v22+s4+$0x0], $0xffff;
	v22 =	vadd.s32 v2, v21  }
0x79: {  	v39 =	vld.idx.msk [tilespmem:v23+s4+$0x0], $0xffff;
	v23 =	vadd.s32 v3, v21  }
0x7a: {  	s26 =	simm.s32 $0x10;
	v30 =	vld.idx.msk [tilespmem:v24+s4+$0x0], $0xffff;
	v24 =	vadd.s32 v1, v21  }
0x7b: {  	v28 =	vadd.s32 v7, v21;
	v29 =	vor.u32 $0x7, v20;
	v20 =	vmov s26;
	v31 =	vld.idx.msk [tilespmem:v25+s4+$0x0], $0xffff  }
0x7c: {  	v32 =	vadd.s32 v6, v21;
	v25 =	vshll.u32 v20, $0x3;
	v21 =	vadd.s32 v4, v21;
	v27 =	vld.idx.msk [tilespmem:v27+s4+$0x0], $0xffff  }
0x7d: {  	s31 =	simm.s32 $0x18;
	v20 =	vand.u32 $0x70, v20;
	v25 =	vand.u32 $0x7C00, v25;
	v35 =	vld.idx.msk [tilespmem:v22+s4+$0x0], $0xffff  }
0x7e: {  	v33 =	vmov s31;
	v22 =	vor.u32 v20, v25;
	v61 =	vld.idx.msk [tilespmem:v23+s4+$0x0], $0xffff  }
0x7f: {  	v34 =	vshll.u32 v33, $0x3;
	v37 =	vld.idx.msk [tilespmem:v24+s4+$0x0], $0xffff;
	v36 =	vadd.s32 v0, v22  }
0x80: {  	v20 =	vand.u32 $0x78, v33;
	v25 =	vand.u32 $0x7C00, v34;
	v24 =	vld.idx.msk [tilespmem:v28+s4+$0x0], $0xffff;
	v40 =	vadd.s32 v1, v22  }
0x81: {  	v25 =	vor.u32 v20, v25;
	v20 =	vld.idx.msk [tilespmem:v21+s4+$0x0], $0xffff;
	v38 =	vor.u32 $0x2, v36  }
0x82: {  	s25 =	simm.s32 $0x12080;
	v21 =	vld.idx.msk [tilespmem:v32+s4+$0x0], $0xffff;
	v23 =	vadd.s32 v0, v25  }
0x83: {  	s22 =	sshll.u32 s21, $0x1;
	v22 =	vld.idx.msk [tilespmem:v29+s4+$0x0], $0xffff;
	[tilespmem:s25+$0x50] =	vst v27;
	v62 =	vor.u32 $0x1, v36  }
0x84: {  	s23 =	sadd.s32 s1, s22;
	[tilespmem:s25+$0x0] =	vst v26;
	v63 =	vor.u32 $0x4, v36;
	v28 =	vld.idx.msk [tilespmem:v36+s4+$0x0], $0xffff  }
0x85: {  	s26 =	smin.u32 s23, $0x4AB;
	[tilespmem:s25+$0xFFFFFFE0] =	vst v31;
	v27 =	vor.u32 $0x5, v36;
	v33 =	vld.idx.msk [tilespmem:v40+s4+$0x0], $0xffff  }
0x86: {  	s24 =	smulhi.u32 $0x590B217, s26;
	[tilespmem:s25+$0xFFFFFFD0] =	vst v30;
	v32 =	vld.idx.msk [tilespmem:v38+s4+$0x0], $0xffff;
	v38 =	vor.u32 $0x6, v36  }
0x87: {  	[tilespmem:s25+$0xFFFFFFC0] =	vst v39;
	v34 =	vadd.s32 v5, v25;
	v23 =	vld.idx.msk [tilespmem:v23+s4+$0x0], $0xffff  }
0x88: {  	s28 =	smul.u32 $0x2E, s24;
	[tilespmem:s25+$0x30] =	vst v37;
	v37 =	vadd.s32 v2, v25;
	v26 =	vld.idx.msk [tilespmem:v62+s4+$0x0], $0xffff  }
0x89: {  	s29 =	simm.s32 $0x2;
	v30 =	vor.u32 $0x7, v36;
	[tilespmem:s25+$0x10] =	vst v35;
	v31 =	vld.idx.msk [tilespmem:v63+s4+$0x0], $0xffff;
	v36 =	vadd.s32 v3, v25  }
0x8a: {  	s30 =	simm.s32 $0x20;
	s26 =	ssub.s32 s26, s28;
	s28 =	simm.s32 $0x12080;
	v29 =	vadd.s32 v7, v25;
	[tilespmem:s25+$0x20] =	vst v61;
	v35 =	vadd.s32 v1, v25;
	v27 =	vld.idx.msk [tilespmem:v27+s4+$0x0], $0xffff  }
.LBB2_3:
0x8b: {  	v39 =	vmov s30;
	s31 =	sadd.s32 $0x8, s30;
	s29 =	sadd.s32 $0x2, s29;
	v40 =	vld.idx.msk [tilespmem:v38+s4+$0x0], $0xffff;
	v38 =	vadd.s32 v6, v25;
	[tilespmem:s25+$0xFFFFFFB0] =	vst v19;
	s28 =	sadd.s32 $0x100, s28  }
0x8c: {  	v42 =	vadd.s32 v4, v25;
	v44 =	vshll.u32 v39, $0x3;
	v41 =	vmov s31;
	p0 =	slt.u32 s29, $0x10E;
	v43 =	vld.idx.msk [tilespmem:v34+s4+$0x0], $0xffff;
	[tilespmem:s25+$0xFFFFFFA0] =	vst v18  }
0x8d: {  	v25 =	vand.u32 $0x70, v39;
	v18 =	vmovc v32;
	v39 =	vand.u32 $0x7C00, v44;
	v34 =	vshll.u32 v41, $0x3;
	v37 =	vld.idx.msk [tilespmem:v37+s4+$0x0], $0xffff;
	[tilespmem:s25+$0xFFFFFF80] =	vst v16;
	v16 =	vmovc v28  }
0x8e: {  	v19 =	vmovc v33;
	v28 =	vor.u32 v25, v39;
	v25 =	vand.u32 $0x78, v41;
	v32 =	vand.u32 $0x7C00, v34;
	v36 =	vld.idx.msk [tilespmem:v36+s4+$0x0], $0xffff;
	[tilespmem:s25+$0x70] =	vst v24  }
0x8f: {  	v33 =	vadd.s32 v0, v28;
	v25 =	vor.u32 v25, v32;
	v35 =	vld.idx.msk [tilespmem:v35+s4+$0x0], $0xffff;
	[tilespmem:s25+$0xFFFFFF90] =	vst v17;
	v17 =	vmov v26  }
0x90: {  	v26 =	vor.u32 $0x1, v33;
	v32 =	vadd.s32 v0, v25;
	v34 =	vadd.s32 v5, v25;
	v24 =	vld.idx.msk [tilespmem:v29+s4+$0x0], $0xffff;
	[tilespmem:s25+$0x40] =	vst v20  }
0x91: {  	v41 =	vmov v31;
	v39 =	vor.u32 $0x2, v33;
	v29 =	vadd.s32 v7, v25;
	v20 =	vld.idx.msk [tilespmem:v42+s4+$0x0], $0xffff;
	[tilespmem:s25+$0x60] =	vst v21  }
0x92: {  	v31 =	vadd.s32 v1, v28;
	v21 =	vld.idx.msk [tilespmem:v38+s4+$0x0], $0xffff;
	[tilespmem:s25+$0xFFFFFFF0] =	vst v22;
	s25 =	smov.u32 s28  }
0x93: {  	v42 =	vor.u32 $0x4, v33;
	v22 =	vld.idx.msk [tilespmem:v30+s4+$0x0], $0xffff;
	[tilespmem:s28+$0x10] =	vst v37  }
0x94: {  	v44 =	vor.u32 $0x5, v33;
	v28 =	vld.idx.msk [tilespmem:v33+s4+$0x0], $0xffff;
	[tilespmem:s28+$0x50] =	vst v43  }
0x95: {  	v38 =	vor.u32 $0x6, v33;
	[tilespmem:s28+$0x0] =	vst v23;
	v23 =	vld.idx.msk [tilespmem:v32+s4+$0x0], $0xffff  }
.Ltmp2:
0x96: {  	v30 =	vor.u32 $0x7, v33;
	v26 =	vld.idx.msk [tilespmem:v26+s4+$0x0], $0xffff;
	[tilespmem:s28+$0x20] =	vst v36;
	(pc) =	sbr.rel @p0 .LBB2_3-.Ltmp2, $4  }
0x97: {  	v32 =	vld.idx.msk [tilespmem:v39+s4+$0x0], $0xffff;
	[tilespmem:s28+$0xFFFFFFE0] =	vst v40  }
0x98: {  	v37 =	vadd.s32 v2, v25;
	v33 =	vld.idx.msk [tilespmem:v31+s4+$0x0], $0xffff;
	[tilespmem:s28+$0x30] =	vst v35  }
0x99: {  	v36 =	vadd.s32 v3, v25;
	v31 =	vld.idx.msk [tilespmem:v42+s4+$0x0], $0xffff;
	[tilespmem:s28+$0xFFFFFFD0] =	vst v27  }
0x9a: {  	s30 =	sadd.s32 $0x10, s30;
	v35 =	vadd.s32 v1, v25;
	v27 =	vld.idx.msk [tilespmem:v44+s4+$0x0], $0xffff;
	[tilespmem:s28+$0xFFFFFFC0] =	vst v41  }
0x9b: {  	[tilespmem:s25+$0xFFFFFFB0] =	vst v19  }
0x9c: {  	[tilespmem:s25+$0xFFFFFFA0] =	vst v18  }
0x9d: {  	[tilespmem:s25+$0xFFFFFF80] =	vst v16  }
0x9e: {  	[tilespmem:s25+$0x70] =	vst v24  }
0x9f: {  	[tilespmem:s25+$0xFFFFFF90] =	vst v17  }
0xa0: {  	[tilespmem:s25+$0x40] =	vst v20  }
0xa1: {  	v38 =	vld.idx.msk [tilespmem:v38+s4+$0x0], $0xffff;
	[tilespmem:s25+$0x60] =	vst v21  }
0xa2: {  	v34 =	vld.idx.msk [tilespmem:v34+s4+$0x0], $0xffff;
	s28 =	sadd.s32 $0x100, s28;
	[tilespmem:s25+$0xFFFFFFF0] =	vst v22  }
0xa3: {  	v19 =	vadd.s32 v4, v25;
	v20 =	vld.idx.msk [tilespmem:v30+s4+$0x0], $0xffff;
	[tilespmem:s28+$0xFFFFFFA0] =	vst v32  }
0xa4: {  	v18 =	vadd.s32 v6, v25;
	v25 =	vld.idx.msk [tilespmem:v37+s4+$0x0], $0xffff;
	[tilespmem:s28+$0xFFFFFF80] =	vst v28  }
0xa5: {  	v16 =	vld.idx.msk [tilespmem:v36+s4+$0x0], $0xffff;
	[tilespmem:s28+$0xFFFFFF90] =	vst v26  }
0xa6: {  	v24 =	vld.idx.msk [tilespmem:v35+s4+$0x0], $0xffff;
	[tilespmem:s28+$0xFFFFFFB0] =	vst v33  }
0xa7: {  	v17 =	vld.idx.msk [tilespmem:v29+s4+$0x0], $0xffff;
	[tilespmem:s28+$0xFFFFFFC0] =	vst v31  }
0xa8: {  	[tilespmem:s28+$0xFFFFFFD0] =	vst v27;
	v19 =	vld.idx.msk [tilespmem:v19+s4+$0x0], $0xffff  }
0xa9: {  	v18 =	vld.idx.msk [tilespmem:v18+s4+$0x0], $0xffff;
	[tilespmem:s28+$0x10] =	vst v25  }
0xaa: {  	p0 =	seq.s32 s21, $0x12;
	[tilespmem:s28+$0x50] =	vst v34  }
0xab: {  	s24 =	smul.u32 $0x30E0, s24;
	s25 =	sadd.s32 @!p0 s22, s9;
	[tilespmem:s28+$0x0] =	vst v23  }
0xac: {  	s26 =	smul.u32 $0x110, s26;
	s25 =	smin.u32 @!p0 s25, $0x4AB;
	[tilespmem:s28+$0x20] =	vst v16  }
0xad: {  	s29 =	smulhi.u32 @!p0 $0x590B217, s25;
	[tilespmem:s28+$0xFFFFFFE0] =	vst v38  }
0xae: {  	[tilespmem:s28+$0x30] =	vst v24  }
0xaf: {  	s24 =	sadd.s32 s26, s24;
	[tilespmem:s28+$0x70] =	vst v17;
	s26 =	smul.u32 @!p0 $0x2E, s29  }
0xb0: {  	p1 =	slt.u32 s23, $0x4AC;
	s23 =	sshll.u32 s24, $0x4;
	[tilespmem:s28+$0xFFFFFFF0] =	vst v20  }
0xb1: {  	s23 =	simm.s32 @!p1 $0x4F6C00;
	s24 =	smul.u32 @!p0 $0x187000, s29;
	s25 =	ssub.s32 @!p0 s25, s26;
	[tilespmem:s28+$0x40] =	vst v19  }
0xb2: {  	s23 =	sadd.s32 s5, s23;
	s25 =	smul.u32 @!p0 $0x4400, s25;
	[tilespmem:s28+$0x60] =	vst v18  }
0xb3: {  	[hbm4b:s23+s4] =	stream.linear.scatter [tilespmem:s17], [sflag:$0x3], $0x8800, $0x38;
	[tilespmem:$0x1A800] =	vst v63  }
0xb4: {  	s23 =	sadd.s32 @!p0 s25, s24  }
0xb5: {  	s29 =	simm.s32 $0x8;
	s23 =	sshrl.u32 @!p0 s23, $0x3  }
0xb6: {  	s28 =	simm.s32 $0x0;
	s24 =	simm.s32 @!p0 $0x0;
	s23 =	sadd.s32 @!p0 s2, s23  }
0xb7: {  	v16 =	vmov s28;
	[tilespmem:s24], [sflag:$0x1] =	stream.linear.gather @!p0 [hbm4b:s23+s24], $0x4400, $0x38;
	[tilespmem:$0x1A800] =	vst v63  }
0xb8: {  	s26 =	simm.s32 @!p0 $0x4800;
	v18 =	vmov s29;
	v17 =	vshll.u32 v16, $0x3;
	s23 =	sadd.s32 @!p0 $0x18700, s23  }
0xb9: {  	v19 =	vshll.u32 v18, $0x3;
	v16 =	vand.u32 $0x70, v16;
	v17 =	vand.u32 $0x7C00, v17;
	[tilespmem:s26], [sflag:$0x1] =	stream.linear.gather @!p0 [hbm4b:s23+s24], $0x4400, $0x38;
	[tilespmem:$0x1A800] =	vst v63  }
0xba: {  	v16 =	vor.u32 v16, v17;
	v17 =	vand.u32 $0x78, v18;
	v18 =	vand.u32 $0x7C00, v19;
	_ =	swait.ge [sflag:s18], $0x8800  }
0xbb: {  	v20 =	vadd.s32 v8, v16;
	v21 =	vor.u32 v17, v18;
	[sflag:s18] =	ssyncset.done $0x0  }
0xbc: {  	v17 =	vadd.s32 v8, v21;
	[sflag:s18] =	ssyncadd.s32 $0xFFFF7800  }
0xbd: {  	v18 =	vor.u32 $0x1, v20;
	_ =	swait.ge [sflag:s19], $0x8800  }
0xbe: {  	v19 =	vor.u32 $0x2, v20;
	[sflag:s19] =	ssyncset.done $0x0  }
0xbf: {  	v22 =	vadd.s32 v9, v16;
	[sflag:s19] =	ssyncadd.s32 $0xFFFF7800  }
0xc0: {  	v23 =	vor.u32 $0x4, v20;
	v16 =	vld.idx.msk [tilespmem:v20+s4+$0x0], $0xffff  }
0xc1: {  	v24 =	vor.u32 $0x5, v20;
	v26 =	vld.idx.msk [tilespmem:v17+s4+$0x0], $0xffff  }
0xc2: {  	v25 =	vor.u32 $0x6, v20;
	v17 =	vld.idx.msk [tilespmem:v18+s4+$0x0], $0xffff  }
0xc3: {  	v27 =	vadd.s32 v13, v21;
	v18 =	vld.idx.msk [tilespmem:v19+s4+$0x0], $0xffff  }
0xc4: {  	s31 =	simm.s32 $0x18;
	v30 =	vadd.s32 v9, v21;
	v19 =	vld.idx.msk [tilespmem:v22+s4+$0x0], $0xffff  }
0xc5: {  	s30 =	simm.s32 $0x10;
	v28 =	vmov s31;
	v29 =	vadd.s32 v15, v21;
	v31 =	vor.u32 $0x7, v20;
	v39 =	vld.idx.msk [tilespmem:v23+s4+$0x0], $0xffff  }
0xc6: {  	v58 =	vadd.s32 v14, v21;
	v22 =	vadd.s32 v10, v21;
	v24 =	vld.idx.msk [tilespmem:v24+s4+$0x0], $0xffff;
	v20 =	vmov s30  }
0xc7: {  	v23 =	vadd.s32 v11, v21;
	v57 =	vld.idx.msk [tilespmem:v25+s4+$0x0], $0xffff;
	v21 =	vadd.s32 v12, v21;
	v25 =	vshll.u32 v20, $0x3  }
0xc8: {  	v59 =	vld.idx.msk [tilespmem:v27+s4+$0x0], $0xffff;
	v27 =	vshll.u32 v28, $0x3;
	v20 =	vand.u32 $0x70, v20;
	v25 =	vand.u32 $0x7C00, v25  }
0xc9: {  	v30 =	vld.idx.msk [tilespmem:v30+s4+$0x0], $0xffff;
	v60 =	vor.u32 v20, v25;
	v20 =	vand.u32 $0x78, v28;
	v25 =	vand.u32 $0x7C00, v27  }
0xca: {  	v28 =	vor.u32 v20, v25;
	v25 =	vld.idx.msk [tilespmem:v29+s4+$0x0], $0xffff  }
0xcb: {  	v40 =	vadd.s32 v8, v60;
	v22 =	vld.idx.msk [tilespmem:v22+s4+$0x0], $0xffff  }
0xcc: {  	v35 =	vadd.s32 v9, v60;
	v61 =	vld.idx.msk [tilespmem:v23+s4+$0x0], $0xffff  }
0xcd: {  	v62 =	vadd.s32 v8, v28;
	v20 =	vld.idx.msk [tilespmem:v21+s4+$0x0], $0xffff  }
0xce: {  	s23 =	simm.s32 $0x12080;
	v29 =	vor.u32 $0x1, v40;
	v23 =	vld.idx.msk [tilespmem:v58+s4+$0x0], $0xffff  }
0xcf: {  	v63 =	vor.u32 $0x2, v40;
	v21 =	vld.idx.msk [tilespmem:v31+s4+$0x0], $0xffff;
	[tilespmem:s23+$0x50] =	vst v59  }
0xd0: {  	v31 =	vor.u32 $0x4, v40;
	[tilespmem:s23+$0x0] =	vst v26;
	v27 =	vld.idx.msk [tilespmem:v40+s4+$0x0], $0xffff  }
0xd1: {  	v41 =	vor.u32 $0x5, v40;
	[tilespmem:s23+$0xFFFFFFE0] =	vst v57;
	v33 =	vld.idx.msk [tilespmem:v35+s4+$0x0], $0xffff  }
0xd2: {  	v38 =	vor.u32 $0x6, v40;
	[tilespmem:s23+$0x10] =	vst v22;
	v22 =	vld.idx.msk [tilespmem:v62+s4+$0x0], $0xffff  }
0xd3: {  	v34 =	vadd.s32 v13, v28;
	[tilespmem:s23+$0x30] =	vst v30;
	v26 =	vld.idx.msk [tilespmem:v29+s4+$0x0], $0xffff  }
0xd4: {  	v37 =	vadd.s32 v10, v28;
	[tilespmem:s23+$0xFFFFFFD0] =	vst v24;
	v32 =	vld.idx.msk [tilespmem:v63+s4+$0x0], $0xffff  }
0xd5: {  	v36 =	vadd.s32 v11, v28;
	[tilespmem:s23+$0xFFFFFFC0] =	vst v39;
	v31 =	vld.idx.msk [tilespmem:v31+s4+$0x0], $0xffff  }
0xd6: {  	s25 =	simm.s32 $0x2;
	s26 =	simm.s32 $0x20;
	s24 =	simm.s32 $0x12080;
	v30 =	vor.u32 $0x7, v40;
	v35 =	vadd.s32 v9, v28;
	[tilespmem:s23+$0x20] =	vst v61;
	v29 =	vadd.s32 v15, v28;
	v24 =	vld.idx.msk [tilespmem:v41+s4+$0x0], $0xffff  }
.LBB2_5:
0xd7: {  	v39 =	vmov s26;
	s28 =	sadd.s32 $0x8, s26;
	s25 =	sadd.s32 $0x2, s25;
	v40 =	vld.idx.msk [tilespmem:v38+s4+$0x0], $0xffff;
	v38 =	vadd.s32 v14, v28;
	[tilespmem:s23+$0xFFFFFFB0] =	vst v19;
	s24 =	sadd.s32 $0x100, s24  }
0xd8: {  	v42 =	vadd.s32 v12, v28;
	v44 =	vshll.u32 v39, $0x3;
	v41 =	vmov s28;
	p1 =	slt.u32 s25, $0x10E;
	v43 =	vld.idx.msk [tilespmem:v34+s4+$0x0], $0xffff;
	[tilespmem:s23+$0xFFFFFFA0] =	vst v18  }
0xd9: {  	v28 =	vand.u32 $0x70, v39;
	v18 =	vmovc v32;
	v39 =	vand.u32 $0x7C00, v44;
	v34 =	vshll.u32 v41, $0x3;
	v37 =	vld.idx.msk [tilespmem:v37+s4+$0x0], $0xffff;
	[tilespmem:s23+$0xFFFFFF80] =	vst v16;
	v16 =	vmovc v27  }
0xda: {  	v19 =	vmovc v33;
	v27 =	vor.u32 v28, v39;
	v28 =	vand.u32 $0x78, v41;
	v32 =	vand.u32 $0x7C00, v34;
	v36 =	vld.idx.msk [tilespmem:v36+s4+$0x0], $0xffff;
	[tilespmem:s23+$0x70] =	vst v25  }
0xdb: {  	v33 =	vadd.s32 v8, v27;
	v28 =	vor.u32 v28, v32;
	v35 =	vld.idx.msk [tilespmem:v35+s4+$0x0], $0xffff;
	[tilespmem:s23+$0xFFFFFF90] =	vst v17;
	v17 =	vmov v26  }
0xdc: {  	v26 =	vor.u32 $0x1, v33;
	v32 =	vadd.s32 v8, v28;
	v34 =	vadd.s32 v13, v28;
	v25 =	vld.idx.msk [tilespmem:v29+s4+$0x0], $0xffff;
	[tilespmem:s23+$0x40] =	vst v20  }
0xdd: {  	v41 =	vmov v31;
	v39 =	vor.u32 $0x2, v33;
	v29 =	vadd.s32 v15, v28;
	v20 =	vld.idx.msk [tilespmem:v42+s4+$0x0], $0xffff;
	[tilespmem:s23+$0x60] =	vst v23  }
0xde: {  	v31 =	vadd.s32 v9, v27;
	v23 =	vld.idx.msk [tilespmem:v38+s4+$0x0], $0xffff;
	[tilespmem:s23+$0xFFFFFFF0] =	vst v21;
	s23 =	smov.u32 s24  }
0xdf: {  	v42 =	vor.u32 $0x4, v33;
	v21 =	vld.idx.msk [tilespmem:v30+s4+$0x0], $0xffff;
	[tilespmem:s24+$0x10] =	vst v37  }
0xe0: {  	v44 =	vor.u32 $0x5, v33;
	v27 =	vld.idx.msk [tilespmem:v33+s4+$0x0], $0xffff;
	[tilespmem:s24+$0x50] =	vst v43  }
0xe1: {  	v38 =	vor.u32 $0x6, v33;
	[tilespmem:s24+$0x0] =	vst v22;
	v22 =	vld.idx.msk [tilespmem:v32+s4+$0x0], $0xffff  }
.Ltmp3:
0xe2: {  	v30 =	vor.u32 $0x7, v33;
	v26 =	vld.idx.msk [tilespmem:v26+s4+$0x0], $0xffff;
	[tilespmem:s24+$0x20] =	vst v36;
	(pc) =	sbr.rel @p1 .LBB2_5-.Ltmp3, $4  }
0xe3: {  	v32 =	vld.idx.msk [tilespmem:v39+s4+$0x0], $0xffff;
	[tilespmem:s24+$0xFFFFFFE0] =	vst v40  }
0xe4: {  	v37 =	vadd.s32 v10, v28;
	v33 =	vld.idx.msk [tilespmem:v31+s4+$0x0], $0xffff;
	[tilespmem:s24+$0x30] =	vst v35  }
0xe5: {  	v36 =	vadd.s32 v11, v28;
	v31 =	vld.idx.msk [tilespmem:v42+s4+$0x0], $0xffff;
	[tilespmem:s24+$0xFFFFFFD0] =	vst v24  }
0xe6: {  	s26 =	sadd.s32 $0x10, s26;
	v35 =	vadd.s32 v9, v28;
	v24 =	vld.idx.msk [tilespmem:v44+s4+$0x0], $0xffff;
	[tilespmem:s24+$0xFFFFFFC0] =	vst v41  }
0xe7: {  	[tilespmem:s23+$0xFFFFFFB0] =	vst v19  }
0xe8: {  	[tilespmem:s23+$0xFFFFFFA0] =	vst v18  }
0xe9: {  	[tilespmem:s23+$0xFFFFFF80] =	vst v16  }
0xea: {  	[tilespmem:s23+$0x70] =	vst v25  }
0xeb: {  	[tilespmem:s23+$0xFFFFFF90] =	vst v17  }
0xec: {  	[tilespmem:s23+$0x40] =	vst v20  }
0xed: {  	v38 =	vld.idx.msk [tilespmem:v38+s4+$0x0], $0xffff;
	[tilespmem:s23+$0x60] =	vst v23  }
0xee: {  	v34 =	vld.idx.msk [tilespmem:v34+s4+$0x0], $0xffff;
	s24 =	sadd.s32 $0x100, s24;
	[tilespmem:s23+$0xFFFFFFF0] =	vst v21  }
0xef: {  	v59 =	vadd.s32 v12, v28;
	v63 =	vld.idx.msk [tilespmem:v30+s4+$0x0], $0xffff;
	[tilespmem:s24+$0xFFFFFFA0] =	vst v32  }
0xf0: {  	v60 =	vadd.s32 v14, v28;
	v61 =	vld.idx.msk [tilespmem:v37+s4+$0x0], $0xffff;
	[tilespmem:s24+$0xFFFFFF80] =	vst v27  }
0xf1: {  	v16 =	vld.idx.msk [tilespmem:v36+s4+$0x0], $0xffff;
	s31 =	sadd.s32 s22, s1;
	[tilespmem:s24+$0xFFFFFF90] =	vst v26  }
0xf2: {  	v62 =	vld.idx.msk [tilespmem:v35+s4+$0x0], $0xffff;
	s23 =	sadd.s32 $0x1, s31;
	[tilespmem:s24+$0xFFFFFFB0] =	vst v33  }
0xf3: {  	v17 =	vld.idx.msk [tilespmem:v29+s4+$0x0], $0xffff;
	s25 =	smin.u32 s23, $0x4AB;
	[tilespmem:s24+$0xFFFFFFC0] =	vst v31  }
0xf4: {  	s26 =	smulhi.u32 $0x590B217, s25;
	[tilespmem:s24+$0xFFFFFFD0] =	vst v24;
	v19 =	vld.idx.msk [tilespmem:v59+s4+$0x0], $0xffff  }
0xf5: {  	v18 =	vld.idx.msk [tilespmem:v60+s4+$0x0], $0xffff;
	[tilespmem:s24+$0x10] =	vst v61  }
0xf6: {  	[tilespmem:s24+$0x50] =	vst v34;
	s28 =	smul.u32 $0x2E, s26  }
0xf7: {  	[tilespmem:s24+$0x0] =	vst v22  }
0xf8: {  	[tilespmem:s24+$0x20] =	vst v16;
	s26 =	smul.u32 $0x30E0, s26;
	s25 =	ssub.s32 s25, s28  }
0xf9: {  	[tilespmem:s24+$0xFFFFFFE0] =	vst v38;
	s25 =	smul.u32 $0x110, s25  }
0xfa: {  	[tilespmem:s24+$0x30] =	vst v62  }
.Ltmp4:
0xfb: {  	[tilespmem:s24+$0x70] =	vst v17;
	s25 =	sadd.s32 s25, s26;
	(pc) =	sbr.rel @p0 .LBB2_8-.Ltmp4, $4  }
0xfc: {  	p1 =	slt.u32 s23, $0x4AC;
	[tilespmem:s24+$0xFFFFFFF0] =	vst v63;
	s23 =	sshll.u32 s25, $0x4  }
0xfd: {  	[tilespmem:s24+$0x40] =	vst v19;
	s23 =	simm.s32 @!p1 $0x4F6C00  }
0xfe: {  	[tilespmem:s24+$0x60] =	vst v18;
	s23 =	sadd.s32 s5, s23  }
0xff: {  	[hbm4b:s23+s4] =	stream.linear.scatter [tilespmem:s17], [sflag:$0x3], $0x8800, $0x38;
	[tilespmem:$0x1A800] =	vst v63  }
0x100: {  	s22 =	sadd.s32 s22, s10  }
0x101: {  	s22 =	smin.u32 s22, $0x4AB  }
0x102: {  	s23 =	smulhi.u32 $0x590B217, s22;
	_ =	sdelay $0x1  }
0x103: {  	s24 =	smul.u32 $0x2E, s23;
	_ =	sdelay $0x1  }
0x104: {  	s23 =	smul.u32 $0x187000, s23;
	s22 =	ssub.s32 s22, s24  }
0x105: {  	s22 =	smul.u32 $0x4400, s22;
	_ =	sdelay $0x1  }
0x106: {  	s22 =	sadd.s32 s22, s23  }
.Ltmp5:
0x107: {  	s22 =	sshrl.u32 s22, $0x3;
	(pc) =	sbr.rel .LBB2_2-.Ltmp5, $4  }
0x108: {  	s22 =	sadd.s32 s2, s22  }
0x109: {  	[tilespmem:s15], [sflag:$0x2] =	stream.linear.gather [hbm4b:s22+s4], $0x4400, $0x38;
	[tilespmem:$0x1A800] =	vst v63  }
0x10a: {  	s21 =	sadd.s32 $0x1, s21;
	s22 =	sadd.s32 $0x18700, s22  }
0x10b: {  	[tilespmem:s16], [sflag:$0x2] =	stream.linear.gather [hbm4b:s22+s4], $0x4400, $0x38;
	[tilespmem:$0x1A800] =	vst v63  }
.LBB2_9:
0x10c: {  	_ =	sfence.sel $0x180000  }
0x10d: {  	[bflag:$0x0] =	sbarrier.arrive $0xFFFF  }
0x10e: {  	p0 =	sne.s32 s0, $0x0;
	_ =	strace $0x90000047  }
0x10f: {  	s0 =	sadd.s32 @!p0 $0x100000, s3;
	[bflag:$0x2] =	sbarrier.arrive $0xFFFF  }
0x110: {  	[sflag:s0] =	ssyncadd.tile.s32 @!p0 $0x1;
	_ =	shalt  }
.Lfunc_end2:
_tile_overlayer_lowered:
.L_overlay_start_2:
0x111: {  	(tag) =	ssettag $0x2  }
0x112: {  	s0 =	rddreg [dreg:$0x0];
	s2 =	stileid.u32  }
0x113: {  	s1 =	rddreg [dreg:$0x1];
	p0 =	sne.s32 s2, $0x0  }
0x114: {  	s3 =	rddreg [dreg:$0x2];
	[bflag:$0x3] =	sbarrier.arrive $0xFFFF;
	s2 =	simm.s32 @!p0 $0x1C04  }
0x115: {  	[timem:s3], [sflag:s2] =	dma.local @!p0 [hbm:s0], s1  }
0x116: {  	s0 =	simm.s32 @!p0 $0x4  }
0x117: {  	_ =	swait.ge @!p0 [sflag:s0], s1  }
0x118: {  	s1 =	ssub.s32 @!p0 $0x0, s1;
	[sflag:s0] =	ssyncset.done @!p0 $0x0  }
0x119: {  	[sflag:s0] =	ssyncadd.s32 @!p0 s1  }
0x11a: {  	[bflag:$0x3] =	sbarrier.arrive $0xFFFF  }
0x11b: {  	_ =	shalt  }

// kernel: kernel.8.cloned.1.call-start
scs
__scs_entry_jumppad:
0x0: {  	(pc) =	sbr.rel $0x88, $3  }
0x1: {  	(tag) =	ssettag $0x0;
	lr =	simm.s32 $0x1  }
0x2: {  	[smem:$0x3F98] =	sst lr;
	_ =	strace $0xD0000000  }
0x3: {  	_ = 	snop  }
0x4: {  	_ = 	snop  }
0x5: {  	_ = 	snop  }
0x6: {  	_ = 	snop  }
0x7: {  	_ = 	snop  }
__scs_overlays_trampoline_lowered:
0x8: {  	[smem:$0x3FA7] =	sst s0  }
0x9: {  	[smem:$0x3FA8] =	sst s1  }
0xa: {  	[smem:$0x3FA9] =	sst s2  }
0xb: {  	[smem:$0x3FAA] =	sst s3  }
0xc: {  	[smem:$0x3FAB] =	sst s4  }
0xd: {  	[smem:$0x3FAC] =	sst s5  }
0xe: {  	[smem:$0x3FAD] =	sst s6  }
0xf: {  	[smem:$0x3FAE] =	sst s7  }
0x10: {  	[smem:$0x3FAF] =	sst s8  }
0x11: {  	[smem:$0x3FB0] =	sst s9;
	s0 =	simm.s32 @!p0 $0x0  }
0x12: {  	s1 =	sld [smem:$0x3F96];
	s0 =	simm.s32 @p0 $0x1  }
0x13: {  	[smem:$0x3FB1] =	sst s0;
	s0 =	simm.s32 @!p1 $0x0  }
0x14: {  	s2 =	sld [smem:$0x3F95];
	s0 =	simm.s32 @p1 $0x1  }
0x15: {  	[smem:$0x3FB2] =	sst s0;
	s0 =	simm.s32 @!p2 $0x0  }
0x16: {  	s3 =	sld [smem:$0x3FDB];
	s0 =	simm.s32 @p2 $0x1  }
0x17: {  	s4 =	simm.s32 $0x1BF5;
	[smem:$0x3FB4] =	sst s0  }
0x18: {  	s0 =	sld [smem:$0x3F97];
	_ =	swait.ge [sflag:s4], $0x0  }
0x19: {  	s7 =	sld [smem:$0x3F98]  }
0x1a: {  	s8 =	sadd.s32 $0xFFFFE003, lr  }
0x1b: {  	s9 =	sadd.s32 $0xFFFFFEF7, lr;
	s5 =	simm.s32 $0xFFFFFFFF;
	p2 =	slt.u32 s8, $0xFFFFF086  }
0x1c: {  	p1 =	slt.u32 s9, $0xF7A;
	s5 =	simm.s32 @!p2 $0x0  }
0x1d: {  	s5 =	simm.s32 @p1 $0x1;
	p0 =	seq.s32 s7, s2  }
0x1e: {  	s7 =	smul.u32 @!p0 $0xF7A, s2;
	p2 =	seq.s32 @!p0 s5, $0x0  }
0x1f: {  	s9 =	smul.u32 $0xF7A, s1;
	s8 =	simm.s32 @!p0 $0x1BF5;
	p2 =	por !p2, p0  }
0x20: {  	[sflag:s8] =	ssyncset.s32 @!p0 $0xFFFFF086;
	s6 =	sadd.s32 @!p0 s3, s7;
	s7 =	simm.s32 @!p0 $0x108  }
0x21: {  	s3 =	sadd.s32 s3, s9;
	s6 =	sadd.s32 @!p0 $0x88, s6;
	s7 =	simm.s32 @p2 $0x1082  }
0x22: {  	[simem:s7], [sflag:s8] =	dma.local @!p0 [hbm:s6], $0xF7A  }
0x23: {  	s9 =	sor.u32 $0xD0000000, s2;
	s6 =	simm.s32 $0x108;
	_ =	swait.ge @!p0 [sflag:s8], $0x0  }
0x24: {  	s3 =	sadd.s32 $0x88, s3;
	s6 =	simm.s32 @!p1 $0x1082;
	[sflag:s4] =	ssyncset.s32 $0xFFFFF086  }
0x25: {  	[simem:s6], [sflag:s4] =	dma.local [hbm:s3], $0xF7A  }
0x26: {  	[smem:$0x3F98] =	sst s1;
	(tag) =	ssettag s2;
	_ =	strace s9  }
0x27: {  	s1 =	sld [smem:$0x3FA8]  }
0x28: {  	s2 =	sld [smem:$0x3FA9]  }
0x29: {  	s4 =	sld [smem:$0x3FAB]  }
0x2a: {  	p0 =	seq.s32 s5, $0x0;
	s5 =	sld [smem:$0x3FAC]  }
0x2b: {  	s6 =	sld [smem:$0x3FAD]  }
0x2c: {  	s7 =	sld [smem:$0x3FAE]  }
0x2d: {  	s3 =	simm.s32 $0x108;
	s8 =	sld [smem:$0x3FAF]  }
0x2e: {  	s3 =	simm.s32 @!p0 $0x1082;
	s9 =	sld [smem:$0x3FB0]  }
0x2f: {  	lr =	sadd.s32 s0, s3;
	s0 =	sld [smem:$0x3FA7]  }
0x30: {  	s3 =	sld [smem:$0x3FAA]  }
0x31: {  	[smem:$0x3FB3] =	sst s10  }
0x32: {  	s10 =	sld [smem:$0x3FB1];
	_ =	sdelay $0x3  }
0x33: {  	p0 =	seq.s32 s10, $0x1;
	s10 =	sld [smem:$0x3FB3];
	_ =	sdelay $0x3  }
0x34: {  	[smem:$0x3FB3] =	sst s10  }
0x35: {  	s10 =	sld [smem:$0x3FB2];
	_ =	sdelay $0x3  }
0x36: {  	p1 =	seq.s32 s10, $0x1;
	s10 =	sld [smem:$0x3FB3];
	_ =	sdelay $0x3  }
0x37: {  	[smem:$0x3FB3] =	sst s10  }
0x38: {  	s10 =	sld [smem:$0x3FB4]  }
0x39: {  	_ = 	snop;
	(pc) =	sbr.ind lr, $3  }
0x3a: {  	_ = 	snop  }
0x3b: {  	_ = 	snop  }
0x3c: {  	p2 =	seq.s32 s10, $0x1;
	s10 =	sld [smem:$0x3FB3]  }
0x3d: {  	_ =	shalt  }
0x3e: {  	_ =	shalt  }
0x3f: {  	_ =	shalt  }
0x40: {  	_ =	shalt  }
0x41: {  	_ =	shalt  }
0x42: {  	_ =	shalt  }
0x43: {  	_ =	shalt  }
0x44: {  	_ =	shalt  }
0x45: {  	_ =	shalt  }
0x46: {  	_ =	shalt  }
0x47: {  	_ =	shalt  }
0x48: {  	_ =	shalt  }
0x49: {  	_ =	shalt  }
0x4a: {  	_ =	shalt  }
0x4b: {  	_ =	shalt  }
0x4c: {  	_ =	shalt  }
0x4d: {  	_ =	shalt  }
0x4e: {  	_ =	shalt  }
0x4f: {  	_ =	shalt  }
0x50: {  	_ =	shalt  }
0x51: {  	_ =	shalt  }
0x52: {  	_ =	shalt  }
0x53: {  	_ =	shalt  }
0x54: {  	_ =	shalt  }
0x55: {  	_ =	shalt  }
0x56: {  	_ =	shalt  }
0x57: {  	_ =	shalt  }
0x58: {  	_ =	shalt  }
0x59: {  	_ =	shalt  }
0x5a: {  	_ =	shalt  }
0x5b: {  	_ =	shalt  }
0x5c: {  	_ =	shalt  }
0x5d: {  	_ =	shalt  }
0x5e: {  	_ =	shalt  }
0x5f: {  	_ =	shalt  }
0x60: {  	_ =	shalt  }
0x61: {  	_ =	shalt  }
0x62: {  	_ =	shalt  }
0x63: {  	_ =	shalt  }
0x64: {  	_ =	shalt  }
0x65: {  	_ =	shalt  }
0x66: {  	_ =	shalt  }
0x67: {  	_ =	shalt  }
0x68: {  	_ =	shalt  }
0x69: {  	_ =	shalt  }
0x6a: {  	_ =	shalt  }
0x6b: {  	_ =	shalt  }
0x6c: {  	_ =	shalt  }
0x6d: {  	_ =	shalt  }
0x6e: {  	_ =	shalt  }
0x6f: {  	_ =	shalt  }
0x70: {  	_ =	shalt  }
0x71: {  	_ =	shalt  }
0x72: {  	_ =	shalt  }
0x73: {  	_ =	shalt  }
0x74: {  	_ =	shalt  }
0x75: {  	_ =	shalt  }
0x76: {  	_ =	shalt  }
0x77: {  	_ =	shalt  }
0x78: {  	_ =	shalt  }
0x79: {  	_ =	shalt  }
0x7a: {  	_ =	shalt  }
0x7b: {  	_ =	shalt  }
0x7c: {  	_ =	shalt  }
0x7d: {  	_ =	shalt  }
0x7e: {  	_ =	shalt  }
0x7f: {  	_ =	shalt  }
0x80: {  	_ =	shalt  }
0x81: {  	_ =	shalt  }
0x82: {  	_ =	shalt  }
0x83: {  	_ =	shalt  }
0x84: {  	_ =	shalt  }
0x85: {  	_ =	shalt  }
0x86: {  	_ =	shalt  }
0x87: {  	_ =	shalt  }
.Lfunc_end0:
.L_simem_size_0:
called_computation.1_lowered:
.L_overlay_start_0:
0x88: {  	s2 =	sld [smem:$0x3FD9]  }
0x89: {  	s3 =	sld [smem:$0x3FFE];
	_ =	sdelay $0x1  }
0x8a: {  	s1 =	srdreg.scid  }
0x8b: {  	s0 =	sand.u32 $0x1, s1  }
0x8c: {  	s16 =	sshll.u32 s0, $0xA;
	s2 =	sadd.s32 s3, s2  }
0x8d: {  	s2 =	sadd.s32 s2, s16  }
0x8e: {  	[smem:$0x3FBF] =	sst s2  }
0x8f: {  	_ = 	snop  }
0x90: {  	(tm) =	ssettm $0x1  }
0x91: {  	s17 =	sld [smem:$0x3FFB];
	_ =	sdelay $0x3  }
0x92: {  	_ =	strace s17  }
0x93: {  	s2 =	sld [smem:$0x3FFC];
	_ =	sdelay $0x3  }
0x94: {  	_ =	strace s2  }
0x95: {  	s2 =	sld [smem:$0x3FFD];
	_ =	sdelay $0x3  }
0x96: {  	_ =	strace s2  }
0x97: {  	_ =	strace $0x8FFFFFFF  }
0x98: {  	s18 =	sld [smem:$0x3FDB];
	_ =	sdelay $0x1  }
0x99: {  	s19 =	simm.s32 $_scs_section_size  }
0x9a: {  	s4 =	simm.s32 $_size__tile_overlayer_lowered;
	s5 =	simm.s32 $_tile_overlayer_lowered  }
0x9b: {  	s22 =	simm.s32 $0x1BFF;
	s21 =	sshll.u32 s5, $0x1;
	s2 =	sadd.s32 s19, s18  }
0x9c: {  	s6 =	simm.s32 $0x0;
	s20 =	sshll.u32 s4, $0x1;
	s4 =	sadd.s32 s21, s2  }
0x9d: {  	[timem:s6], [sflag:s22] =	dma.local [hbm:s4], s20  }
0x9e: {  	_ =	swait.ge [sflag:s22], s20  }
0x9f: {  	s3 =	ssub.s32 $0x0, s20;
	[sflag:s22] =	ssyncset.done $0x0  }
0xa0: {  	[sflag:s22] =	ssyncadd.s32 s3;
	_ =	sdelay $0x1  }
0xa1: {  	s23 =	simm.s32 $0x1B8B  }
0xa2: {  	_ =	swait.ge [sflag:s23], $0x1  }
0xa3: {  	[sflag:s23] =	ssyncset.done $0x0  }
0xa4: {  	s25 =	simm.s32 $0x1B8E;
	s24 =	sld [smem:$0x3FFE];
	[sflag:s23] =	ssyncadd.s32 $0xFFFFFFFF  }
0xa5: {  	s26 =	simm.s32 $execute0_lowered;
	[smem:$0x3FD2] =	sst s25  }
0xa6: {  	s4 =	sshll.u32 s26, $0x1;
	_ =	strace $0x80000049;
	[dreg:$0x1] =	wrdreg $0xFFFFFFFF  }
0xa7: {  	s28 =	simm.s32 $_size_execute0_lowered;
	s2 =	sadd.s32 s2, s4;
	[dreg:$0x0] =	wrdreg $0x0  }
0xa8: {  	s4 =	sshll.u32 s28, $0x1;
	[dreg:$0x2] =	wrdreg s2  }
0xa9: {  	[dreg:$0x3] =	wrdreg s4  }
0xaa: {  	[dreg:$0x4] =	wrdreg $0xC0  }
0xab: {  	_ =	task [dreg:s6], $0x5FFFF  }
0xac: {  	[dreg:$0x1] =	wrdreg $0xFFFFFFFF  }
0xad: {  	[dreg:$0x0] =	wrdreg $0x60  }
0xae: {  	[dreg:$0x2] =	wrdreg s24  }
0xaf: {  	[dreg:$0x3] =	wrdreg $0x9  }
0xb0: {  	_ =	task.clear_ibuf [dreg:s6], $0x4FFFF;
	_ =	strace $0x90000049  }
0xb1: {  	s29 =	simm.s32 $0x9;
	_ =	strace $0x8000004B  }
0xb2: {  	_ =	swait.ge [sflag:s29], $0x1  }
0xb3: {  	[sflag:s29] =	ssyncadd.s32 $0xFFFFFFFF  }
0xb4: {  	_ =	strace $0x9000004B  }
0xb5: {  	_ =	sfence  }
0xb6: {  	s30 =	sld [smem:$0x0];
	_ =	sdelay $0x2  }
0xb7: {  	s31 =	sshll.u32 s1, $0xD;
	s1 =	sshrl.u32 s1, $0x2  }
0xb8: {  	s3 =	sand.u32 $0x4000, s31;
	s1 =	sadd.s32 s1, s30  }
0xb9: {  	s0 =	sor.u32 s3, s0;
	s1 =	sshll.u32 s1, $0x11  }
0xba: {  	s0 =	sor.u32 s1, s0  }
0xbb: {  	s0 =	sadd.s32 $0x8F2B, s0  }
0xbc: {  	[sflag:s0] =	ssyncadd.remote.s32 $0x1  }
0xbd: {  	_ =	sfence.sel $0xFFFF  }
0xbe: {  	[dreg:$0x0] =	wrdreg $0xFFFFFFFF;
	(pc) =	sbr.abs _section_cstart, $3  }
0xbf: {  	[dreg:$0x1] =	wrdreg $0xFFFFFFFF  }
0xc0: {  	_ =	task.clear_ibuf [dreg:s6], $0x2FFFF;
	_ =	strace $0x9FFFFFFF  }
0xc1: {  	(tm) =	ssettm $0x7FFFFFFF  }
tec
execute0_lowered:
.L_overlay_start_1:
0x0: {  	(tag) =	ssettag $0x1  }
0x1: {  	s0 =	srdreg.scid;
	s3 =	stileid.u32  }
0x2: {  	s0 =	sand.u32 $0x1, s0;
	s1 =	smul.u32 $0x6800, s3  }
0x3: {  	s2 =	smul.u32 $0x3400, s0;
	_ =	sdelay $0x1  }
0x4: {  	s4 =	rddreg [dreg:$0x0];
	s1 =	sadd.s32 s2, s1;
	s2 =	simm.s32 $0x0  }
0x5: {  	s21 =	simm.s32 $0x1500;
	[smem:$0x7FF] =	sst s2  }
0x6: {  	s22 =	simm.s32 $0x100;
	_ =	strace $0x8000004A;
	[dreg:$0x3] =	wrdreg s21  }
0x7: {  	s23 =	simm.s32 $0x1D00;
	[dreg:$0x4] =	wrdreg s22  }
0x8: {  	s24 =	simm.s32 $0x180;
	[dreg:$0x5] =	wrdreg s23  }
0x9: {  	s25 =	simm.s32 $0x2500;
	[dreg:$0x6] =	wrdreg s24  }
0xa: {  	s26 =	simm.s32 $0x200;
	[dreg:$0x7] =	wrdreg s25  }
0xb: {  	s31 =	simm.s32 $0x2D00;
	[dreg:$0x8] =	wrdreg s26  }
0xc: {  	s5 =	simm.s32 $0x280;
	[dreg:$0x9] =	wrdreg s31  }
0xd: {  	s6 =	simm.s32 $0x3500;
	[dreg:$0xa] =	wrdreg s5  }
0xe: {  	s7 =	simm.s32 $0x300;
	[dreg:$0xb] =	wrdreg s6  }
0xf: {  	s8 =	simm.s32 $0x3D00;
	[dreg:$0xc] =	wrdreg s7  }
0x10: {  	s9 =	simm.s32 $0x380;
	[dreg:$0xd] =	wrdreg s8  }
0x11: {  	s10 =	simm.s32 $0x4500;
	[dreg:$0xe] =	wrdreg s9  }
0x12: {  	s11 =	simm.s32 $0x400;
	[dreg:$0xf] =	wrdreg s10  }
0x13: {  	s12 =	simm.s32 $0x4D00;
	s13 =	simm.s32 $0x480;
	[dreg:$0x10] =	wrdreg s11  }
0x14: {  	s14 =	simm.s32 $0x5500;
	s15 =	simm.s32 $0x500;
	[dreg:$0x11] =	wrdreg s12  }
0x15: {  	s16 =	simm.s32 $0x5D00;
	s17 =	simm.s32 $0x580;
	[dreg:$0x12] =	wrdreg s13  }
0x16: {  	s19 =	simm.s32 $0x6500;
	s20 =	simm.s32 $0x600;
	[dreg:$0x13] =	wrdreg s14  }
0x17: {  	s28 =	simm.s32 $0xC80;
	s29 =	simm.s32 $0xD500;
	[dreg:$0x14] =	wrdreg s15  }
0x18: {  	s30 =	simm.s32 $0x1;
	s18 =	ssub.s32 $0x2, s0;
	[dreg:$0x15] =	wrdreg s16  }
0x19: {  	s0 =	smul.u32 $0x6800, s0;
	s1 =	sshrl.u32 s1, $0x3;
	[dreg:$0x16] =	wrdreg s17  }
0x1a: {  	s1 =	sadd.s32 s1, s4;
	s5 =	smul.u32 $0xD000, s3;
	[dreg:$0x17] =	wrdreg s19  }
0x1b: {  	s3 =	sadd.s32 $0x1600, s4;
	s6 =	sshrl.u32 s18, $0x1;
	[dreg:$0x18] =	wrdreg s20  }
0x1c: {  	s21 =	simm.s32 $0x6D00;
	s22 =	simm.s32 $0x680;
	s23 =	simm.s32 $0x7500  }
0x1d: {  	s24 =	simm.s32 $0x700;
	s25 =	simm.s32 $0x7D00;
	s26 =	simm.s32 $0x780  }
0x1e: {  	s7 =	simm.s32 $0x80;
	s31 =	simm.s32 $0x8500;
	s8 =	simm.s32 $0xD00  }
0x1f: {  	s9 =	simm.s32 $0x800;
	s10 =	simm.s32 $0x8D00;
	[dreg:$0x19] =	wrdreg s21  }
0x20: {  	s11 =	simm.s32 $0x880;
	s12 =	simm.s32 $0x9500;
	[dreg:$0x1a] =	wrdreg s22  }
0x21: {  	s13 =	simm.s32 $0x900;
	s14 =	simm.s32 $0x9D00;
	[dreg:$0x1b] =	wrdreg s23  }
0x22: {  	s15 =	simm.s32 $0x980;
	s16 =	simm.s32 $0xA500;
	[dreg:$0x1c] =	wrdreg s24  }
0x23: {  	s17 =	simm.s32 $0xA00;
	s19 =	simm.s32 $0xA80;
	[dreg:$0x1d] =	wrdreg s25  }
0x24: {  	s20 =	simm.s32 $0xB500;
	s1 =	sadd.s32 $0x4F9400, s1;
	[dreg:$0x1e] =	wrdreg s26  }
0x25: {  	[dreg:$0x1f] =	wrdreg s31;
	s21 =	simm.s32 $0xB00;
	s22 =	simm.s32 $0xBD00  }
0x26: {  	s23 =	simm.s32 $0xB80;
	s24 =	simm.s32 $0xC500;
	s25 =	simm.s32 $0xC00  }
0x27: {  	s26 =	simm.s32 $0xCD00;
	s4 =	sadd.s32 s5, s4;
	s5 =	ssub.s32 s18, s6  }
0x28: {  	[dreg:$0x2] =	wrdreg s1;
	s5 =	smax.u32 s5, $0x1;
	s0 =	sadd.s32 s0, s4  }
0x29: {  	s6 =	simm.s32 $0x2;
	[smem:$0x7FC] =	sst s5;
	s0 =	sadd.s32 $0x506400, s0  }
0x2a: {  	s18 =	simm.s32 $0xAD00;
	s1 =	simm.s32 $0x0;
	[smem:$0x7FD] =	sst s0  }
.LBB2_1:
0x2b: {  	s0 =	rddreg [dreg:$0x2]  }
0x2c: {  	[smem:$0x7FB] =	sst s1;
	s0 =	sadd.s32 $0x0, s0  }
0x2d: {  	[tilespmem:s2], [sflag:$0x2] =	stream.linear.gather [hbm4b:s0+s2], $0xD00, $0x38;
	[tilespmem:$0xDD00] =	vst v63  }
0x2e: {  	_ =	swait.ge [sflag:s6], $0xD00  }
0x2f: {  	s0 =	rddreg [dreg:$0x4]  }
0x30: {  	[sflag:s6] =	ssyncset.done $0x0;
	s31 =	rddreg [dreg:$0x3]  }
0x31: {  	s4 =	rddreg [dreg:$0x5];
	[sflag:s6] =	ssyncadd.s32 $0xFFFFF300  }
0x32: {  	[tilespmem:s8], [sflag:$0x1] =	stream.indirect.gather [hbm4b:s3+s7], $0x10, s2, s7, $0xb8;
	[tilespmem:$0xDD00] =	vst v63  }
0x33: {  	s5 =	rddreg [dreg:$0x7]  }
0x34: {  	[tilespmem:s31], [sflag:$0x1] =	stream.indirect.gather [hbm4b:s3+s7], $0x10, s7, s7, $0xb8;
	[tilespmem:$0xDD00] =	vst v63  }
0x35: {  	s31 =	rddreg [dreg:$0x6]  }
0x36: {  	[tilespmem:s4], [sflag:$0x1] =	stream.indirect.gather [hbm4b:s3+s7], $0x10, s0, s7, $0xb8;
	[tilespmem:$0xDD00] =	vst v63  }
0x37: {  	s0 =	rddreg [dreg:$0x9]  }
0x38: {  	s4 =	rddreg [dreg:$0x8]  }
0x39: {  	[tilespmem:s5], [sflag:$0x1] =	stream.indirect.gather [hbm4b:s3+s7], $0x10, s31, s7, $0xb8;
	[tilespmem:$0xDD00] =	vst v63  }
0x3a: {  	s5 =	rddreg [dreg:$0xb]  }
0x3b: {  	s31 =	rddreg [dreg:$0xa]  }
0x3c: {  	[tilespmem:s0], [sflag:$0x1] =	stream.indirect.gather [hbm4b:s3+s7], $0x10, s4, s7, $0xb8;
	[tilespmem:$0xDD00] =	vst v63  }
0x3d: {  	s0 =	rddreg [dreg:$0xd]  }
0x3e: {  	s4 =	rddreg [dreg:$0xc]  }
0x3f: {  	[tilespmem:s5], [sflag:$0x1] =	stream.indirect.gather [hbm4b:s3+s7], $0x10, s31, s7, $0xb8;
	[tilespmem:$0xDD00] =	vst v63  }
0x40: {  	s5 =	rddreg [dreg:$0xf]  }
0x41: {  	s31 =	rddreg [dreg:$0xe]  }
0x42: {  	[tilespmem:s0], [sflag:$0x1] =	stream.indirect.gather [hbm4b:s3+s7], $0x10, s4, s7, $0xb8;
	[tilespmem:$0xDD00] =	vst v63  }
0x43: {  	s0 =	rddreg [dreg:$0x11]  }
0x44: {  	s4 =	rddreg [dreg:$0x10]  }
0x45: {  	[tilespmem:s5], [sflag:$0x1] =	stream.indirect.gather [hbm4b:s3+s7], $0x10, s31, s7, $0xb8;
	[tilespmem:$0xDD00] =	vst v63  }
0x46: {  	s5 =	rddreg [dreg:$0x13]  }
0x47: {  	s31 =	rddreg [dreg:$0x12]  }
0x48: {  	[tilespmem:s0], [sflag:$0x1] =	stream.indirect.gather [hbm4b:s3+s7], $0x10, s4, s7, $0xb8;
	[tilespmem:$0xDD00] =	vst v63  }
0x49: {  	s0 =	rddreg [dreg:$0x15]  }
0x4a: {  	s4 =	rddreg [dreg:$0x14]  }
0x4b: {  	[tilespmem:s5], [sflag:$0x1] =	stream.indirect.gather [hbm4b:s3+s7], $0x10, s31, s7, $0xb8;
	[tilespmem:$0xDD00] =	vst v63  }
0x4c: {  	s5 =	rddreg [dreg:$0x17]  }
0x4d: {  	s31 =	rddreg [dreg:$0x16]  }
0x4e: {  	[tilespmem:s0], [sflag:$0x1] =	stream.indirect.gather [hbm4b:s3+s7], $0x10, s4, s7, $0xb8;
	[tilespmem:$0xDD00] =	vst v63  }
0x4f: {  	s0 =	rddreg [dreg:$0x19]  }
0x50: {  	s4 =	rddreg [dreg:$0x18]  }
0x51: {  	[tilespmem:s5], [sflag:$0x1] =	stream.indirect.gather [hbm4b:s3+s7], $0x10, s31, s7, $0xb8;
	[tilespmem:$0xDD00] =	vst v63  }
0x52: {  	s5 =	rddreg [dreg:$0x1b]  }
0x53: {  	s31 =	rddreg [dreg:$0x1a]  }
0x54: {  	[tilespmem:s0], [sflag:$0x1] =	stream.indirect.gather [hbm4b:s3+s7], $0x10, s4, s7, $0xb8;
	[tilespmem:$0xDD00] =	vst v63  }
0x55: {  	s0 =	rddreg [dreg:$0x1d]  }
0x56: {  	s4 =	rddreg [dreg:$0x1c]  }
0x57: {  	[tilespmem:s5], [sflag:$0x1] =	stream.indirect.gather [hbm4b:s3+s7], $0x10, s31, s7, $0xb8;
	[tilespmem:$0xDD00] =	vst v63  }
0x58: {  	s5 =	rddreg [dreg:$0x1f]  }
0x59: {  	[tilespmem:s0], [sflag:$0x1] =	stream.indirect.gather [hbm4b:s3+s7], $0x10, s4, s7, $0xb8;
	[tilespmem:$0xDD00] =	vst v63  }
0x5a: {  	s31 =	rddreg [dreg:$0x1e]  }
0x5b: {  	[tilespmem:s5], [sflag:$0x1] =	stream.indirect.gather [hbm4b:s3+s7], $0x10, s31, s7, $0xb8;
	[tilespmem:$0xDD00] =	vst v63  }
0x5c: {  	_ = 	snop  }
0x5d: {  	[tilespmem:s10], [sflag:$0x1] =	stream.indirect.gather [hbm4b:s3+s7], $0x10, s9, s7, $0xb8;
	[tilespmem:$0xDD00] =	vst v63  }
0x5e: {  	_ = 	snop  }
0x5f: {  	[tilespmem:s12], [sflag:$0x1] =	stream.indirect.gather [hbm4b:s3+s7], $0x10, s11, s7, $0xb8;
	[tilespmem:$0xDD00] =	vst v63  }
0x60: {  	_ = 	snop  }
0x61: {  	[tilespmem:s14], [sflag:$0x1] =	stream.indirect.gather [hbm4b:s3+s7], $0x10, s13, s7, $0xb8;
	[tilespmem:$0xDD00] =	vst v63  }
0x62: {  	_ = 	snop  }
0x63: {  	[tilespmem:s16], [sflag:$0x1] =	stream.indirect.gather [hbm4b:s3+s7], $0x10, s15, s7, $0xb8;
	[tilespmem:$0xDD00] =	vst v63  }
0x64: {  	_ = 	snop  }
0x65: {  	[tilespmem:s18], [sflag:$0x1] =	stream.indirect.gather [hbm4b:s3+s7], $0x10, s17, s7, $0xb8;
	[tilespmem:$0xDD00] =	vst v63  }
0x66: {  	_ = 	snop  }
0x67: {  	[tilespmem:s20], [sflag:$0x1] =	stream.indirect.gather [hbm4b:s3+s7], $0x10, s19, s7, $0xb8;
	[tilespmem:$0xDD00] =	vst v63  }
0x68: {  	_ = 	snop  }
0x69: {  	[tilespmem:s22], [sflag:$0x1] =	stream.indirect.gather [hbm4b:s3+s7], $0x10, s21, s7, $0xb8;
	[tilespmem:$0xDD00] =	vst v63  }
0x6a: {  	_ = 	snop  }
0x6b: {  	[tilespmem:s24], [sflag:$0x1] =	stream.indirect.gather [hbm4b:s3+s7], $0x10, s23, s7, $0xb8;
	[tilespmem:$0xDD00] =	vst v63  }
0x6c: {  	_ = 	snop  }
0x6d: {  	[tilespmem:s26], [sflag:$0x1] =	stream.indirect.gather [hbm4b:s3+s7], $0x10, s25, s7, $0xb8;
	[tilespmem:$0xDD00] =	vst v63  }
0x6e: {  	_ = 	snop  }
0x6f: {  	[tilespmem:s29], [sflag:$0x1] =	stream.indirect.gather [hbm4b:s3+s7], $0x10, s28, s7, $0xb8;
	[tilespmem:$0xDD00] =	vst v63  }
0x70: {  	_ =	swait.ge [sflag:s30], $0x800  }
0x71: {  	[sflag:s30] =	ssyncset.done $0x0  }
0x72: {  	[sflag:s30] =	ssyncadd.s32 $0xFFFFF800  }
0x73: {  	_ =	swait.ge [sflag:s30], $0x800  }
0x74: {  	[sflag:s30] =	ssyncset.done $0x0  }
0x75: {  	[sflag:s30] =	ssyncadd.s32 $0xFFFFF800  }
0x76: {  	_ =	swait.ge [sflag:s30], $0x800  }
0x77: {  	[sflag:s30] =	ssyncset.done $0x0  }
0x78: {  	[sflag:s30] =	ssyncadd.s32 $0xFFFFF800  }
0x79: {  	_ =	swait.ge [sflag:s30], $0x800  }
0x7a: {  	[sflag:s30] =	ssyncset.done $0x0  }
0x7b: {  	[sflag:s30] =	ssyncadd.s32 $0xFFFFF800  }
0x7c: {  	_ =	swait.ge [sflag:s30], $0x800  }
0x7d: {  	[sflag:s30] =	ssyncset.done $0x0  }
0x7e: {  	[sflag:s30] =	ssyncadd.s32 $0xFFFFF800  }
0x7f: {  	_ =	swait.ge [sflag:s30], $0x800  }
0x80: {  	[sflag:s30] =	ssyncset.done $0x0  }
0x81: {  	[sflag:s30] =	ssyncadd.s32 $0xFFFFF800  }
0x82: {  	_ =	swait.ge [sflag:s30], $0x800  }
0x83: {  	[sflag:s30] =	ssyncset.done $0x0  }
0x84: {  	[sflag:s30] =	ssyncadd.s32 $0xFFFFF800  }
0x85: {  	_ =	swait.ge [sflag:s30], $0x800  }
0x86: {  	[sflag:s30] =	ssyncset.done $0x0  }
0x87: {  	[sflag:s30] =	ssyncadd.s32 $0xFFFFF800  }
0x88: {  	_ =	swait.ge [sflag:s30], $0x800  }
0x89: {  	[sflag:s30] =	ssyncset.done $0x0  }
0x8a: {  	[sflag:s30] =	ssyncadd.s32 $0xFFFFF800  }
0x8b: {  	_ =	swait.ge [sflag:s30], $0x800  }
0x8c: {  	[sflag:s30] =	ssyncset.done $0x0  }
0x8d: {  	[sflag:s30] =	ssyncadd.s32 $0xFFFFF800  }
0x8e: {  	_ =	swait.ge [sflag:s30], $0x800  }
0x8f: {  	[sflag:s30] =	ssyncset.done $0x0  }
0x90: {  	[sflag:s30] =	ssyncadd.s32 $0xFFFFF800  }
0x91: {  	_ =	swait.ge [sflag:s30], $0x800  }
0x92: {  	[sflag:s30] =	ssyncset.done $0x0  }
0x93: {  	[sflag:s30] =	ssyncadd.s32 $0xFFFFF800  }
0x94: {  	_ =	swait.ge [sflag:s30], $0x800  }
0x95: {  	[sflag:s30] =	ssyncset.done $0x0  }
0x96: {  	[sflag:s30] =	ssyncadd.s32 $0xFFFFF800  }
0x97: {  	_ =	swait.ge [sflag:s30], $0x800  }
0x98: {  	[sflag:s30] =	ssyncset.done $0x0  }
0x99: {  	[sflag:s30] =	ssyncadd.s32 $0xFFFFF800  }
0x9a: {  	_ =	swait.ge [sflag:s30], $0x800  }
0x9b: {  	[sflag:s30] =	ssyncset.done $0x0  }
0x9c: {  	[sflag:s30] =	ssyncadd.s32 $0xFFFFF800  }
0x9d: {  	_ =	swait.ge [sflag:s30], $0x800  }
0x9e: {  	[sflag:s30] =	ssyncset.done $0x0  }
0x9f: {  	[sflag:s30] =	ssyncadd.s32 $0xFFFFF800  }
0xa0: {  	_ =	swait.ge [sflag:s30], $0x800  }
0xa1: {  	[sflag:s30] =	ssyncset.done $0x0  }
0xa2: {  	[sflag:s30] =	ssyncadd.s32 $0xFFFFF800  }
0xa3: {  	_ =	swait.ge [sflag:s30], $0x800  }
0xa4: {  	[sflag:s30] =	ssyncset.done $0x0  }
0xa5: {  	[sflag:s30] =	ssyncadd.s32 $0xFFFFF800  }
0xa6: {  	_ =	swait.ge [sflag:s30], $0x800  }
0xa7: {  	[sflag:s30] =	ssyncset.done $0x0  }
0xa8: {  	[sflag:s30] =	ssyncadd.s32 $0xFFFFF800  }
0xa9: {  	_ =	swait.ge [sflag:s30], $0x800  }
0xaa: {  	[sflag:s30] =	ssyncset.done $0x0  }
0xab: {  	[sflag:s30] =	ssyncadd.s32 $0xFFFFF800  }
0xac: {  	_ =	swait.ge [sflag:s30], $0x800  }
0xad: {  	[sflag:s30] =	ssyncset.done $0x0  }
0xae: {  	[sflag:s30] =	ssyncadd.s32 $0xFFFFF800  }
0xaf: {  	_ =	swait.ge [sflag:s30], $0x800  }
0xb0: {  	[sflag:s30] =	ssyncset.done $0x0  }
0xb1: {  	[sflag:s30] =	ssyncadd.s32 $0xFFFFF800  }
0xb2: {  	_ =	swait.ge [sflag:s30], $0x800  }
0xb3: {  	s5 =	sld [smem:$0x7FD];
	_ =	sdelay $0x2  }
0xb4: {  	s0 =	simm.s32 $0x1A0;
	[sflag:s30] =	ssyncset.done $0x0;
	s1 =	smov.u32 s5  }
.LBB2_2:
0xb5: {  	[sflag:s30] =	ssyncadd.s32 $0xFFFFF800  }
0xb6: {  	_ =	swait.ge [sflag:s30], $0x800  }
0xb7: {  	[sflag:s30] =	ssyncset.done $0x0  }
0xb8: {  	[sflag:s30] =	ssyncadd.s32 $0xFFFFF800  }
0xb9: {  	_ =	swait.ge [sflag:s30], $0x800  }
0xba: {  	[sflag:s30] =	ssyncset.done $0x0  }
0xbb: {  	[sflag:s30] =	ssyncadd.s32 $0xFFFFF800  }
0xbc: {  	_ =	swait.ge [sflag:s30], $0x800  }
0xbd: {  	[sflag:s30] =	ssyncset.done $0x0  }
0xbe: {  	[sflag:s30] =	ssyncadd.s32 $0xFFFFF800  }
0xbf: {  	[hbm4b:s5+s2] =	stream.linear.scatter [tilespmem:s8], [sflag:$0x2], $0xD000, $0x38;
	[tilespmem:$0xDD00] =	vst v63  }
0xc0: {  	_ =	swait.ge [sflag:s6], $0xD000  }
0xc1: {  	s4 =	smov.u32 s0;
	s9 =	rddreg [dreg:$0x2];
	[sflag:s6] =	ssyncset.done $0x0  }
0xc2: {  	[sflag:s6] =	ssyncadd.s32 $0xFFFF3000;
	s4 =	sadd.s32 s4, s9  }
0xc3: {  	[tilespmem:s2], [sflag:$0x2] =	stream.linear.gather [hbm4b:s4+s2], $0xD00, $0x38;
	[tilespmem:$0xDD00] =	vst v63  }
0xc4: {  	_ =	swait.ge [sflag:s6], $0xD00  }
0xc5: {  	s4 =	rddreg [dreg:$0x1f]  }
0xc6: {  	s31 =	rddreg [dreg:$0x1d]  }
0xc7: {  	s9 =	rddreg [dreg:$0x1b]  }
0xc8: {  	s10 =	rddreg [dreg:$0x19]  }
0xc9: {  	s11 =	rddreg [dreg:$0x17]  }
0xca: {  	s12 =	rddreg [dreg:$0x15]  }
0xcb: {  	s13 =	rddreg [dreg:$0x13]  }
0xcc: {  	s14 =	rddreg [dreg:$0x11]  }
0xcd: {  	s15 =	rddreg [dreg:$0xf]  }
0xce: {  	s16 =	rddreg [dreg:$0xd]  }
0xcf: {  	s17 =	rddreg [dreg:$0xb]  }
0xd0: {  	s18 =	rddreg [dreg:$0x9]  }
0xd1: {  	[sflag:s6] =	ssyncset.done $0x0;
	s19 =	rddreg [dreg:$0x4]  }
0xd2: {  	s20 =	rddreg [dreg:$0x3];
	[sflag:s6] =	ssyncadd.s32 $0xFFFFF300  }
0xd3: {  	[tilespmem:s8], [sflag:$0x1] =	stream.indirect.gather [hbm4b:s3+s7], $0x10, s2, s7, $0xb8;
	[tilespmem:$0xDD00] =	vst v63  }
0xd4: {  	s21 =	rddreg [dreg:$0x5]  }
0xd5: {  	[tilespmem:s20], [sflag:$0x1] =	stream.indirect.gather [hbm4b:s3+s7], $0x10, s7, s7, $0xb8;
	[tilespmem:$0xDD00] =	vst v63  }
0xd6: {  	s22 =	rddreg [dreg:$0x7]  }
0xd7: {  	[tilespmem:s21], [sflag:$0x1] =	stream.indirect.gather [hbm4b:s3+s7], $0x10, s19, s7, $0xb8;
	[tilespmem:$0xDD00] =	vst v63  }
0xd8: {  	s20 =	rddreg [dreg:$0x6]  }
0xd9: {  	[tilespmem:s22], [sflag:$0x1] =	stream.indirect.gather [hbm4b:s3+s7], $0x10, s20, s7, $0xb8;
	[tilespmem:$0xDD00] =	vst v63  }
0xda: {  	s19 =	rddreg [dreg:$0x8]  }
0xdb: {  	[tilespmem:s18], [sflag:$0x1] =	stream.indirect.gather [hbm4b:s3+s7], $0x10, s19, s7, $0xb8;
	[tilespmem:$0xDD00] =	vst v63  }
0xdc: {  	s20 =	rddreg [dreg:$0xa]  }
0xdd: {  	[tilespmem:s17], [sflag:$0x1] =	stream.indirect.gather [hbm4b:s3+s7], $0x10, s20, s7, $0xb8;
	[tilespmem:$0xDD00] =	vst v63  }
0xde: {  	s18 =	rddreg [dreg:$0xc]  }
0xdf: {  	[tilespmem:s16], [sflag:$0x1] =	stream.indirect.gather [hbm4b:s3+s7], $0x10, s18, s7, $0xb8;
	[tilespmem:$0xDD00] =	vst v63  }
0xe0: {  	s17 =	rddreg [dreg:$0xe]  }
0xe1: {  	[tilespmem:s15], [sflag:$0x1] =	stream.indirect.gather [hbm4b:s3+s7], $0x10, s17, s7, $0xb8;
	[tilespmem:$0xDD00] =	vst v63  }
0xe2: {  	s16 =	rddreg [dreg:$0x10]  }
0xe3: {  	[tilespmem:s14], [sflag:$0x1] =	stream.indirect.gather [hbm4b:s3+s7], $0x10, s16, s7, $0xb8;
	[tilespmem:$0xDD00] =	vst v63  }
0xe4: {  	s15 =	rddreg [dreg:$0x12]  }
0xe5: {  	[tilespmem:s13], [sflag:$0x1] =	stream.indirect.gather [hbm4b:s3+s7], $0x10, s15, s7, $0xb8;
	[tilespmem:$0xDD00] =	vst v63  }
0xe6: {  	s14 =	rddreg [dreg:$0x14]  }
0xe7: {  	[tilespmem:s12], [sflag:$0x1] =	stream.indirect.gather [hbm4b:s3+s7], $0x10, s14, s7, $0xb8;
	[tilespmem:$0xDD00] =	vst v63  }
0xe8: {  	s13 =	rddreg [dreg:$0x16]  }
0xe9: {  	[tilespmem:s11], [sflag:$0x1] =	stream.indirect.gather [hbm4b:s3+s7], $0x10, s13, s7, $0xb8;
	[tilespmem:$0xDD00] =	vst v63  }
0xea: {  	s12 =	rddreg [dreg:$0x18]  }
0xeb: {  	[tilespmem:s10], [sflag:$0x1] =	stream.indirect.gather [hbm4b:s3+s7], $0x10, s12, s7, $0xb8;
	[tilespmem:$0xDD00] =	vst v63  }
0xec: {  	s11 =	rddreg [dreg:$0x1a]  }
0xed: {  	[tilespmem:s9], [sflag:$0x1] =	stream.indirect.gather [hbm4b:s3+s7], $0x10, s11, s7, $0xb8;
	[tilespmem:$0xDD00] =	vst v63  }
0xee: {  	s10 =	rddreg [dreg:$0x1c]  }
0xef: {  	[tilespmem:s31], [sflag:$0x1] =	stream.indirect.gather [hbm4b:s3+s7], $0x10, s10, s7, $0xb8;
	[tilespmem:$0xDD00] =	vst v63  }
0xf0: {  	s9 =	rddreg [dreg:$0x1e]  }
0xf1: {  	[tilespmem:s4], [sflag:$0x1] =	stream.indirect.gather [hbm4b:s3+s7], $0x10, s9, s7, $0xb8;
	[tilespmem:$0xDD00] =	vst v63  }
0xf2: {  	s10 =	simm.s32 $0x8D00;
	s9 =	simm.s32 $0x800  }
0xf3: {  	[tilespmem:s10], [sflag:$0x1] =	stream.indirect.gather [hbm4b:s3+s7], $0x10, s9, s7, $0xb8;
	[tilespmem:$0xDD00] =	vst v63  }
0xf4: {  	s12 =	simm.s32 $0x9500;
	s11 =	simm.s32 $0x880  }
0xf5: {  	[tilespmem:s12], [sflag:$0x1] =	stream.indirect.gather [hbm4b:s3+s7], $0x10, s11, s7, $0xb8;
	[tilespmem:$0xDD00] =	vst v63  }
0xf6: {  	s14 =	simm.s32 $0x9D00;
	s13 =	simm.s32 $0x900  }
0xf7: {  	[tilespmem:s14], [sflag:$0x1] =	stream.indirect.gather [hbm4b:s3+s7], $0x10, s13, s7, $0xb8;
	[tilespmem:$0xDD00] =	vst v63  }
0xf8: {  	s16 =	simm.s32 $0xA500;
	s15 =	simm.s32 $0x980  }
0xf9: {  	[tilespmem:s16], [sflag:$0x1] =	stream.indirect.gather [hbm4b:s3+s7], $0x10, s15, s7, $0xb8;
	[tilespmem:$0xDD00] =	vst v63  }
0xfa: {  	s18 =	simm.s32 $0xAD00;
	s17 =	simm.s32 $0xA00  }
0xfb: {  	[tilespmem:s18], [sflag:$0x1] =	stream.indirect.gather [hbm4b:s3+s7], $0x10, s17, s7, $0xb8;
	[tilespmem:$0xDD00] =	vst v63  }
0xfc: {  	s19 =	simm.s32 $0xA80;
	s20 =	simm.s32 $0xB500  }
0xfd: {  	[tilespmem:s20], [sflag:$0x1] =	stream.indirect.gather [hbm4b:s3+s7], $0x10, s19, s7, $0xb8;
	[tilespmem:$0xDD00] =	vst v63  }
0xfe: {  	s21 =	simm.s32 $0xB00;
	s22 =	simm.s32 $0xBD00  }
0xff: {  	[tilespmem:s22], [sflag:$0x1] =	stream.indirect.gather [hbm4b:s3+s7], $0x10, s21, s7, $0xb8;
	[tilespmem:$0xDD00] =	vst v63  }
0x100: {  	_ = 	snop  }
0x101: {  	[tilespmem:s24], [sflag:$0x1] =	stream.indirect.gather [hbm4b:s3+s7], $0x10, s23, s7, $0xb8;
	[tilespmem:$0xDD00] =	vst v63  }
0x102: {  	_ = 	snop  }
0x103: {  	[tilespmem:s26], [sflag:$0x1] =	stream.indirect.gather [hbm4b:s3+s7], $0x10, s25, s7, $0xb8;
	[tilespmem:$0xDD00] =	vst v63  }
0x104: {  	_ = 	snop  }
0x105: {  	[tilespmem:s29], [sflag:$0x1] =	stream.indirect.gather [hbm4b:s3+s7], $0x10, s28, s7, $0xb8;
	[tilespmem:$0xDD00] =	vst v63  }
0x106: {  	_ =	swait.ge [sflag:s30], $0x800  }
0x107: {  	[sflag:s30] =	ssyncset.done $0x0  }
0x108: {  	[sflag:s30] =	ssyncadd.s32 $0xFFFFF800  }
0x109: {  	_ =	swait.ge [sflag:s30], $0x800  }
0x10a: {  	[sflag:s30] =	ssyncset.done $0x0  }
0x10b: {  	[sflag:s30] =	ssyncadd.s32 $0xFFFFF800  }
0x10c: {  	_ =	swait.ge [sflag:s30], $0x800  }
0x10d: {  	[sflag:s30] =	ssyncset.done $0x0  }
0x10e: {  	[sflag:s30] =	ssyncadd.s32 $0xFFFFF800  }
0x10f: {  	_ =	swait.ge [sflag:s30], $0x800  }
0x110: {  	[sflag:s30] =	ssyncset.done $0x0  }
0x111: {  	[sflag:s30] =	ssyncadd.s32 $0xFFFFF800  }
0x112: {  	_ =	swait.ge [sflag:s30], $0x800  }
0x113: {  	[sflag:s30] =	ssyncset.done $0x0  }
0x114: {  	[sflag:s30] =	ssyncadd.s32 $0xFFFFF800  }
0x115: {  	_ =	swait.ge [sflag:s30], $0x800  }
0x116: {  	[sflag:s30] =	ssyncset.done $0x0  }
0x117: {  	[sflag:s30] =	ssyncadd.s32 $0xFFFFF800  }
0x118: {  	_ =	swait.ge [sflag:s30], $0x800  }
0x119: {  	[sflag:s30] =	ssyncset.done $0x0  }
0x11a: {  	[sflag:s30] =	ssyncadd.s32 $0xFFFFF800  }
0x11b: {  	_ =	swait.ge [sflag:s30], $0x800  }
0x11c: {  	[sflag:s30] =	ssyncset.done $0x0  }
0x11d: {  	[sflag:s30] =	ssyncadd.s32 $0xFFFFF800  }
0x11e: {  	_ =	swait.ge [sflag:s30], $0x800  }
0x11f: {  	[sflag:s30] =	ssyncset.done $0x0  }
0x120: {  	[sflag:s30] =	ssyncadd.s32 $0xFFFFF800  }
0x121: {  	_ =	swait.ge [sflag:s30], $0x800  }
0x122: {  	[sflag:s30] =	ssyncset.done $0x0  }
0x123: {  	[sflag:s30] =	ssyncadd.s32 $0xFFFFF800  }
0x124: {  	_ =	swait.ge [sflag:s30], $0x800  }
0x125: {  	[sflag:s30] =	ssyncset.done $0x0  }
0x126: {  	[sflag:s30] =	ssyncadd.s32 $0xFFFFF800  }
0x127: {  	_ =	swait.ge [sflag:s30], $0x800  }
0x128: {  	[sflag:s30] =	ssyncset.done $0x0  }
0x129: {  	[sflag:s30] =	ssyncadd.s32 $0xFFFFF800  }
0x12a: {  	_ =	swait.ge [sflag:s30], $0x800  }
0x12b: {  	[sflag:s30] =	ssyncset.done $0x0  }
0x12c: {  	[sflag:s30] =	ssyncadd.s32 $0xFFFFF800  }
0x12d: {  	_ =	swait.ge [sflag:s30], $0x800  }
0x12e: {  	[sflag:s30] =	ssyncset.done $0x0  }
0x12f: {  	[sflag:s30] =	ssyncadd.s32 $0xFFFFF800  }
0x130: {  	_ =	swait.ge [sflag:s30], $0x800  }
0x131: {  	[sflag:s30] =	ssyncset.done $0x0  }
0x132: {  	[sflag:s30] =	ssyncadd.s32 $0xFFFFF800  }
0x133: {  	_ =	swait.ge [sflag:s30], $0x800  }
0x134: {  	[sflag:s30] =	ssyncset.done $0x0  }
0x135: {  	[sflag:s30] =	ssyncadd.s32 $0xFFFFF800  }
0x136: {  	_ =	swait.ge [sflag:s30], $0x800  }
0x137: {  	[sflag:s30] =	ssyncset.done $0x0  }
0x138: {  	[sflag:s30] =	ssyncadd.s32 $0xFFFFF800  }
0x139: {  	_ =	swait.ge [sflag:s30], $0x800  }
0x13a: {  	[sflag:s30] =	ssyncset.done $0x0  }
0x13b: {  	[sflag:s30] =	ssyncadd.s32 $0xFFFFF800  }
0x13c: {  	_ =	swait.ge [sflag:s30], $0x800  }
0x13d: {  	[sflag:s30] =	ssyncset.done $0x0  }
0x13e: {  	[sflag:s30] =	ssyncadd.s32 $0xFFFFF800  }
0x13f: {  	_ =	swait.ge [sflag:s30], $0x800  }
0x140: {  	[sflag:s30] =	ssyncset.done $0x0  }
0x141: {  	[sflag:s30] =	ssyncadd.s32 $0xFFFFF800  }
0x142: {  	_ =	swait.ge [sflag:s30], $0x800  }
0x143: {  	[sflag:s30] =	ssyncset.done $0x0  }
0x144: {  	p0 =	sne.s32 s0, $0x4E0;
	[sflag:s30] =	ssyncadd.s32 $0xFFFFF800  }
.Ltmp0:
0x145: {  	_ =	swait.ge [sflag:s30], $0x800;
	(pc) =	sbr.rel @p0 .LBB2_2-.Ltmp0, $4  }
0x146: {  	[sflag:s30] =	ssyncset.done $0x0  }
0x147: {  	[sflag:s30] =	ssyncadd.s32 $0xFFFFF800  }
0x148: {  	s1 =	sadd.s32 $0x1A00, s1;
	_ =	swait.ge [sflag:s30], $0x800  }
0x149: {  	s0 =	sadd.s32 $0x1A0, s0;
	s5 =	smov.u32 s1;
	[sflag:s30] =	ssyncset.done $0x0  }
0x14a: {  	[sflag:s30] =	ssyncadd.s32 $0xFFFFF800  }
0x14b: {  	_ =	swait.ge [sflag:s30], $0x800  }
0x14c: {  	[sflag:s30] =	ssyncset.done $0x0  }
0x14d: {  	[sflag:s30] =	ssyncadd.s32 $0xFFFFF800  }
0x14e: {  	_ =	swait.ge [sflag:s30], $0x800  }
0x14f: {  	[sflag:s30] =	ssyncset.done $0x0  }
0x150: {  	[sflag:s30] =	ssyncadd.s32 $0xFFFFF800  }
0x151: {  	_ =	swait.ge [sflag:s30], $0x800  }
0x152: {  	[sflag:s30] =	ssyncset.done $0x0  }
0x153: {  	[sflag:s30] =	ssyncadd.s32 $0xFFFFF800  }
0x154: {  	[hbm4b:s5+s2] =	stream.linear.scatter [tilespmem:s8], [sflag:$0x2], $0xD000, $0x38;
	[tilespmem:$0xDD00] =	vst v63  }
0x155: {  	_ =	swait.ge [sflag:s6], $0xD000  }
0x156: {  	s1 =	sld [smem:$0x7FB]  }
0x157: {  	s0 =	sld [smem:$0x7FC];
	_ =	sdelay $0x1  }
0x158: {  	s1 =	sadd.s32 $0x1, s1  }
0x159: {  	p0 =	sne.s32 s1, s0  }
.Ltmp1:
0x15a: {  	_ = 	snop;
	(pc) =	sbr.rel @p0 .LBB2_1-.Ltmp1, $3  }
0x15b: {  	_ =	sdelay $0x1  }
0x15c: {  	[sflag:s6] =	ssyncset.done $0x0  }
0x15d: {  	[sflag:s6] =	ssyncadd.s32 $0xFFFF3000  }
0x15e: {  	_ =	sfence.sel $0x180000  }
0x15f: {  	[bflag:$0x0] =	sbarrier.arrive $0xFFFF  }
0x160: {  	_ =	strace $0x9000004A  }
0x161: {  	s0 =	stileid.u32;
	[bflag:$0x2] =	sbarrier.arrive $0xFFFF  }
0x162: {  	p0 =	sne.s32 s0, $0x0;
	s0 =	rddreg [dreg:$0x1]  }
0x163: {  	s0 =	sadd.s32 @!p0 $0x100000, s0  }
0x164: {  	[sflag:s0] =	ssyncadd.tile.s32 @!p0 $0x1;
	_ =	shalt  }
.Lfunc_end2:
_tile_overlayer_lowered:
.L_overlay_start_2:
0x165: {  	(tag) =	ssettag $0x2  }
0x166: {  	s0 =	rddreg [dreg:$0x0];
	s2 =	stileid.u32  }
0x167: {  	s1 =	rddreg [dreg:$0x1];
	p0 =	sne.s32 s2, $0x0  }
0x168: {  	s3 =	rddreg [dreg:$0x2];
	[bflag:$0x3] =	sbarrier.arrive $0xFFFF;
	s2 =	simm.s32 @!p0 $0x1C02  }
0x169: {  	[timem:s3], [sflag:s2] =	dma.local @!p0 [hbm:s0], s1  }
0x16a: {  	s0 =	simm.s32 @!p0 $0x2  }
0x16b: {  	_ =	swait.ge @!p0 [sflag:s0], s1  }
0x16c: {  	s1 =	ssub.s32 @!p0 $0x0, s1;
	[sflag:s0] =	ssyncset.done @!p0 $0x0  }
0x16d: {  	[sflag:s0] =	ssyncadd.s32 @!p0 s1  }
0x16e: {  	[bflag:$0x3] =	sbarrier.arrive $0xFFFF  }
0x16f: {  	_ =	shalt  }

</sc_bundles>
